<compile_context>
chip_gen: v7x
topology: tpu7x:2x2x1
jax: 0.10.2.dev20260603
libtpu: 0.0.44.dev20260713+nightly
codegen_flags: <defaults>
</compile_context>

<pallas_src>
import functools

import jax
import jax.numpy as jnp
from jax import lax
from jax.experimental import pallas as pl
from jax.experimental.pallas import tpu as pltpu
from jax.experimental.pallas import tpu_sc as plsc


_LANES = 16


@functools.lru_cache(maxsize=None)
def _build_embed_kernel(B, L, V, D):
    info = plsc.get_sparse_core_info()
    NC, NS = info.num_cores, info.num_subcores
    NW = NC * NS
    assert L % NW == 0
    PPW = L // NW
    CH = PPW // 2
    NCHUNK = 2 * B
    assert D % _LANES == 0

    mesh = plsc.VectorSubcoreMesh(core_axis_name="c", subcore_axis_name="s")

    @functools.partial(
        pl.kernel,
        out_type=jax.ShapeDtypeStruct((B * L, D), jnp.float32),
        mesh=mesh,
        scratch_types=[
            pltpu.VMEM((B * PPW,), jnp.int32),
            [pltpu.VMEM((CH, D), jnp.float32) for _ in range(2)],
            [pltpu.VMEM((CH, D), jnp.float32) for _ in range(2)],
            pltpu.SemaphoreType.DMA,
            [pltpu.SemaphoreType.DMA for _ in range(2)],
            [pltpu.SemaphoreType.DMA for _ in range(2)],
            [pltpu.SemaphoreType.DMA for _ in range(2)],
        ],
    )
    def embed(tok_hbm, tab_hbm, pos_hbm, out_hbm,
              idx_v, pos_v, rows_v, isem, psem, gsem, osem):
        wid = lax.axis_index("s") * NC + lax.axis_index("c")
        l0 = wid * PPW

        idx_ds = [
            pltpu.async_copy(tok_hbm.at[bi, pl.ds(l0, PPW)],
                             idx_v.at[pl.ds(bi * PPW, PPW)], isem)
            for bi in range(B)
        ]
        pos_ds = [
            pltpu.async_copy(pos_hbm.at[pl.ds(l0 + s * CH, CH)], pos_v[s],
                             psem[s])
            for s in range(2)
        ]

        def start_gather(k, s):
            return pltpu.async_copy(
                tab_hbm.at[idx_v.at[pl.ds(k * CH, CH)]], rows_v[s], gsem[s])

        for d in idx_ds:
            d.wait()
        in_d = [start_gather(0, 0), None]
        for d in pos_ds:
            d.wait()

        def wait_out(s):
            pltpu.make_async_copy(
                rows_v[s], out_hbm.at[pl.ds(0, CH)], osem[s]).wait()

        def wait_gather(s):
            pltpu.make_async_copy(
                tab_hbm.at[idx_v.at[pl.ds(0, CH)]], rows_v[s],
                gsem[s]).wait()

        @pl.loop(0, NCHUNK, step=2)
        def _pair(c):
            for s in range(2):
                k = c + s
                n = s ^ 1

                @pl.when(k + 1 < NCHUNK)
                def _prefetch():
                    @pl.when(k >= 1)
                    def _drain():
                        wait_out(n)
                    start_gather(k + 1, n)

                wait_gather(s)

                @pl.loop(0, CH)
                def _row(r):
                    for j in range(D // _LANES):
                        sl = pl.ds(j * _LANES, _LANES)
                        rows_v[s][r, sl] = rows_v[s][r, sl] + pos_v[s][r, sl]

                pltpu.async_copy(
                    rows_v[s],
                    out_hbm.at[pl.ds((k // 2) * L + l0 + s * CH, CH)],
                    osem[s])

        wait_out(0)
        wait_out(1)

    return embed


def kernel(tokens, token_table, pos_table):
    B, L = tokens.shape
    V, D = token_table.shape
    embed = _build_embed_kernel(B, L, V, D)
    return embed(tokens, token_table, pos_table).reshape(B, L, D)

# --- scband reference (transcript-rebuilt; emitter-appended) ---
"""Pipeline reference for scband-transformer-embedding-6184752906397 (READ-ONLY COPY).

The authoritative reference and input builder live on the scoring server;
editing this copy changes nothing except your own understanding.
"""

import jax, jax.numpy as jnp
import numpy as np

VOCAB = 100000
CONTEXT = 2048
D = 768
B = 4
L = 2048

def setup_inputs(seed: int = 0) -> dict:
    key = jax.random.key(seed)
    k1, k2, k3 = jax.random.split(key, 3)
    tokens = jax.random.randint(k1, (B, L), 0, VOCAB, dtype=jnp.int64 if jax.config.jax_enable_x64 else jnp.int32).astype(jnp.int32)
    token_table = jax.random.normal(k2, (VOCAB, D), dtype=jnp.float32) * 0.02
    pos_table = jax.random.normal(k3, (CONTEXT, D), dtype=jnp.float32) * 0.02
    return {"tokens": tokens, "token_table": token_table, "pos_table": pos_table}

def reference(tokens, token_table, pos_table):
    # TokenEmbedding: gather rows of the vocab table
    tok_emb = jnp.take(token_table, tokens, axis=0)          # [B, L, D]
    # PositionalEncoding: lookup positions 0..L-1 from the context-length table
    seq_len = tokens.shape[1]
    positions = jnp.arange(seq_len)
    pos_emb = jnp.take(pos_table, positions, axis=0)         # [L, D]
    return tok_emb + pos_emb[None, :, :]

if __name__ == "__main__":
    import jax
    _d = setup_inputs()
    print(jax.jit(kernel)(*tuple(_d.values())))

</pallas_src>

<mosaic_0001>
#map = affine_map<(d0, d1) -> (0, 0)>
module attributes {stable_mosaic.version = 14 : i64} {
  func.func @embed(%arg0: i32, %arg1: i32, %arg2: memref<4x2048xi32, #tpu.memory_space<hbm>>, %arg3: memref<100000x768xf32, #tpu.memory_space<hbm>>, %arg4: memref<2048x768xf32, #tpu.memory_space<hbm>>, %arg5: memref<8192x768xf32, #tpu.memory_space<hbm>>, %arg6: memref<256xi32, #tpu.memory_space<vmem>>, %arg7: memref<32x768xf32, #tpu.memory_space<vmem>>, %arg8: memref<32x768xf32, #tpu.memory_space<vmem>>, %arg9: memref<32x768xf32, #tpu.memory_space<vmem>>, %arg10: memref<32x768xf32, #tpu.memory_space<vmem>>, %arg11: memref<!tpu.dma_semaphore, #tpu.memory_space<semaphore_mem>>, %arg12: memref<!tpu.dma_semaphore, #tpu.memory_space<semaphore_mem>>, %arg13: memref<!tpu.dma_semaphore, #tpu.memory_space<semaphore_mem>>, %arg14: memref<!tpu.dma_semaphore, #tpu.memory_space<semaphore_mem>>, %arg15: memref<!tpu.dma_semaphore, #tpu.memory_space<semaphore_mem>>, %arg16: memref<!tpu.dma_semaphore, #tpu.memory_space<semaphore_mem>>, %arg17: memref<!tpu.dma_semaphore, #tpu.memory_space<semaphore_mem>>) attributes {dimension_semantics = [#tpu.dimension_semantics<core_parallel>, #tpu.dimension_semantics<subcore_parallel>], iteration_bounds = array<i64: 2, 16>, scalar_prefetch = 0 : i64, scratch_operands = 12 : i64, tpu.core_type = #tpu.core_type<sc_vector_subcore>, window_params = [{transform_indices = #map}, {transform_indices = #map}, {transform_indices = #map}, {transform_indices = #map}]} {
    %mul3A = arith.constant 2 : i32
    %mul3A_0 = arith.muli %arg1, %mul3A : i32
    %add3A = arith.addi %mul3A_0, %arg0 : i32
    %mul3A_1 = arith.constant 64 : i32
    %mul3A_2 = arith.muli %add3A, %mul3A_1 : i32
    %dma_start3A = arith.constant 0 : i32
    %dma_start3A_3 = arith.constant 0 : i32
    %dma_start3A_4 = tpu.memref_slice %arg6[%dma_start3A_3] : memref<256xi32, #tpu.memory_space<vmem>> -> memref<64xi32, #tpu.memory_space<vmem>>
    %dma_start3A_5 = tpu.memref_slice %arg2[%dma_start3A, %mul3A_2] : memref<4x2048xi32, #tpu.memory_space<hbm>> -> memref<1x64xi32, #tpu.memory_space<hbm>>
    %dma_start3A_6 = tpu.memref_squeeze %dma_start3A_5 : memref<1x64xi32, #tpu.memory_space<hbm>> -> memref<64xi32, #tpu.memory_space<hbm>>
    %dma_start3A_7 = arith.constant 0 : i32
    %dma_start3A_8 = tpu.memref_slice %arg6[%dma_start3A_7] : memref<256xi32, #tpu.memory_space<vmem>> -> memref<64xi32, #tpu.memory_space<vmem>>
    %dma_start3A_9 = tpu.memref_slice %arg2[%dma_start3A, %mul3A_2] : memref<4x2048xi32, #tpu.memory_space<hbm>> -> memref<1x64xi32, #tpu.memory_space<hbm>>
    %dma_start3A_10 = tpu.memref_squeeze %dma_start3A_9 : memref<1x64xi32, #tpu.memory_space<hbm>> -> memref<64xi32, #tpu.memory_space<hbm>>
    tpu.enqueue_dma source(%dma_start3A_10 : memref<64xi32, #tpu.memory_space<hbm>>) target(%dma_start3A_8 : memref<64xi32, #tpu.memory_space<vmem>>) target_semaphore(%arg11 : memref<!tpu.dma_semaphore, #tpu.memory_space<semaphore_mem>>)
    %dma_start3A_11 = arith.constant 1 : i32
    %dma_start3A_12 = arith.constant 64 : i32
    %dma_start3A_13 = tpu.memref_slice %arg6[%dma_start3A_12] : memref<256xi32, #tpu.memory_space<vmem>> -> memref<64xi32, #tpu.memory_space<vmem>>
    %dma_start3A_14 = tpu.memref_slice %arg2[%dma_start3A_11, %mul3A_2] : memref<4x2048xi32, #tpu.memory_space<hbm>> -> memref<1x64xi32, #tpu.memory_space<hbm>>
    %dma_start3A_15 = tpu.memref_squeeze %dma_start3A_14 : memref<1x64xi32, #tpu.memory_space<hbm>> -> memref<64xi32, #tpu.memory_space<hbm>>
    %dma_start3A_16 = arith.constant 64 : i32
    %dma_start3A_17 = tpu.memref_slice %arg6[%dma_start3A_16] : memref<256xi32, #tpu.memory_space<vmem>> -> memref<64xi32, #tpu.memory_space<vmem>>
    %dma_start3A_18 = tpu.memref_slice %arg2[%dma_start3A_11, %mul3A_2] : memref<4x2048xi32, #tpu.memory_space<hbm>> -> memref<1x64xi32, #tpu.memory_space<hbm>>
    %dma_start3A_19 = tpu.memref_squeeze %dma_start3A_18 : memref<1x64xi32, #tpu.memory_space<hbm>> -> memref<64xi32, #tpu.memory_space<hbm>>
    tpu.enqueue_dma source(%dma_start3A_19 : memref<64xi32, #tpu.memory_space<hbm>>) target(%dma_start3A_17 : memref<64xi32, #tpu.memory_space<vmem>>) target_semaphore(%arg11 : memref<!tpu.dma_semaphore, #tpu.memory_space<semaphore_mem>>)
    %dma_start3A_20 = arith.constant 2 : i32
    %dma_start3A_21 = arith.constant 128 : i32
    %dma_start3A_22 = tpu.memref_slice %arg6[%dma_start3A_21] : memref<256xi32, #tpu.memory_space<vmem>> -> memref<64xi32, #tpu.memory_space<vmem>>
    %dma_start3A_23 = tpu.memref_slice %arg2[%dma_start3A_20, %mul3A_2] : memref<4x2048xi32, #tpu.memory_space<hbm>> -> memref<1x64xi32, #tpu.memory_space<hbm>>
    %dma_start3A_24 = tpu.memref_squeeze %dma_start3A_23 : memref<1x64xi32, #tpu.memory_space<hbm>> -> memref<64xi32, #tpu.memory_space<hbm>>
    %dma_start3A_25 = arith.constant 128 : i32
    %dma_start3A_26 = tpu.memref_slice %arg6[%dma_start3A_25] : memref<256xi32, #tpu.memory_space<vmem>> -> memref<64xi32, #tpu.memory_space<vmem>>
    %dma_start3A_27 = tpu.memref_slice %arg2[%dma_start3A_20, %mul3A_2] : memref<4x2048xi32, #tpu.memory_space<hbm>> -> memref<1x64xi32, #tpu.memory_space<hbm>>
    %dma_start3A_28 = tpu.memref_squeeze %dma_start3A_27 : memref<1x64xi32, #tpu.memory_space<hbm>> -> memref<64xi32, #tpu.memory_space<hbm>>
    tpu.enqueue_dma source(%dma_start3A_28 : memref<64xi32, #tpu.memory_space<hbm>>) target(%dma_start3A_26 : memref<64xi32, #tpu.memory_space<vmem>>) target_semaphore(%arg11 : memref<!tpu.dma_semaphore, #tpu.memory_space<semaphore_mem>>)
    %dma_start3A_29 = arith.constant 3 : i32
    %dma_start3A_30 = arith.constant 192 : i32
    %dma_start3A_31 = tpu.memref_slice %arg6[%dma_start3A_30] : memref<256xi32, #tpu.memory_space<vmem>> -> memref<64xi32, #tpu.memory_space<vmem>>
    %dma_start3A_32 = tpu.memref_slice %arg2[%dma_start3A_29, %mul3A_2] : memref<4x2048xi32, #tpu.memory_space<hbm>> -> memref<1x64xi32, #tpu.memory_space<hbm>>
    %dma_start3A_33 = tpu.memref_squeeze %dma_start3A_32 : memref<1x64xi32, #tpu.memory_space<hbm>> -> memref<64xi32, #tpu.memory_space<hbm>>
    %dma_start3A_34 = arith.constant 192 : i32
    %dma_start3A_35 = tpu.memref_slice %arg6[%dma_start3A_34] : memref<256xi32, #tpu.memory_space<vmem>> -> memref<64xi32, #tpu.memory_space<vmem>>
    %dma_start3A_36 = tpu.memref_slice %arg2[%dma_start3A_29, %mul3A_2] : memref<4x2048xi32, #tpu.memory_space<hbm>> -> memref<1x64xi32, #tpu.memory_space<hbm>>
    %dma_start3A_37 = tpu.memref_squeeze %dma_start3A_36 : memref<1x64xi32, #tpu.memory_space<hbm>> -> memref<64xi32, #tpu.memory_space<hbm>>
    tpu.enqueue_dma source(%dma_start3A_37 : memref<64xi32, #tpu.memory_space<hbm>>) target(%dma_start3A_35 : memref<64xi32, #tpu.memory_space<vmem>>) target_semaphore(%arg11 : memref<!tpu.dma_semaphore, #tpu.memory_space<semaphore_mem>>)
    %add3A_38 = arith.constant 0 : i32
    %add3A_39 = arith.addi %mul3A_2, %add3A_38 : i32
    %dma_start3A_40 = arith.constant 0 : i32
    %dma_start3A_41 = tpu.memref_slice %arg4[%add3A_39, %dma_start3A_40] : memref<2048x768xf32, #tpu.memory_space<hbm>> -> memref<32x768xf32, #tpu.memory_space<hbm>>
    %dma_start3A_42 = arith.constant 0 : i32
    %dma_start3A_43 = tpu.memref_slice %arg4[%add3A_39, %dma_start3A_42] : memref<2048x768xf32, #tpu.memory_space<hbm>> -> memref<32x768xf32, #tpu.memory_space<hbm>>
    tpu.enqueue_dma source(%dma_start3A_43 : memref<32x768xf32, #tpu.memory_space<hbm>>) target(%arg7 : memref<32x768xf32, #tpu.memory_space<vmem>>) target_semaphore(%arg12 : memref<!tpu.dma_semaphore, #tpu.memory_space<semaphore_mem>>)
    %add3A_44 = arith.constant 32 : i32
    %add3A_45 = arith.addi %mul3A_2, %add3A_44 : i32
    %dma_start3A_46 = arith.constant 0 : i32
    %dma_start3A_47 = tpu.memref_slice %arg4[%add3A_45, %dma_start3A_46] : memref<2048x768xf32, #tpu.memory_space<hbm>> -> memref<32x768xf32, #tpu.memory_space<hbm>>
    %dma_start3A_48 = arith.constant 0 : i32
    %dma_start3A_49 = tpu.memref_slice %arg4[%add3A_45, %dma_start3A_48] : memref<2048x768xf32, #tpu.memory_space<hbm>> -> memref<32x768xf32, #tpu.memory_space<hbm>>
    tpu.enqueue_dma source(%dma_start3A_49 : memref<32x768xf32, #tpu.memory_space<hbm>>) target(%arg8 : memref<32x768xf32, #tpu.memory_space<vmem>>) target_semaphore(%arg13 : memref<!tpu.dma_semaphore, #tpu.memory_space<semaphore_mem>>)
    %dma_wait3A = arith.constant 0 : i32
    %dma_wait3A_50 = arith.constant 0 : i32
    %dma_wait3A_51 = tpu.memref_slice %arg6[%dma_wait3A_50] : memref<256xi32, #tpu.memory_space<vmem>> -> memref<64xi32, #tpu.memory_space<vmem>>
    %dma_wait3A_52 = tpu.memref_slice %arg2[%dma_wait3A, %mul3A_2] : memref<4x2048xi32, #tpu.memory_space<hbm>> -> memref<1x64xi32, #tpu.memory_space<hbm>>
    %dma_wait3A_53 = tpu.memref_squeeze %dma_wait3A_52 : memref<1x64xi32, #tpu.memory_space<hbm>> -> memref<64xi32, #tpu.memory_space<hbm>>
    %dma_wait3A_54 = arith.constant 0 : i32
    %dma_wait3A_55 = tpu.memref_slice %arg6[%dma_wait3A_54] : memref<256xi32, #tpu.memory_space<vmem>> -> memref<64xi32, #tpu.memory_space<vmem>>
    %dma_wait3A_56 = tpu.memref_slice %arg2[%dma_wait3A, %mul3A_2] : memref<4x2048xi32, #tpu.memory_space<hbm>> -> memref<1x64xi32, #tpu.memory_space<hbm>>
    %dma_wait3A_57 = tpu.memref_squeeze %dma_wait3A_56 : memref<1x64xi32, #tpu.memory_space<hbm>> -> memref<64xi32, #tpu.memory_space<hbm>>
    tpu.wait_dma2 semaphore(%arg11 : memref<!tpu.dma_semaphore, #tpu.memory_space<semaphore_mem>>) src(%dma_wait3A_57 : memref<64xi32, #tpu.memory_space<hbm>>) dst(%dma_wait3A_55 : memref<64xi32, #tpu.memory_space<vmem>>)
    %dma_wait3A_58 = arith.constant 1 : i32
    %dma_wait3A_59 = arith.constant 64 : i32
    %dma_wait3A_60 = tpu.memref_slice %arg6[%dma_wait3A_59] : memref<256xi32, #tpu.memory_space<vmem>> -> memref<64xi32, #tpu.memory_space<vmem>>
    %dma_wait3A_61 = tpu.memref_slice %arg2[%dma_wait3A_58, %mul3A_2] : memref<4x2048xi32, #tpu.memory_space<hbm>> -> memref<1x64xi32, #tpu.memory_space<hbm>>
    %dma_wait3A_62 = tpu.memref_squeeze %dma_wait3A_61 : memref<1x64xi32, #tpu.memory_space<hbm>> -> memref<64xi32, #tpu.memory_space<hbm>>
    %dma_wait3A_63 = arith.constant 64 : i32
    %dma_wait3A_64 = tpu.memref_slice %arg6[%dma_wait3A_63] : memref<256xi32, #tpu.memory_space<vmem>> -> memref<64xi32, #tpu.memory_space<vmem>>
    %dma_wait3A_65 = tpu.memref_slice %arg2[%dma_wait3A_58, %mul3A_2] : memref<4x2048xi32, #tpu.memory_space<hbm>> -> memref<1x64xi32, #tpu.memory_space<hbm>>
    %dma_wait3A_66 = tpu.memref_squeeze %dma_wait3A_65 : memref<1x64xi32, #tpu.memory_space<hbm>> -> memref<64xi32, #tpu.memory_space<hbm>>
    tpu.wait_dma2 semaphore(%arg11 : memref<!tpu.dma_semaphore, #tpu.memory_space<semaphore_mem>>) src(%dma_wait3A_66 : memref<64xi32, #tpu.memory_space<hbm>>) dst(%dma_wait3A_64 : memref<64xi32, #tpu.memory_space<vmem>>)
    %dma_wait3A_67 = arith.constant 2 : i32
    %dma_wait3A_68 = arith.constant 128 : i32
    %dma_wait3A_69 = tpu.memref_slice %arg6[%dma_wait3A_68] : memref<256xi32, #tpu.memory_space<vmem>> -> memref<64xi32, #tpu.memory_space<vmem>>
    %dma_wait3A_70 = tpu.memref_slice %arg2[%dma_wait3A_67, %mul3A_2] : memref<4x2048xi32, #tpu.memory_space<hbm>> -> memref<1x64xi32, #tpu.memory_space<hbm>>
    %dma_wait3A_71 = tpu.memref_squeeze %dma_wait3A_70 : memref<1x64xi32, #tpu.memory_space<hbm>> -> memref<64xi32, #tpu.memory_space<hbm>>
    %dma_wait3A_72 = arith.constant 128 : i32
    %dma_wait3A_73 = tpu.memref_slice %arg6[%dma_wait3A_72] : memref<256xi32, #tpu.memory_space<vmem>> -> memref<64xi32, #tpu.memory_space<vmem>>
    %dma_wait3A_74 = tpu.memref_slice %arg2[%dma_wait3A_67, %mul3A_2] : memref<4x2048xi32, #tpu.memory_space<hbm>> -> memref<1x64xi32, #tpu.memory_space<hbm>>
    %dma_wait3A_75 = tpu.memref_squeeze %dma_wait3A_74 : memref<1x64xi32, #tpu.memory_space<hbm>> -> memref<64xi32, #tpu.memory_space<hbm>>
    tpu.wait_dma2 semaphore(%arg11 : memref<!tpu.dma_semaphore, #tpu.memory_space<semaphore_mem>>) src(%dma_wait3A_75 : memref<64xi32, #tpu.memory_space<hbm>>) dst(%dma_wait3A_73 : memref<64xi32, #tpu.memory_space<vmem>>)
    %dma_wait3A_76 = arith.constant 3 : i32
    %dma_wait3A_77 = arith.constant 192 : i32
    %dma_wait3A_78 = tpu.memref_slice %arg6[%dma_wait3A_77] : memref<256xi32, #tpu.memory_space<vmem>> -> memref<64xi32, #tpu.memory_space<vmem>>
    %dma_wait3A_79 = tpu.memref_slice %arg2[%dma_wait3A_76, %mul3A_2] : memref<4x2048xi32, #tpu.memory_space<hbm>> -> memref<1x64xi32, #tpu.memory_space<hbm>>
    %dma_wait3A_80 = tpu.memref_squeeze %dma_wait3A_79 : memref<1x64xi32, #tpu.memory_space<hbm>> -> memref<64xi32, #tpu.memory_space<hbm>>
    %dma_wait3A_81 = arith.constant 192 : i32
    %dma_wait3A_82 = tpu.memref_slice %arg6[%dma_wait3A_81] : memref<256xi32, #tpu.memory_space<vmem>> -> memref<64xi32, #tpu.memory_space<vmem>>
    %dma_wait3A_83 = tpu.memref_slice %arg2[%dma_wait3A_76, %mul3A_2] : memref<4x2048xi32, #tpu.memory_space<hbm>> -> memref<1x64xi32, #tpu.memory_space<hbm>>
    %dma_wait3A_84 = tpu.memref_squeeze %dma_wait3A_83 : memref<1x64xi32, #tpu.memory_space<hbm>> -> memref<64xi32, #tpu.memory_space<hbm>>
    tpu.wait_dma2 semaphore(%arg11 : memref<!tpu.dma_semaphore, #tpu.memory_space<semaphore_mem>>) src(%dma_wait3A_84 : memref<64xi32, #tpu.memory_space<hbm>>) dst(%dma_wait3A_82 : memref<64xi32, #tpu.memory_space<vmem>>)
    %dma_start3A_85 = arith.constant 0 : i32
    %dma_start3A_86 = tpu.memref_slice %arg6[%dma_start3A_85] : memref<256xi32, #tpu.memory_space<vmem>> -> memref<32xi32, #tpu.memory_space<vmem>>
    %dma_start3A_87 = arith.constant 0 : i32
    %dma_start3A_88 = arith.constant 0 : i32
    %dma_start3A_89 = tpu.memref_slice %arg3[%dma_start3A_87, %dma_start3A_88] : memref<100000x768xf32, #tpu.memory_space<hbm>> -> memref<100000x768xf32, #tpu.memory_space<hbm>>
    tpu.enqueue_indirect_dma source(%dma_start3A_89 : memref<100000x768xf32, #tpu.memory_space<hbm>>) target(%arg9 : memref<32x768xf32, #tpu.memory_space<vmem>>) offsets(%dma_start3A_86 : memref<32xi32, #tpu.memory_space<vmem>>) semaphore(%arg14 : memref<!tpu.dma_semaphore, #tpu.memory_space<semaphore_mem>>)
    %dma_wait3A_90 = arith.constant 0 : i32
    %dma_wait3A_91 = tpu.memref_slice %arg4[%add3A_39, %dma_wait3A_90] : memref<2048x768xf32, #tpu.memory_space<hbm>> -> memref<32x768xf32, #tpu.memory_space<hbm>>
    %dma_wait3A_92 = arith.constant 0 : i32
    %dma_wait3A_93 = tpu.memref_slice %arg4[%add3A_39, %dma_wait3A_92] : memref<2048x768xf32, #tpu.memory_space<hbm>> -> memref<32x768xf32, #tpu.memory_space<hbm>>
    tpu.wait_dma2 semaphore(%arg12 : memref<!tpu.dma_semaphore, #tpu.memory_space<semaphore_mem>>) src(%dma_wait3A_93 : memref<32x768xf32, #tpu.memory_space<hbm>>) dst(%arg7 : memref<32x768xf32, #tpu.memory_space<vmem>>)
    %dma_wait3A_94 = arith.constant 0 : i32
    %dma_wait3A_95 = tpu.memref_slice %arg4[%add3A_45, %dma_wait3A_94] : memref<2048x768xf32, #tpu.memory_space<hbm>> -> memref<32x768xf32, #tpu.memory_space<hbm>>
    %dma_wait3A_96 = arith.constant 0 : i32
    %dma_wait3A_97 = tpu.memref_slice %arg4[%add3A_45, %dma_wait3A_96] : memref<2048x768xf32, #tpu.memory_space<hbm>> -> memref<32x768xf32, #tpu.memory_space<hbm>>
    tpu.wait_dma2 semaphore(%arg13 : memref<!tpu.dma_semaphore, #tpu.memory_space<semaphore_mem>>) src(%dma_wait3A_97 : memref<32x768xf32, #tpu.memory_space<hbm>>) dst(%arg8 : memref<32x768xf32, #tpu.memory_space<vmem>>)
    %scan3A = arith.constant 0 : i32
    %scan3A_98 = arith.constant 4 : i32
    %scan3A_99 = arith.addi %scan3A, %scan3A_98 : i32
    %scan3A_100 = arith.constant 1 : i32
    scf.for %scan3A_114 = %scan3A to %scan3A_99 step %scan3A_100  : i32 {
      %mul3A_115 = arith.constant 2 : i32
      %mul3A_116 = arith.muli %scan3A_114, %mul3A_115 : i32
      %add3A_117 = arith.constant 0 : i32
      %add3A_118 = arith.addi %add3A_117, %mul3A_116 : i32
      %add3A_119 = arith.constant 0 : i32
      %add3A_120 = arith.addi %add3A_118, %add3A_119 : i32
      %add3A_121 = arith.constant 1 : i32
      %add3A_122 = arith.addi %add3A_120, %add3A_121 : i32
      %lt3A = arith.constant 8 : i32
      %lt3A_123 = arith.cmpi slt, %add3A_122, %lt3A : i32
      %convert_element_type3A = arith.extui %lt3A_123 : i1 to i32
      %cond3A = arith.constant 0 : i32
      %cond3A_124 = arith.cmpi ne, %convert_element_type3A, %cond3A : i32
      scf.if %cond3A_124 {
        %ge3A = arith.constant 1 : i32
        %ge3A_212 = arith.cmpi sge, %add3A_120, %ge3A : i32
        %convert_element_type3A_213 = arith.extui %ge3A_212 : i1 to i32
        %cond3A_214 = arith.constant 0 : i32
        %cond3A_215 = arith.cmpi ne, %convert_element_type3A_213, %cond3A_214 : i32
        scf.if %cond3A_215 {
          %dma_wait3A_224 = arith.constant 0 : i32
          %dma_wait3A_225 = arith.constant 0 : i32
          %dma_wait3A_226 = tpu.memref_slice %arg5[%dma_wait3A_224, %dma_wait3A_225] : memref<8192x768xf32, #tpu.memory_space<hbm>> -> memref<32x768xf32, #tpu.memory_space<hbm>>
          %dma_wait3A_227 = arith.constant 0 : i32
          %dma_wait3A_228 = arith.constant 0 : i32
          %dma_wait3A_229 = tpu.memref_slice %arg5[%dma_wait3A_227, %dma_wait3A_228] : memref<8192x768xf32, #tpu.memory_space<hbm>> -> memref<32x768xf32, #tpu.memory_space<hbm>>
          tpu.wait_dma2 semaphore(%arg17 : memref<!tpu.dma_semaphore, #tpu.memory_space<semaphore_mem>>) src(%arg10 : memref<32x768xf32, #tpu.memory_space<vmem>>) dst(%dma_wait3A_229 : memref<32x768xf32, #tpu.memory_space<hbm>>)
        } else {
        }
        %add3A_216 = arith.constant 1 : i32
        %add3A_217 = arith.addi %add3A_120, %add3A_216 : i32
        %mul3A_218 = arith.constant 32 : i32
        %mul3A_219 = arith.muli %add3A_217, %mul3A_218 : i32
        %dma_start3A_220 = tpu.memref_slice %arg6[%mul3A_219] : memref<256xi32, #tpu.memory_space<vmem>> -> memref<32xi32, #tpu.memory_space<vmem>>
        %dma_start3A_221 = arith.constant 0 : i32
        %dma_start3A_222 = arith.constant 0 : i32
        %dma_start3A_223 = tpu.memref_slice %arg3[%dma_start3A_221, %dma_start3A_222] : memref<100000x768xf32, #tpu.memory_space<hbm>> -> memref<100000x768xf32, #tpu.memory_space<hbm>>
        tpu.enqueue_indirect_dma source(%dma_start3A_223 : memref<100000x768xf32, #tpu.memory_space<hbm>>) target(%arg10 : memref<32x768xf32, #tpu.memory_space<vmem>>) offsets(%dma_start3A_220 : memref<32xi32, #tpu.memory_space<vmem>>) semaphore(%arg15 : memref<!tpu.dma_semaphore, #tpu.memory_space<semaphore_mem>>)
      } else {
      }
      %dma_wait3A_125 = arith.constant 0 : i32
      %dma_wait3A_126 = tpu.memref_slice %arg6[%dma_wait3A_125] : memref<256xi32, #tpu.memory_space<vmem>> -> memref<32xi32, #tpu.memory_space<vmem>>
      %dma_wait3A_127 = arith.constant 0 : i32
      %dma_wait3A_128 = arith.constant 0 : i32
      %dma_wait3A_129 = tpu.memref_slice %arg3[%dma_wait3A_127, %dma_wait3A_128] : memref<100000x768xf32, #tpu.memory_space<hbm>> -> memref<100000x768xf32, #tpu.memory_space<hbm>>
      tpu.wait_indirect_dma semaphore(%arg14 : memref<!tpu.dma_semaphore, #tpu.memory_space<semaphore_mem>>) src(%dma_wait3A_129 : memref<100000x768xf32, #tpu.memory_space<hbm>>) dst(%arg9 : memref<32x768xf32, #tpu.memory_space<vmem>>)
      %scan3A_130 = arith.constant 0 : i32
      %scan3A_131 = arith.constant 32 : i32
      %scan3A_132 = arith.addi %scan3A_130, %scan3A_131 : i32
      %scan3A_133 = arith.constant 1 : i32
      scf.for %scan3A_212 = %scan3A_130 to %scan3A_132 step %scan3A_133  : i32 {
        %mul3A_213 = arith.constant 1 : i32
        %mul3A_214 = arith.muli %scan3A_212, %mul3A_213 : i32
        %add3A_215 = arith.constant 0 : i32
        %add3A_216 = arith.addi %add3A_215, %mul3A_214 : i32
        %get3A = arith.index_cast %add3A_216 : i32 to index
        %get3A_217 = arith.constant 0 : index
        %get3A_218 = tpu.vector_load %arg9[%get3A, %get3A_217] {strides = array<i32>} : memref<32x768xf32, #tpu.memory_space<vmem>>, vector<1x16xf32>,
        %get3A_219 = vector.shape_cast %get3A_218 : vector<1x16xf32> to vector<16xf32>
        %get3A_220 = arith.index_cast %add3A_216 : i32 to index
        %get3A_221 = arith.constant 0 : index
        %get3A_222 = tpu.vector_load %arg7[%get3A_220, %get3A_221] {strides = array<i32>} : memref<32x768xf32, #tpu.memory_space<vmem>>, vector<1x16xf32>,
        %get3A_223 = vector.shape_cast %get3A_222 : vector<1x16xf32> to vector<16xf32>
        %add3A_224 = arith.addf %get3A_219, %get3A_223 : vector<16xf32>
        %swap3A = arith.index_cast %add3A_216 : i32 to index
        %swap3A_225 = arith.constant 0 : index
        %swap3A_226 = tpu.vector_load %arg9[%swap3A, %swap3A_225] {strides = array<i32>} : memref<32x768xf32, #tpu.memory_space<vmem>>, vector<1x16xf32>,
        %swap3A_227 = vector.shape_cast %swap3A_226 : vector<1x16xf32> to vector<16xf32>
        %swap3A_228 = vector.shape_cast %add3A_224 : vector<16xf32> to vector<1x16xf32>
        tpu.vector_store %arg9[%swap3A, %swap3A_225], %swap3A_228 {strides = array<i32>} : memref<32x768xf32, #tpu.memory_space<vmem>>, vector<1x16xf32>,
        %get3A_229 = arith.index_cast %add3A_216 : i32 to index
        %get3A_230 = arith.constant 16 : index
        %get3A_231 = tpu.vector_load %arg9[%get3A_229, %get3A_230] {strides = array<i32>} : memref<32x768xf32, #tpu.memory_space<vmem>>, vector<1x16xf32>,
        %get3A_232 = vector.shape_cast %get3A_231 : vector<1x16xf32> to vector<16xf32>
        %get3A_233 = arith.index_cast %add3A_216 : i32 to index
        %get3A_234 = arith.constant 16 : index
        %get3A_235 = tpu.vector_load %arg7[%get3A_233, %get3A_234] {strides = array<i32>} : memref<32x768xf32, #tpu.memory_space<vmem>>, vector<1x16xf32>,
        %get3A_236 = vector.shape_cast %get3A_235 : vector<1x16xf32> to vector<16xf32>
        %add3A_237 = arith.addf %get3A_232, %get3A_236 : vector<16xf32>
        %swap3A_238 = arith.index_cast %add3A_216 : i32 to index
        %swap3A_239 = arith.constant 16 : index
        %swap3A_240 = tpu.vector_load %arg9[%swap3A_238, %swap3A_239] {strides = array<i32>} : memref<32x768xf32, #tpu.memory_space<vmem>>, vector<1x16xf32>,
        %swap3A_241 = vector.shape_cast %swap3A_240 : vector<1x16xf32> to vector<16xf32>
        %swap3A_242 = vector.shape_cast %add3A_237 : vector<16xf32> to vector<1x16xf32>
        tpu.vector_store %arg9[%swap3A_238, %swap3A_239], %swap3A_242 {strides = array<i32>} : memref<32x768xf32, #tpu.memory_space<vmem>>, vector<1x16xf32>,
        %get3A_243 = arith.index_cast %add3A_216 : i32 to index
        %get3A_244 = arith.constant 32 : index
        %get3A_245 = tpu.vector_load %arg9[%get3A_243, %get3A_244] {strides = array<i32>} : memref<32x768xf32, #tpu.memory_space<vmem>>, vector<1x16xf32>,
        %get3A_246 = vector.shape_cast %get3A_245 : vector<1x16xf32> to vector<16xf32>
        %get3A_247 = arith.index_cast %add3A_216 : i32 to index
        %get3A_248 = arith.constant 32 : index
        %get3A_249 = tpu.vector_load %arg7[%get3A_247, %get3A_248] {strides = array<i32>} : memref<32x768xf32, #tpu.memory_space<vmem>>, vector<1x16xf32>,
        %get3A_250 = vector.shape_cast %get3A_249 : vector<1x16xf32> to vector<16xf32>
        %add3A_251 = arith.addf %get3A_246, %get3A_250 : vector<16xf32>
        %swap3A_252 = arith.index_cast %add3A_216 : i32 to index
        %swap3A_253 = arith.constant 32 : index
        %swap3A_254 = tpu.vector_load %arg9[%swap3A_252, %swap3A_253] {strides = array<i32>} : memref<32x768xf32, #tpu.memory_space<vmem>>, vector<1x16xf32>,
        %swap3A_255 = vector.shape_cast %swap3A_254 : vector<1x16xf32> to vector<16xf32>
        %swap3A_256 = vector.shape_cast %add3A_251 : vector<16xf32> to vector<1x16xf32>
        tpu.vector_store %arg9[%swap3A_252, %swap3A_253], %swap3A_256 {strides = array<i32>} : memref<32x768xf32, #tpu.memory_space<vmem>>, vector<1x16xf32>,
        %get3A_257 = arith.index_cast %add3A_216 : i32 to index
        %get3A_258 = arith.constant 48 : index
        %get3A_259 = tpu.vector_load %arg9[%get3A_257, %get3A_258] {strides = array<i32>} : memref<32x768xf32, #tpu.memory_space<vmem>>, vector<1x16xf32>,
        %get3A_260 = vector.shape_cast %get3A_259 : vector<1x16xf32> to vector<16xf32>
        %get3A_261 = arith.index_cast %add3A_216 : i32 to index
        %get3A_262 = arith.constant 48 : index
        %get3A_263 = tpu.vector_load %arg7[%get3A_261, %get3A_262] {strides = array<i32>} : memref<32x768xf32, #tpu.memory_space<vmem>>, vector<1x16xf32>,
        %get3A_264 = vector.shape_cast %get3A_263 : vector<1x16xf32> to vector<16xf32>
        %add3A_265 = arith.addf %get3A_260, %get3A_264 : vector<16xf32>
        %swap3A_266 = arith.index_cast %add3A_216 : i32 to index
        %swap3A_267 = arith.constant 48 : index
        %swap3A_268 = tpu.vector_load %arg9[%swap3A_266, %swap3A_267] {strides = array<i32>} : memref<32x768xf32, #tpu.memory_space<vmem>>, vector<1x16xf32>,
        %swap3A_269 = vector.shape_cast %swap3A_268 : vector<1x16xf32> to vector<16xf32>
        %swap3A_270 = vector.shape_cast %add3A_265 : vector<16xf32> to vector<1x16xf32>
        tpu.vector_store %arg9[%swap3A_266, %swap3A_267], %swap3A_270 {strides = array<i32>} : memref<32x768xf32, #tpu.memory_space<vmem>>, vector<1x16xf32>,
        %get3A_271 = arith.index_cast %add3A_216 : i32 to index
        %get3A_272 = arith.constant 64 : index
        %get3A_273 = tpu.vector_load %arg9[%get3A_271, %get3A_272] {strides = array<i32>} : memref<32x768xf32, #tpu.memory_space<vmem>>, vector<1x16xf32>,
        %get3A_274 = vector.shape_cast %get3A_273 : vector<1x16xf32> to vector<16xf32>
        %get3A_275 = arith.index_cast %add3A_216 : i32 to index
        %get3A_276 = arith.constant 64 : index
        %get3A_277 = tpu.vector_load %arg7[%get3A_275, %get3A_276] {strides = array<i32>} : memref<32x768xf32, #tpu.memory_space<vmem>>, vector<1x16xf32>,
        %get3A_278 = vector.shape_cast %get3A_277 : vector<1x16xf32> to vector<16xf32>
        %add3A_279 = arith.addf %get3A_274, %get3A_278 : vector<16xf32>
        %swap3A_280 = arith.index_cast %add3A_216 : i32 to index
        %swap3A_281 = arith.constant 64 : index
        %swap3A_282 = tpu.vector_load %arg9[%swap3A_280, %swap3A_281] {strides = array<i32>} : memref<32x768xf32, #tpu.memory_space<vmem>>, vector<1x16xf32>,
        %swap3A_283 = vector.shape_cast %swap3A_282 : vector<1x16xf32> to vector<16xf32>
        %swap3A_284 = vector.shape_cast %add3A_279 : vector<16xf32> to vector<1x16xf32>
        tpu.vector_store %arg9[%swap3A_280, %swap3A_281], %swap3A_284 {strides = array<i32>} : memref<32x768xf32, #tpu.memory_space<vmem>>, vector<1x16xf32>,
        %get3A_285 = arith.index_cast %add3A_216 : i32 to index
        %get3A_286 = arith.constant 80 : index
        %get3A_287 = tpu.vector_load %arg9[%get3A_285, %get3A_286] {strides = array<i32>} : memref<32x768xf32, #tpu.memory_space<vmem>>, vector<1x16xf32>,
        %get3A_288 = vector.shape_cast %get3A_287 : vector<1x16xf32> to vector<16xf32>
        %get3A_289 = arith.index_cast %add3A_216 : i32 to index
        %get3A_290 = arith.constant 80 : index
        %get3A_291 = tpu.vector_load %arg7[%get3A_289, %get3A_290] {strides = array<i32>} : memref<32x768xf32, #tpu.memory_space<vmem>>, vector<1x16xf32>,
        %get3A_292 = vector.shape_cast %get3A_291 : vector<1x16xf32> to vector<16xf32>
        %add3A_293 = arith.addf %get3A_288, %get3A_292 : vector<16xf32>
        %swap3A_294 = arith.index_cast %add3A_216 : i32 to index
        %swap3A_295 = arith.constant 80 : index
        %swap3A_296 = tpu.vector_load %arg9[%swap3A_294, %swap3A_295] {strides = array<i32>} : memref<32x768xf32, #tpu.memory_space<vmem>>, vector<1x16xf32>,
        %swap3A_297 = vector.shape_cast %swap3A_296 : vector<1x16xf32> to vector<16xf32>
        %swap3A_298 = vector.shape_cast %add3A_293 : vector<16xf32> to vector<1x16xf32>
        tpu.vector_store %arg9[%swap3A_294, %swap3A_295], %swap3A_298 {strides = array<i32>} : memref<32x768xf32, #tpu.memory_space<vmem>>, vector<1x16xf32>,
        %get3A_299 = arith.index_cast %add3A_216 : i32 to index
        %get3A_300 = arith.constant 96 : index
        %get3A_301 = tpu.vector_load %arg9[%get3A_299, %get3A_300] {strides = array<i32>} : memref<32x768xf32, #tpu.memory_space<vmem>>, vector<1x16xf32>,
        %get3A_302 = vector.shape_cast %get3A_301 : vector<1x16xf32> to vector<16xf32>
        %get3A_303 = arith.index_cast %add3A_216 : i32 to index
        %get3A_304 = arith.constant 96 : index
        %get3A_305 = tpu.vector_load %arg7[%get3A_303, %get3A_304] {strides = array<i32>} : memref<32x768xf32, #tpu.memory_space<vmem>>, vector<1x16xf32>,
        %get3A_306 = vector.shape_cast %get3A_305 : vector<1x16xf32> to vector<16xf32>
        %add3A_307 = arith.addf %get3A_302, %get3A_306 : vector<16xf32>
        %swap3A_308 = arith.index_cast %add3A_216 : i32 to index
        %swap3A_309 = arith.constant 96 : index
        %swap3A_310 = tpu.vector_load %arg9[%swap3A_308, %swap3A_309] {strides = array<i32>} : memref<32x768xf32, #tpu.memory_space<vmem>>, vector<1x16xf32>,
        %swap3A_311 = vector.shape_cast %swap3A_310 : vector<1x16xf32> to vector<16xf32>
        %swap3A_312 = vector.shape_cast %add3A_307 : vector<16xf32> to vector<1x16xf32>
        tpu.vector_store %arg9[%swap3A_308, %swap3A_309], %swap3A_312 {strides = array<i32>} : memref<32x768xf32, #tpu.memory_space<vmem>>, vector<1x16xf32>,
        %get3A_313 = arith.index_cast %add3A_216 : i32 to index
        %get3A_314 = arith.constant 112 : index
        %get3A_315 = tpu.vector_load %arg9[%get3A_313, %get3A_314] {strides = array<i32>} : memref<32x768xf32, #tpu.memory_space<vmem>>, vector<1x16xf32>,
        %get3A_316 = vector.shape_cast %get3A_315 : vector<1x16xf32> to vector<16xf32>
        %get3A_317 = arith.index_cast %add3A_216 : i32 to index
        %get3A_318 = arith.constant 112 : index
        %get3A_319 = tpu.vector_load %arg7[%get3A_317, %get3A_318] {strides = array<i32>} : memref<32x768xf32, #tpu.memory_space<vmem>>, vector<1x16xf32>,
        %get3A_320 = vector.shape_cast %get3A_319 : vector<1x16xf32> to vector<16xf32>
        %add3A_321 = arith.addf %get3A_316, %get3A_320 : vector<16xf32>
        %swap3A_322 = arith.index_cast %add3A_216 : i32 to index
        %swap3A_323 = arith.constant 112 : index
        %swap3A_324 = tpu.vector_load %arg9[%swap3A_322, %swap3A_323] {strides = array<i32>} : memref<32x768xf32, #tpu.memory_space<vmem>>, vector<1x16xf32>,
        %swap3A_325 = vector.shape_cast %swap3A_324 : vector<1x16xf32> to vector<16xf32>
        %swap3A_326 = vector.shape_cast %add3A_321 : vector<16xf32> to vector<1x16xf32>
        tpu.vector_store %arg9[%swap3A_322, %swap3A_323], %swap3A_326 {strides = array<i32>} : memref<32x768xf32, #tpu.memory_space<vmem>>, vector<1x16xf32>,
        %get3A_327 = arith.index_cast %add3A_216 : i32 to index
        %get3A_328 = arith.constant 128 : index
        %get3A_329 = tpu.vector_load %arg9[%get3A_327, %get3A_328] {strides = array<i32>} : memref<32x768xf32, #tpu.memory_space<vmem>>, vector<1x16xf32>,
        %get3A_330 = vector.shape_cast %get3A_329 : vector<1x16xf32> to vector<16xf32>
        %get3A_331 = arith.index_cast %add3A_216 : i32 to index
        %get3A_332 = arith.constant 128 : index
        %get3A_333 = tpu.vector_load %arg7[%get3A_331, %get3A_332] {strides = array<i32>} : memref<32x768xf32, #tpu.memory_space<vmem>>, vector<1x16xf32>,
        %get3A_334 = vector.shape_cast %get3A_333 : vector<1x16xf32> to vector<16xf32>
        %add3A_335 = arith.addf %get3A_330, %get3A_334 : vector<16xf32>
        %swap3A_336 = arith.index_cast %add3A_216 : i32 to index
        %swap3A_337 = arith.constant 128 : index
        %swap3A_338 = tpu.vector_load %arg9[%swap3A_336, %swap3A_337] {strides = array<i32>} : memref<32x768xf32, #tpu.memory_space<vmem>>, vector<1x16xf32>,
        %swap3A_339 = vector.shape_cast %swap3A_338 : vector<1x16xf32> to vector<16xf32>
        %swap3A_340 = vector.shape_cast %add3A_335 : vector<16xf32> to vector<1x16xf32>
        tpu.vector_store %arg9[%swap3A_336, %swap3A_337], %swap3A_340 {strides = array<i32>} : memref<32x768xf32, #tpu.memory_space<vmem>>, vector<1x16xf32>,
        %get3A_341 = arith.index_cast %add3A_216 : i32 to index
        %get3A_342 = arith.constant 144 : index
        %get3A_343 = tpu.vector_load %arg9[%get3A_341, %get3A_342] {strides = array<i32>} : memref<32x768xf32, #tpu.memory_space<vmem>>, vector<1x16xf32>,
        %get3A_344 = vector.shape_cast %get3A_343 : vector<1x16xf32> to vector<16xf32>
        %get3A_345 = arith.index_cast %add3A_216 : i32 to index
        %get3A_346 = arith.constant 144 : index
        %get3A_347 = tpu.vector_load %arg7[%get3A_345, %get3A_346] {strides = array<i32>} : memref<32x768xf32, #tpu.memory_space<vmem>>, vector<1x16xf32>,
        %get3A_348 = vector.shape_cast %get3A_347 : vector<1x16xf32> to vector<16xf32>
        %add3A_349 = arith.addf %get3A_344, %get3A_348 : vector<16xf32>
        %swap3A_350 = arith.index_cast %add3A_216 : i32 to index
        %swap3A_351 = arith.constant 144 : index
        %swap3A_352 = tpu.vector_load %arg9[%swap3A_350, %swap3A_351] {strides = array<i32>} : memref<32x768xf32, #tpu.memory_space<vmem>>, vector<1x16xf32>,
        %swap3A_353 = vector.shape_cast %swap3A_352 : vector<1x16xf32> to vector<16xf32>
        %swap3A_354 = vector.shape_cast %add3A_349 : vector<16xf32> to vector<1x16xf32>
        tpu.vector_store %arg9[%swap3A_350, %swap3A_351], %swap3A_354 {strides = array<i32>} : memref<32x768xf32, #tpu.memory_space<vmem>>, vector<1x16xf32>,
        %get3A_355 = arith.index_cast %add3A_216 : i32 to index
        %get3A_356 = arith.constant 160 : index
        %get3A_357 = tpu.vector_load %arg9[%get3A_355, %get3A_356] {strides = array<i32>} : memref<32x768xf32, #tpu.memory_space<vmem>>, vector<1x16xf32>,
        %get3A_358 = vector.shape_cast %get3A_357 : vector<1x16xf32> to vector<16xf32>
        %get3A_359 = arith.index_cast %add3A_216 : i32 to index
        %get3A_360 = arith.constant 160 : index
        %get3A_361 = tpu.vector_load %arg7[%get3A_359, %get3A_360] {strides = array<i32>} : memref<32x768xf32, #tpu.memory_space<vmem>>, vector<1x16xf32>,
        %get3A_362 = vector.shape_cast %get3A_361 : vector<1x16xf32> to vector<16xf32>
        %add3A_363 = arith.addf %get3A_358, %get3A_362 : vector<16xf32>
        %swap3A_364 = arith.index_cast %add3A_216 : i32 to index
        %swap3A_365 = arith.constant 160 : index
        %swap3A_366 = tpu.vector_load %arg9[%swap3A_364, %swap3A_365] {strides = array<i32>} : memref<32x768xf32, #tpu.memory_space<vmem>>, vector<1x16xf32>,
        %swap3A_367 = vector.shape_cast %swap3A_366 : vector<1x16xf32> to vector<16xf32>
        %swap3A_368 = vector.shape_cast %add3A_363 : vector<16xf32> to vector<1x16xf32>
        tpu.vector_store %arg9[%swap3A_364, %swap3A_365], %swap3A_368 {strides = array<i32>} : memref<32x768xf32, #tpu.memory_space<vmem>>, vector<1x16xf32>,
        %get3A_369 = arith.index_cast %add3A_216 : i32 to index
        %get3A_370 = arith.constant 176 : index
        %get3A_371 = tpu.vector_load %arg9[%get3A_369, %get3A_370] {strides = array<i32>} : memref<32x768xf32, #tpu.memory_space<vmem>>, vector<1x16xf32>,
        %get3A_372 = vector.shape_cast %get3A_371 : vector<1x16xf32> to vector<16xf32>
        %get3A_373 = arith.index_cast %add3A_216 : i32 to index
        %get3A_374 = arith.constant 176 : index
        %get3A_375 = tpu.vector_load %arg7[%get3A_373, %get3A_374] {strides = array<i32>} : memref<32x768xf32, #tpu.memory_space<vmem>>, vector<1x16xf32>,
        %get3A_376 = vector.shape_cast %get3A_375 : vector<1x16xf32> to vector<16xf32>
        %add3A_377 = arith.addf %get3A_372, %get3A_376 : vector<16xf32>
        %swap3A_378 = arith.index_cast %add3A_216 : i32 to index
        %swap3A_379 = arith.constant 176 : index
        %swap3A_380 = tpu.vector_load %arg9[%swap3A_378, %swap3A_379] {strides = array<i32>} : memref<32x768xf32, #tpu.memory_space<vmem>>, vector<1x16xf32>,
        %swap3A_381 = vector.shape_cast %swap3A_380 : vector<1x16xf32> to vector<16xf32>
        %swap3A_382 = vector.shape_cast %add3A_377 : vector<16xf32> to vector<1x16xf32>
        tpu.vector_store %arg9[%swap3A_378, %swap3A_379], %swap3A_382 {strides = array<i32>} : memref<32x768xf32, #tpu.memory_space<vmem>>, vector<1x16xf32>,
        %get3A_383 = arith.index_cast %add3A_216 : i32 to index
        %get3A_384 = arith.constant 192 : index
        %get3A_385 = tpu.vector_load %arg9[%get3A_383, %get3A_384] {strides = array<i32>} : memref<32x768xf32, #tpu.memory_space<vmem>>, vector<1x16xf32>,
        %get3A_386 = vector.shape_cast %get3A_385 : vector<1x16xf32> to vector<16xf32>
        %get3A_387 = arith.index_cast %add3A_216 : i32 to index
        %get3A_388 = arith.constant 192 : index
        %get3A_389 = tpu.vector_load %arg7[%get3A_387, %get3A_388] {strides = array<i32>} : memref<32x768xf32, #tpu.memory_space<vmem>>, vector<1x16xf32>,
        %get3A_390 = vector.shape_cast %get3A_389 : vector<1x16xf32> to vector<16xf32>
        %add3A_391 = arith.addf %get3A_386, %get3A_390 : vector<16xf32>
        %swap3A_392 = arith.index_cast %add3A_216 : i32 to index
        %swap3A_393 = arith.constant 192 : index
        %swap3A_394 = tpu.vector_load %arg9[%swap3A_392, %swap3A_393] {strides = array<i32>} : memref<32x768xf32, #tpu.memory_space<vmem>>, vector<1x16xf32>,
        %swap3A_395 = vector.shape_cast %swap3A_394 : vector<1x16xf32> to vector<16xf32>
        %swap3A_396 = vector.shape_cast %add3A_391 : vector<16xf32> to vector<1x16xf32>
        tpu.vector_store %arg9[%swap3A_392, %swap3A_393], %swap3A_396 {strides = array<i32>} : memref<32x768xf32, #tpu.memory_space<vmem>>, vector<1x16xf32>,
        %get3A_397 = arith.index_cast %add3A_216 : i32 to index
        %get3A_398 = arith.constant 208 : index
        %get3A_399 = tpu.vector_load %arg9[%get3A_397, %get3A_398] {strides = array<i32>} : memref<32x768xf32, #tpu.memory_space<vmem>>, vector<1x16xf32>,
        %get3A_400 = vector.shape_cast %get3A_399 : vector<1x16xf32> to vector<16xf32>
        %get3A_401 = arith.index_cast %add3A_216 : i32 to index
        %get3A_402 = arith.constant 208 : index
        %get3A_403 = tpu.vector_load %arg7[%get3A_401, %get3A_402] {strides = array<i32>} : memref<32x768xf32, #tpu.memory_space<vmem>>, vector<1x16xf32>,
        %get3A_404 = vector.shape_cast %get3A_403 : vector<1x16xf32> to vector<16xf32>
        %add3A_405 = arith.addf %get3A_400, %get3A_404 : vector<16xf32>
        %swap3A_406 = arith.index_cast %add3A_216 : i32 to index
        %swap3A_407 = arith.constant 208 : index
        %swap3A_408 = tpu.vector_load %arg9[%swap3A_406, %swap3A_407] {strides = array<i32>} : memref<32x768xf32, #tpu.memory_space<vmem>>, vector<1x16xf32>,
        %swap3A_409 = vector.shape_cast %swap3A_408 : vector<1x16xf32> to vector<16xf32>
        %swap3A_410 = vector.shape_cast %add3A_405 : vector<16xf32> to vector<1x16xf32>
        tpu.vector_store %arg9[%swap3A_406, %swap3A_407], %swap3A_410 {strides = array<i32>} : memref<32x768xf32, #tpu.memory_space<vmem>>, vector<1x16xf32>,
        %get3A_411 = arith.index_cast %add3A_216 : i32 to index
        %get3A_412 = arith.constant 224 : index
        %get3A_413 = tpu.vector_load %arg9[%get3A_411, %get3A_412] {strides = array<i32>} : memref<32x768xf32, #tpu.memory_space<vmem>>, vector<1x16xf32>,
        %get3A_414 = vector.shape_cast %get3A_413 : vector<1x16xf32> to vector<16xf32>
        %get3A_415 = arith.index_cast %add3A_216 : i32 to index
        %get3A_416 = arith.constant 224 : index
        %get3A_417 = tpu.vector_load %arg7[%get3A_415, %get3A_416] {strides = array<i32>} : memref<32x768xf32, #tpu.memory_space<vmem>>, vector<1x16xf32>,
        %get3A_418 = vector.shape_cast %get3A_417 : vector<1x16xf32> to vector<16xf32>
        %add3A_419 = arith.addf %get3A_414, %get3A_418 : vector<16xf32>
        %swap3A_420 = arith.index_cast %add3A_216 : i32 to index
        %swap3A_421 = arith.constant 224 : index
        %swap3A_422 = tpu.vector_load %arg9[%swap3A_420, %swap3A_421] {strides = array<i32>} : memref<32x768xf32, #tpu.memory_space<vmem>>, vector<1x16xf32>,
        %swap3A_423 = vector.shape_cast %swap3A_422 : vector<1x16xf32> to vector<16xf32>
        %swap3A_424 = vector.shape_cast %add3A_419 : vector<16xf32> to vector<1x16xf32>
        tpu.vector_store %arg9[%swap3A_420, %swap3A_421], %swap3A_424 {strides = array<i32>} : memref<32x768xf32, #tpu.memory_space<vmem>>, vector<1x16xf32>,
        %get3A_425 = arith.index_cast %add3A_216 : i32 to index
        %get3A_426 = arith.constant 240 : index
        %get3A_427 = tpu.vector_load %arg9[%get3A_425, %get3A_426] {strides = array<i32>} : memref<32x768xf32, #tpu.memory_space<vmem>>, vector<1x16xf32>,
        %get3A_428 = vector.shape_cast %get3A_427 : vector<1x16xf32> to vector<16xf32>
        %get3A_429 = arith.index_cast %add3A_216 : i32 to index
        %get3A_430 = arith.constant 240 : index
        %get3A_431 = tpu.vector_load %arg7[%get3A_429, %get3A_430] {strides = array<i32>} : memref<32x768xf32, #tpu.memory_space<vmem>>, vector<1x16xf32>,
        %get3A_432 = vector.shape_cast %get3A_431 : vector<1x16xf32> to vector<16xf32>
        %add3A_433 = arith.addf %get3A_428, %get3A_432 : vector<16xf32>
        %swap3A_434 = arith.index_cast %add3A_216 : i32 to index
        %swap3A_435 = arith.constant 240 : index
        %swap3A_436 = tpu.vector_load %arg9[%swap3A_434, %swap3A_435] {strides = array<i32>} : memref<32x768xf32, #tpu.memory_space<vmem>>, vector<1x16xf32>,
        %swap3A_437 = vector.shape_cast %swap3A_436 : vector<1x16xf32> to vector<16xf32>
        %swap3A_438 = vector.shape_cast %add3A_433 : vector<16xf32> to vector<1x16xf32>
        tpu.vector_store %arg9[%swap3A_434, %swap3A_435], %swap3A_438 {strides = array<i32>} : memref<32x768xf32, #tpu.memory_space<vmem>>, vector<1x16xf32>,
        %get3A_439 = arith.index_cast %add3A_216 : i32 to index
        %get3A_440 = arith.constant 256 : index
        %get3A_441 = tpu.vector_load %arg9[%get3A_439, %get3A_440] {strides = array<i32>} : memref<32x768xf32, #tpu.memory_space<vmem>>, vector<1x16xf32>,
        %get3A_442 = vector.shape_cast %get3A_441 : vector<1x16xf32> to vector<16xf32>
        %get3A_443 = arith.index_cast %add3A_216 : i32 to index
        %get3A_444 = arith.constant 256 : index
        %get3A_445 = tpu.vector_load %arg7[%get3A_443, %get3A_444] {strides = array<i32>} : memref<32x768xf32, #tpu.memory_space<vmem>>, vector<1x16xf32>,
        %get3A_446 = vector.shape_cast %get3A_445 : vector<1x16xf32> to vector<16xf32>
        %add3A_447 = arith.addf %get3A_442, %get3A_446 : vector<16xf32>
        %swap3A_448 = arith.index_cast %add3A_216 : i32 to index
        %swap3A_449 = arith.constant 256 : index
        %swap3A_450 = tpu.vector_load %arg9[%swap3A_448, %swap3A_449] {strides = array<i32>} : memref<32x768xf32, #tpu.memory_space<vmem>>, vector<1x16xf32>,
        %swap3A_451 = vector.shape_cast %swap3A_450 : vector<1x16xf32> to vector<16xf32>
        %swap3A_452 = vector.shape_cast %add3A_447 : vector<16xf32> to vector<1x16xf32>
        tpu.vector_store %arg9[%swap3A_448, %swap3A_449], %swap3A_452 {strides = array<i32>} : memref<32x768xf32, #tpu.memory_space<vmem>>, vector<1x16xf32>,
        %get3A_453 = arith.index_cast %add3A_216 : i32 to index
        %get3A_454 = arith.constant 272 : index
        %get3A_455 = tpu.vector_load %arg9[%get3A_453, %get3A_454] {strides = array<i32>} : memref<32x768xf32, #tpu.memory_space<vmem>>, vector<1x16xf32>,
        %get3A_456 = vector.shape_cast %get3A_455 : vector<1x16xf32> to vector<16xf32>
        %get3A_457 = arith.index_cast %add3A_216 : i32 to index
        %get3A_458 = arith.constant 272 : index
        %get3A_459 = tpu.vector_load %arg7[%get3A_457, %get3A_458] {strides = array<i32>} : memref<32x768xf32, #tpu.memory_space<vmem>>, vector<1x16xf32>,
        %get3A_460 = vector.shape_cast %get3A_459 : vector<1x16xf32> to vector<16xf32>
        %add3A_461 = arith.addf %get3A_456, %get3A_460 : vector<16xf32>
        %swap3A_462 = arith.index_cast %add3A_216 : i32 to index
        %swap3A_463 = arith.constant 272 : index
        %swap3A_464 = tpu.vector_load %arg9[%swap3A_462, %swap3A_463] {strides = array<i32>} : memref<32x768xf32, #tpu.memory_space<vmem>>, vector<1x16xf32>,
        %swap3A_465 = vector.shape_cast %swap3A_464 : vector<1x16xf32> to vector<16xf32>
        %swap3A_466 = vector.shape_cast %add3A_461 : vector<16xf32> to vector<1x16xf32>
        tpu.vector_store %arg9[%swap3A_462, %swap3A_463], %swap3A_466 {strides = array<i32>} : memref<32x768xf32, #tpu.memory_space<vmem>>, vector<1x16xf32>,
        %get3A_467 = arith.index_cast %add3A_216 : i32 to index
        %get3A_468 = arith.constant 288 : index
        %get3A_469 = tpu.vector_load %arg9[%get3A_467, %get3A_468] {strides = array<i32>} : memref<32x768xf32, #tpu.memory_space<vmem>>, vector<1x16xf32>,
        %get3A_470 = vector.shape_cast %get3A_469 : vector<1x16xf32> to vector<16xf32>
        %get3A_471 = arith.index_cast %add3A_216 : i32 to index
        %get3A_472 = arith.constant 288 : index
        %get3A_473 = tpu.vector_load %arg7[%get3A_471, %get3A_472] {strides = array<i32>} : memref<32x768xf32, #tpu.memory_space<vmem>>, vector<1x16xf32>,
        %get3A_474 = vector.shape_cast %get3A_473 : vector<1x16xf32> to vector<16xf32>
        %add3A_475 = arith.addf %get3A_470, %get3A_474 : vector<16xf32>
        %swap3A_476 = arith.index_cast %add3A_216 : i32 to index
        %swap3A_477 = arith.constant 288 : index
        %swap3A_478 = tpu.vector_load %arg9[%swap3A_476, %swap3A_477] {strides = array<i32>} : memref<32x768xf32, #tpu.memory_space<vmem>>, vector<1x16xf32>,
        %swap3A_479 = vector.shape_cast %swap3A_478 : vector<1x16xf32> to vector<16xf32>
        %swap3A_480 = vector.shape_cast %add3A_475 : vector<16xf32> to vector<1x16xf32>
        tpu.vector_store %arg9[%swap3A_476, %swap3A_477], %swap3A_480 {strides = array<i32>} : memref<32x768xf32, #tpu.memory_space<vmem>>, vector<1x16xf32>,
        %get3A_481 = arith.index_cast %add3A_216 : i32 to index
        %get3A_482 = arith.constant 304 : index
        %get3A_483 = tpu.vector_load %arg9[%get3A_481, %get3A_482] {strides = array<i32>} : memref<32x768xf32, #tpu.memory_space<vmem>>, vector<1x16xf32>,
        %get3A_484 = vector.shape_cast %get3A_483 : vector<1x16xf32> to vector<16xf32>
        %get3A_485 = arith.index_cast %add3A_216 : i32 to index
        %get3A_486 = arith.constant 304 : index
        %get3A_487 = tpu.vector_load %arg7[%get3A_485, %get3A_486] {strides = array<i32>} : memref<32x768xf32, #tpu.memory_space<vmem>>, vector<1x16xf32>,
        %get3A_488 = vector.shape_cast %get3A_487 : vector<1x16xf32> to vector<16xf32>
        %add3A_489 = arith.addf %get3A_484, %get3A_488 : vector<16xf32>
        %swap3A_490 = arith.index_cast %add3A_216 : i32 to index
        %swap3A_491 = arith.constant 304 : index
        %swap3A_492 = tpu.vector_load %arg9[%swap3A_490, %swap3A_491] {strides = array<i32>} : memref<32x768xf32, #tpu.memory_space<vmem>>, vector<1x16xf32>,
        %swap3A_493 = vector.shape_cast %swap3A_492 : vector<1x16xf32> to vector<16xf32>
        %swap3A_494 = vector.shape_cast %add3A_489 : vector<16xf32> to vector<1x16xf32>
        tpu.vector_store %arg9[%swap3A_490, %swap3A_491], %swap3A_494 {strides = array<i32>} : memref<32x768xf32, #tpu.memory_space<vmem>>, vector<1x16xf32>,
        %get3A_495 = arith.index_cast %add3A_216 : i32 to index
        %get3A_496 = arith.constant 320 : index
        %get3A_497 = tpu.vector_load %arg9[%get3A_495, %get3A_496] {strides = array<i32>} : memref<32x768xf32, #tpu.memory_space<vmem>>, vector<1x16xf32>,
        %get3A_498 = vector.shape_cast %get3A_497 : vector<1x16xf32> to vector<16xf32>
        %get3A_499 = arith.index_cast %add3A_216 : i32 to index
        %get3A_500 = arith.constant 320 : index
        %get3A_501 = tpu.vector_load %arg7[%get3A_499, %get3A_500] {strides = array<i32>} : memref<32x768xf32, #tpu.memory_space<vmem>>, vector<1x16xf32>,
        %get3A_502 = vector.shape_cast %get3A_501 : vector<1x16xf32> to vector<16xf32>
        %add3A_503 = arith.addf %get3A_498, %get3A_502 : vector<16xf32>
        %swap3A_504 = arith.index_cast %add3A_216 : i32 to index
        %swap3A_505 = arith.constant 320 : index
        %swap3A_506 = tpu.vector_load %arg9[%swap3A_504, %swap3A_505] {strides = array<i32>} : memref<32x768xf32, #tpu.memory_space<vmem>>, vector<1x16xf32>,
        %swap3A_507 = vector.shape_cast %swap3A_506 : vector<1x16xf32> to vector<16xf32>
        %swap3A_508 = vector.shape_cast %add3A_503 : vector<16xf32> to vector<1x16xf32>
        tpu.vector_store %arg9[%swap3A_504, %swap3A_505], %swap3A_508 {strides = array<i32>} : memref<32x768xf32, #tpu.memory_space<vmem>>, vector<1x16xf32>,
        %get3A_509 = arith.index_cast %add3A_216 : i32 to index
        %get3A_510 = arith.constant 336 : index
        %get3A_511 = tpu.vector_load %arg9[%get3A_509, %get3A_510] {strides = array<i32>} : memref<32x768xf32, #tpu.memory_space<vmem>>, vector<1x16xf32>,
        %get3A_512 = vector.shape_cast %get3A_511 : vector<1x16xf32> to vector<16xf32>
        %get3A_513 = arith.index_cast %add3A_216 : i32 to index
        %get3A_514 = arith.constant 336 : index
        %get3A_515 = tpu.vector_load %arg7[%get3A_513, %get3A_514] {strides = array<i32>} : memref<32x768xf32, #tpu.memory_space<vmem>>, vector<1x16xf32>,
        %get3A_516 = vector.shape_cast %get3A_515 : vector<1x16xf32> to vector<16xf32>
        %add3A_517 = arith.addf %get3A_512, %get3A_516 : vector<16xf32>
        %swap3A_518 = arith.index_cast %add3A_216 : i32 to index
        %swap3A_519 = arith.constant 336 : index
        %swap3A_520 = tpu.vector_load %arg9[%swap3A_518, %swap3A_519] {strides = array<i32>} : memref<32x768xf32, #tpu.memory_space<vmem>>, vector<1x16xf32>,
        %swap3A_521 = vector.shape_cast %swap3A_520 : vector<1x16xf32> to vector<16xf32>
        %swap3A_522 = vector.shape_cast %add3A_517 : vector<16xf32> to vector<1x16xf32>
        tpu.vector_store %arg9[%swap3A_518, %swap3A_519], %swap3A_522 {strides = array<i32>} : memref<32x768xf32, #tpu.memory_space<vmem>>, vector<1x16xf32>,
        %get3A_523 = arith.index_cast %add3A_216 : i32 to index
        %get3A_524 = arith.constant 352 : index
        %get3A_525 = tpu.vector_load %arg9[%get3A_523, %get3A_524] {strides = array<i32>} : memref<32x768xf32, #tpu.memory_space<vmem>>, vector<1x16xf32>,
        %get3A_526 = vector.shape_cast %get3A_525 : vector<1x16xf32> to vector<16xf32>
        %get3A_527 = arith.index_cast %add3A_216 : i32 to index
        %get3A_528 = arith.constant 352 : index
        %get3A_529 = tpu.vector_load %arg7[%get3A_527, %get3A_528] {strides = array<i32>} : memref<32x768xf32, #tpu.memory_space<vmem>>, vector<1x16xf32>,
        %get3A_530 = vector.shape_cast %get3A_529 : vector<1x16xf32> to vector<16xf32>
        %add3A_531 = arith.addf %get3A_526, %get3A_530 : vector<16xf32>
        %swap3A_532 = arith.index_cast %add3A_216 : i32 to index
        %swap3A_533 = arith.constant 352 : index
        %swap3A_534 = tpu.vector_load %arg9[%swap3A_532, %swap3A_533] {strides = array<i32>} : memref<32x768xf32, #tpu.memory_space<vmem>>, vector<1x16xf32>,
        %swap3A_535 = vector.shape_cast %swap3A_534 : vector<1x16xf32> to vector<16xf32>
        %swap3A_536 = vector.shape_cast %add3A_531 : vector<16xf32> to vector<1x16xf32>
        tpu.vector_store %arg9[%swap3A_532, %swap3A_533], %swap3A_536 {strides = array<i32>} : memref<32x768xf32, #tpu.memory_space<vmem>>, vector<1x16xf32>,
        %get3A_537 = arith.index_cast %add3A_216 : i32 to index
        %get3A_538 = arith.constant 368 : index
        %get3A_539 = tpu.vector_load %arg9[%get3A_537, %get3A_538] {strides = array<i32>} : memref<32x768xf32, #tpu.memory_space<vmem>>, vector<1x16xf32>,
        %get3A_540 = vector.shape_cast %get3A_539 : vector<1x16xf32> to vector<16xf32>
        %get3A_541 = arith.index_cast %add3A_216 : i32 to index
        %get3A_542 = arith.constant 368 : index
        %get3A_543 = tpu.vector_load %arg7[%get3A_541, %get3A_542] {strides = array<i32>} : memref<32x768xf32, #tpu.memory_space<vmem>>, vector<1x16xf32>,
        %get3A_544 = vector.shape_cast %get3A_543 : vector<1x16xf32> to vector<16xf32>
        %add3A_545 = arith.addf %get3A_540, %get3A_544 : vector<16xf32>
        %swap3A_546 = arith.index_cast %add3A_216 : i32 to index
        %swap3A_547 = arith.constant 368 : index
        %swap3A_548 = tpu.vector_load %arg9[%swap3A_546, %swap3A_547] {strides = array<i32>} : memref<32x768xf32, #tpu.memory_space<vmem>>, vector<1x16xf32>,
        %swap3A_549 = vector.shape_cast %swap3A_548 : vector<1x16xf32> to vector<16xf32>
        %swap3A_550 = vector.shape_cast %add3A_545 : vector<16xf32> to vector<1x16xf32>
        tpu.vector_store %arg9[%swap3A_546, %swap3A_547], %swap3A_550 {strides = array<i32>} : memref<32x768xf32, #tpu.memory_space<vmem>>, vector<1x16xf32>,
        %get3A_551 = arith.index_cast %add3A_216 : i32 to index
        %get3A_552 = arith.constant 384 : index
        %get3A_553 = tpu.vector_load %arg9[%get3A_551, %get3A_552] {strides = array<i32>} : memref<32x768xf32, #tpu.memory_space<vmem>>, vector<1x16xf32>,
        %get3A_554 = vector.shape_cast %get3A_553 : vector<1x16xf32> to vector<16xf32>
        %get3A_555 = arith.index_cast %add3A_216 : i32 to index
        %get3A_556 = arith.constant 384 : index
        %get3A_557 = tpu.vector_load %arg7[%get3A_555, %get3A_556] {strides = array<i32>} : memref<32x768xf32, #tpu.memory_space<vmem>>, vector<1x16xf32>,
        %get3A_558 = vector.shape_cast %get3A_557 : vector<1x16xf32> to vector<16xf32>
        %add3A_559 = arith.addf %get3A_554, %get3A_558 : vector<16xf32>
        %swap3A_560 = arith.index_cast %add3A_216 : i32 to index
        %swap3A_561 = arith.constant 384 : index
        %swap3A_562 = tpu.vector_load %arg9[%swap3A_560, %swap3A_561] {strides = array<i32>} : memref<32x768xf32, #tpu.memory_space<vmem>>, vector<1x16xf32>,
        %swap3A_563 = vector.shape_cast %swap3A_562 : vector<1x16xf32> to vector<16xf32>
        %swap3A_564 = vector.shape_cast %add3A_559 : vector<16xf32> to vector<1x16xf32>
        tpu.vector_store %arg9[%swap3A_560, %swap3A_561], %swap3A_564 {strides = array<i32>} : memref<32x768xf32, #tpu.memory_space<vmem>>, vector<1x16xf32>,
        %get3A_565 = arith.index_cast %add3A_216 : i32 to index
        %get3A_566 = arith.constant 400 : index
        %get3A_567 = tpu.vector_load %arg9[%get3A_565, %get3A_566] {strides = array<i32>} : memref<32x768xf32, #tpu.memory_space<vmem>>, vector<1x16xf32>,
        %get3A_568 = vector.shape_cast %get3A_567 : vector<1x16xf32> to vector<16xf32>
        %get3A_569 = arith.index_cast %add3A_216 : i32 to index
        %get3A_570 = arith.constant 400 : index
        %get3A_571 = tpu.vector_load %arg7[%get3A_569, %get3A_570] {strides = array<i32>} : memref<32x768xf32, #tpu.memory_space<vmem>>, vector<1x16xf32>,
        %get3A_572 = vector.shape_cast %get3A_571 : vector<1x16xf32> to vector<16xf32>
        %add3A_573 = arith.addf %get3A_568, %get3A_572 : vector<16xf32>
        %swap3A_574 = arith.index_cast %add3A_216 : i32 to index
        %swap3A_575 = arith.constant 400 : index
        %swap3A_576 = tpu.vector_load %arg9[%swap3A_574, %swap3A_575] {strides = array<i32>} : memref<32x768xf32, #tpu.memory_space<vmem>>, vector<1x16xf32>,
        %swap3A_577 = vector.shape_cast %swap3A_576 : vector<1x16xf32> to vector<16xf32>
        %swap3A_578 = vector.shape_cast %add3A_573 : vector<16xf32> to vector<1x16xf32>
        tpu.vector_store %arg9[%swap3A_574, %swap3A_575], %swap3A_578 {strides = array<i32>} : memref<32x768xf32, #tpu.memory_space<vmem>>, vector<1x16xf32>,
        %get3A_579 = arith.index_cast %add3A_216 : i32 to index
        %get3A_580 = arith.constant 416 : index
        %get3A_581 = tpu.vector_load %arg9[%get3A_579, %get3A_580] {strides = array<i32>} : memref<32x768xf32, #tpu.memory_space<vmem>>, vector<1x16xf32>,
        %get3A_582 = vector.shape_cast %get3A_581 : vector<1x16xf32> to vector<16xf32>
        %get3A_583 = arith.index_cast %add3A_216 : i32 to index
        %get3A_584 = arith.constant 416 : index
        %get3A_585 = tpu.vector_load %arg7[%get3A_583, %get3A_584] {strides = array<i32>} : memref<32x768xf32, #tpu.memory_space<vmem>>, vector<1x16xf32>,
        %get3A_586 = vector.shape_cast %get3A_585 : vector<1x16xf32> to vector<16xf32>
        %add3A_587 = arith.addf %get3A_582, %get3A_586 : vector<16xf32>
        %swap3A_588 = arith.index_cast %add3A_216 : i32 to index
        %swap3A_589 = arith.constant 416 : index
        %swap3A_590 = tpu.vector_load %arg9[%swap3A_588, %swap3A_589] {strides = array<i32>} : memref<32x768xf32, #tpu.memory_space<vmem>>, vector<1x16xf32>,
        %swap3A_591 = vector.shape_cast %swap3A_590 : vector<1x16xf32> to vector<16xf32>
        %swap3A_592 = vector.shape_cast %add3A_587 : vector<16xf32> to vector<1x16xf32>
        tpu.vector_store %arg9[%swap3A_588, %swap3A_589], %swap3A_592 {strides = array<i32>} : memref<32x768xf32, #tpu.memory_space<vmem>>, vector<1x16xf32>,
        %get3A_593 = arith.index_cast %add3A_216 : i32 to index
        %get3A_594 = arith.constant 432 : index
        %get3A_595 = tpu.vector_load %arg9[%get3A_593, %get3A_594] {strides = array<i32>} : memref<32x768xf32, #tpu.memory_space<vmem>>, vector<1x16xf32>,
        %get3A_596 = vector.shape_cast %get3A_595 : vector<1x16xf32> to vector<16xf32>
        %get3A_597 = arith.index_cast %add3A_216 : i32 to index
        %get3A_598 = arith.constant 432 : index
        %get3A_599 = tpu.vector_load %arg7[%get3A_597, %get3A_598] {strides = array<i32>} : memref<32x768xf32, #tpu.memory_space<vmem>>, vector<1x16xf32>,
        %get3A_600 = vector.shape_cast %get3A_599 : vector<1x16xf32> to vector<16xf32>
        %add3A_601 = arith.addf %get3A_596, %get3A_600 : vector<16xf32>
        %swap3A_602 = arith.index_cast %add3A_216 : i32 to index
        %swap3A_603 = arith.constant 432 : index
        %swap3A_604 = tpu.vector_load %arg9[%swap3A_602, %swap3A_603] {strides = array<i32>} : memref<32x768xf32, #tpu.memory_space<vmem>>, vector<1x16xf32>,
        %swap3A_605 = vector.shape_cast %swap3A_604 : vector<1x16xf32> to vector<16xf32>
        %swap3A_606 = vector.shape_cast %add3A_601 : vector<16xf32> to vector<1x16xf32>
        tpu.vector_store %arg9[%swap3A_602, %swap3A_603], %swap3A_606 {strides = array<i32>} : memref<32x768xf32, #tpu.memory_space<vmem>>, vector<1x16xf32>,
        %get3A_607 = arith.index_cast %add3A_216 : i32 to index
        %get3A_608 = arith.constant 448 : index
        %get3A_609 = tpu.vector_load %arg9[%get3A_607, %get3A_608] {strides = array<i32>} : memref<32x768xf32, #tpu.memory_space<vmem>>, vector<1x16xf32>,
        %get3A_610 = vector.shape_cast %get3A_609 : vector<1x16xf32> to vector<16xf32>
        %get3A_611 = arith.index_cast %add3A_216 : i32 to index
        %get3A_612 = arith.constant 448 : index
        %get3A_613 = tpu.vector_load %arg7[%get3A_611, %get3A_612] {strides = array<i32>} : memref<32x768xf32, #tpu.memory_space<vmem>>, vector<1x16xf32>,
        %get3A_614 = vector.shape_cast %get3A_613 : vector<1x16xf32> to vector<16xf32>
        %add3A_615 = arith.addf %get3A_610, %get3A_614 : vector<16xf32>
        %swap3A_616 = arith.index_cast %add3A_216 : i32 to index
        %swap3A_617 = arith.constant 448 : index
        %swap3A_618 = tpu.vector_load %arg9[%swap3A_616, %swap3A_617] {strides = array<i32>} : memref<32x768xf32, #tpu.memory_space<vmem>>, vector<1x16xf32>,
        %swap3A_619 = vector.shape_cast %swap3A_618 : vector<1x16xf32> to vector<16xf32>
        %swap3A_620 = vector.shape_cast %add3A_615 : vector<16xf32> to vector<1x16xf32>
        tpu.vector_store %arg9[%swap3A_616, %swap3A_617], %swap3A_620 {strides = array<i32>} : memref<32x768xf32, #tpu.memory_space<vmem>>, vector<1x16xf32>,
        %get3A_621 = arith.index_cast %add3A_216 : i32 to index
        %get3A_622 = arith.constant 464 : index
        %get3A_623 = tpu.vector_load %arg9[%get3A_621, %get3A_622] {strides = array<i32>} : memref<32x768xf32, #tpu.memory_space<vmem>>, vector<1x16xf32>,
        %get3A_624 = vector.shape_cast %get3A_623 : vector<1x16xf32> to vector<16xf32>
        %get3A_625 = arith.index_cast %add3A_216 : i32 to index
        %get3A_626 = arith.constant 464 : index
        %get3A_627 = tpu.vector_load %arg7[%get3A_625, %get3A_626] {strides = array<i32>} : memref<32x768xf32, #tpu.memory_space<vmem>>, vector<1x16xf32>,
        %get3A_628 = vector.shape_cast %get3A_627 : vector<1x16xf32> to vector<16xf32>
        %add3A_629 = arith.addf %get3A_624, %get3A_628 : vector<16xf32>
        %swap3A_630 = arith.index_cast %add3A_216 : i32 to index
        %swap3A_631 = arith.constant 464 : index
        %swap3A_632 = tpu.vector_load %arg9[%swap3A_630, %swap3A_631] {strides = array<i32>} : memref<32x768xf32, #tpu.memory_space<vmem>>, vector<1x16xf32>,
        %swap3A_633 = vector.shape_cast %swap3A_632 : vector<1x16xf32> to vector<16xf32>
        %swap3A_634 = vector.shape_cast %add3A_629 : vector<16xf32> to vector<1x16xf32>
        tpu.vector_store %arg9[%swap3A_630, %swap3A_631], %swap3A_634 {strides = array<i32>} : memref<32x768xf32, #tpu.memory_space<vmem>>, vector<1x16xf32>,
        %get3A_635 = arith.index_cast %add3A_216 : i32 to index
        %get3A_636 = arith.constant 480 : index
        %get3A_637 = tpu.vector_load %arg9[%get3A_635, %get3A_636] {strides = array<i32>} : memref<32x768xf32, #tpu.memory_space<vmem>>, vector<1x16xf32>,
        %get3A_638 = vector.shape_cast %get3A_637 : vector<1x16xf32> to vector<16xf32>
        %get3A_639 = arith.index_cast %add3A_216 : i32 to index
        %get3A_640 = arith.constant 480 : index
        %get3A_641 = tpu.vector_load %arg7[%get3A_639, %get3A_640] {strides = array<i32>} : memref<32x768xf32, #tpu.memory_space<vmem>>, vector<1x16xf32>,
        %get3A_642 = vector.shape_cast %get3A_641 : vector<1x16xf32> to vector<16xf32>
        %add3A_643 = arith.addf %get3A_638, %get3A_642 : vector<16xf32>
        %swap3A_644 = arith.index_cast %add3A_216 : i32 to index
        %swap3A_645 = arith.constant 480 : index
        %swap3A_646 = tpu.vector_load %arg9[%swap3A_644, %swap3A_645] {strides = array<i32>} : memref<32x768xf32, #tpu.memory_space<vmem>>, vector<1x16xf32>,
        %swap3A_647 = vector.shape_cast %swap3A_646 : vector<1x16xf32> to vector<16xf32>
        %swap3A_648 = vector.shape_cast %add3A_643 : vector<16xf32> to vector<1x16xf32>
        tpu.vector_store %arg9[%swap3A_644, %swap3A_645], %swap3A_648 {strides = array<i32>} : memref<32x768xf32, #tpu.memory_space<vmem>>, vector<1x16xf32>,
        %get3A_649 = arith.index_cast %add3A_216 : i32 to index
        %get3A_650 = arith.constant 496 : index
        %get3A_651 = tpu.vector_load %arg9[%get3A_649, %get3A_650] {strides = array<i32>} : memref<32x768xf32, #tpu.memory_space<vmem>>, vector<1x16xf32>,
        %get3A_652 = vector.shape_cast %get3A_651 : vector<1x16xf32> to vector<16xf32>
        %get3A_653 = arith.index_cast %add3A_216 : i32 to index
        %get3A_654 = arith.constant 496 : index
        %get3A_655 = tpu.vector_load %arg7[%get3A_653, %get3A_654] {strides = array<i32>} : memref<32x768xf32, #tpu.memory_space<vmem>>, vector<1x16xf32>,
        %get3A_656 = vector.shape_cast %get3A_655 : vector<1x16xf32> to vector<16xf32>
        %add3A_657 = arith.addf %get3A_652, %get3A_656 : vector<16xf32>
        %swap3A_658 = arith.index_cast %add3A_216 : i32 to index
        %swap3A_659 = arith.constant 496 : index
        %swap3A_660 = tpu.vector_load %arg9[%swap3A_658, %swap3A_659] {strides = array<i32>} : memref<32x768xf32, #tpu.memory_space<vmem>>, vector<1x16xf32>,
        %swap3A_661 = vector.shape_cast %swap3A_660 : vector<1x16xf32> to vector<16xf32>
        %swap3A_662 = vector.shape_cast %add3A_657 : vector<16xf32> to vector<1x16xf32>
        tpu.vector_store %arg9[%swap3A_658, %swap3A_659], %swap3A_662 {strides = array<i32>} : memref<32x768xf32, #tpu.memory_space<vmem>>, vector<1x16xf32>,
        %get3A_663 = arith.index_cast %add3A_216 : i32 to index
        %get3A_664 = arith.constant 512 : index
        %get3A_665 = tpu.vector_load %arg9[%get3A_663, %get3A_664] {strides = array<i32>} : memref<32x768xf32, #tpu.memory_space<vmem>>, vector<1x16xf32>,
        %get3A_666 = vector.shape_cast %get3A_665 : vector<1x16xf32> to vector<16xf32>
        %get3A_667 = arith.index_cast %add3A_216 : i32 to index
        %get3A_668 = arith.constant 512 : index
        %get3A_669 = tpu.vector_load %arg7[%get3A_667, %get3A_668] {strides = array<i32>} : memref<32x768xf32, #tpu.memory_space<vmem>>, vector<1x16xf32>,
        %get3A_670 = vector.shape_cast %get3A_669 : vector<1x16xf32> to vector<16xf32>
        %add3A_671 = arith.addf %get3A_666, %get3A_670 : vector<16xf32>
        %swap3A_672 = arith.index_cast %add3A_216 : i32 to index
        %swap3A_673 = arith.constant 512 : index
        %swap3A_674 = tpu.vector_load %arg9[%swap3A_672, %swap3A_673] {strides = array<i32>} : memref<32x768xf32, #tpu.memory_space<vmem>>, vector<1x16xf32>,
        %swap3A_675 = vector.shape_cast %swap3A_674 : vector<1x16xf32> to vector<16xf32>
        %swap3A_676 = vector.shape_cast %add3A_671 : vector<16xf32> to vector<1x16xf32>
        tpu.vector_store %arg9[%swap3A_672, %swap3A_673], %swap3A_676 {strides = array<i32>} : memref<32x768xf32, #tpu.memory_space<vmem>>, vector<1x16xf32>,
        %get3A_677 = arith.index_cast %add3A_216 : i32 to index
        %get3A_678 = arith.constant 528 : index
        %get3A_679 = tpu.vector_load %arg9[%get3A_677, %get3A_678] {strides = array<i32>} : memref<32x768xf32, #tpu.memory_space<vmem>>, vector<1x16xf32>,
        %get3A_680 = vector.shape_cast %get3A_679 : vector<1x16xf32> to vector<16xf32>
        %get3A_681 = arith.index_cast %add3A_216 : i32 to index
        %get3A_682 = arith.constant 528 : index
        %get3A_683 = tpu.vector_load %arg7[%get3A_681, %get3A_682] {strides = array<i32>} : memref<32x768xf32, #tpu.memory_space<vmem>>, vector<1x16xf32>,
        %get3A_684 = vector.shape_cast %get3A_683 : vector<1x16xf32> to vector<16xf32>
        %add3A_685 = arith.addf %get3A_680, %get3A_684 : vector<16xf32>
        %swap3A_686 = arith.index_cast %add3A_216 : i32 to index
        %swap3A_687 = arith.constant 528 : index
        %swap3A_688 = tpu.vector_load %arg9[%swap3A_686, %swap3A_687] {strides = array<i32>} : memref<32x768xf32, #tpu.memory_space<vmem>>, vector<1x16xf32>,
        %swap3A_689 = vector.shape_cast %swap3A_688 : vector<1x16xf32> to vector<16xf32>
        %swap3A_690 = vector.shape_cast %add3A_685 : vector<16xf32> to vector<1x16xf32>
        tpu.vector_store %arg9[%swap3A_686, %swap3A_687], %swap3A_690 {strides = array<i32>} : memref<32x768xf32, #tpu.memory_space<vmem>>, vector<1x16xf32>,
        %get3A_691 = arith.index_cast %add3A_216 : i32 to index
        %get3A_692 = arith.constant 544 : index
        %get3A_693 = tpu.vector_load %arg9[%get3A_691, %get3A_692] {strides = array<i32>} : memref<32x768xf32, #tpu.memory_space<vmem>>, vector<1x16xf32>,
        %get3A_694 = vector.shape_cast %get3A_693 : vector<1x16xf32> to vector<16xf32>
        %get3A_695 = arith.index_cast %add3A_216 : i32 to index
        %get3A_696 = arith.constant 544 : index
        %get3A_697 = tpu.vector_load %arg7[%get3A_695, %get3A_696] {strides = array<i32>} : memref<32x768xf32, #tpu.memory_space<vmem>>, vector<1x16xf32>,
        %get3A_698 = vector.shape_cast %get3A_697 : vector<1x16xf32> to vector<16xf32>
        %add3A_699 = arith.addf %get3A_694, %get3A_698 : vector<16xf32>
        %swap3A_700 = arith.index_cast %add3A_216 : i32 to index
        %swap3A_701 = arith.constant 544 : index
        %swap3A_702 = tpu.vector_load %arg9[%swap3A_700, %swap3A_701] {strides = array<i32>} : memref<32x768xf32, #tpu.memory_space<vmem>>, vector<1x16xf32>,
        %swap3A_703 = vector.shape_cast %swap3A_702 : vector<1x16xf32> to vector<16xf32>
        %swap3A_704 = vector.shape_cast %add3A_699 : vector<16xf32> to vector<1x16xf32>
        tpu.vector_store %arg9[%swap3A_700, %swap3A_701], %swap3A_704 {strides = array<i32>} : memref<32x768xf32, #tpu.memory_space<vmem>>, vector<1x16xf32>,
        %get3A_705 = arith.index_cast %add3A_216 : i32 to index
        %get3A_706 = arith.constant 560 : index
        %get3A_707 = tpu.vector_load %arg9[%get3A_705, %get3A_706] {strides = array<i32>} : memref<32x768xf32, #tpu.memory_space<vmem>>, vector<1x16xf32>,
        %get3A_708 = vector.shape_cast %get3A_707 : vector<1x16xf32> to vector<16xf32>
        %get3A_709 = arith.index_cast %add3A_216 : i32 to index
        %get3A_710 = arith.constant 560 : index
        %get3A_711 = tpu.vector_load %arg7[%get3A_709, %get3A_710] {strides = array<i32>} : memref<32x768xf32, #tpu.memory_space<vmem>>, vector<1x16xf32>,
        %get3A_712 = vector.shape_cast %get3A_711 : vector<1x16xf32> to vector<16xf32>
        %add3A_713 = arith.addf %get3A_708, %get3A_712 : vector<16xf32>
        %swap3A_714 = arith.index_cast %add3A_216 : i32 to index
        %swap3A_715 = arith.constant 560 : index
        %swap3A_716 = tpu.vector_load %arg9[%swap3A_714, %swap3A_715] {strides = array<i32>} : memref<32x768xf32, #tpu.memory_space<vmem>>, vector<1x16xf32>,
        %swap3A_717 = vector.shape_cast %swap3A_716 : vector<1x16xf32> to vector<16xf32>
        %swap3A_718 = vector.shape_cast %add3A_713 : vector<16xf32> to vector<1x16xf32>
        tpu.vector_store %arg9[%swap3A_714, %swap3A_715], %swap3A_718 {strides = array<i32>} : memref<32x768xf32, #tpu.memory_space<vmem>>, vector<1x16xf32>,
        %get3A_719 = arith.index_cast %add3A_216 : i32 to index
        %get3A_720 = arith.constant 576 : index
        %get3A_721 = tpu.vector_load %arg9[%get3A_719, %get3A_720] {strides = array<i32>} : memref<32x768xf32, #tpu.memory_space<vmem>>, vector<1x16xf32>,
        %get3A_722 = vector.shape_cast %get3A_721 : vector<1x16xf32> to vector<16xf32>
        %get3A_723 = arith.index_cast %add3A_216 : i32 to index
        %get3A_724 = arith.constant 576 : index
        %get3A_725 = tpu.vector_load %arg7[%get3A_723, %get3A_724] {strides = array<i32>} : memref<32x768xf32, #tpu.memory_space<vmem>>, vector<1x16xf32>,
        %get3A_726 = vector.shape_cast %get3A_725 : vector<1x16xf32> to vector<16xf32>
        %add3A_727 = arith.addf %get3A_722, %get3A_726 : vector<16xf32>
        %swap3A_728 = arith.index_cast %add3A_216 : i32 to index
        %swap3A_729 = arith.constant 576 : index
        %swap3A_730 = tpu.vector_load %arg9[%swap3A_728, %swap3A_729] {strides = array<i32>} : memref<32x768xf32, #tpu.memory_space<vmem>>, vector<1x16xf32>,
        %swap3A_731 = vector.shape_cast %swap3A_730 : vector<1x16xf32> to vector<16xf32>
        %swap3A_732 = vector.shape_cast %add3A_727 : vector<16xf32> to vector<1x16xf32>
        tpu.vector_store %arg9[%swap3A_728, %swap3A_729], %swap3A_732 {strides = array<i32>} : memref<32x768xf32, #tpu.memory_space<vmem>>, vector<1x16xf32>,
        %get3A_733 = arith.index_cast %add3A_216 : i32 to index
        %get3A_734 = arith.constant 592 : index
        %get3A_735 = tpu.vector_load %arg9[%get3A_733, %get3A_734] {strides = array<i32>} : memref<32x768xf32, #tpu.memory_space<vmem>>, vector<1x16xf32>,
        %get3A_736 = vector.shape_cast %get3A_735 : vector<1x16xf32> to vector<16xf32>
        %get3A_737 = arith.index_cast %add3A_216 : i32 to index
        %get3A_738 = arith.constant 592 : index
        %get3A_739 = tpu.vector_load %arg7[%get3A_737, %get3A_738] {strides = array<i32>} : memref<32x768xf32, #tpu.memory_space<vmem>>, vector<1x16xf32>,
        %get3A_740 = vector.shape_cast %get3A_739 : vector<1x16xf32> to vector<16xf32>
        %add3A_741 = arith.addf %get3A_736, %get3A_740 : vector<16xf32>
        %swap3A_742 = arith.index_cast %add3A_216 : i32 to index
        %swap3A_743 = arith.constant 592 : index
        %swap3A_744 = tpu.vector_load %arg9[%swap3A_742, %swap3A_743] {strides = array<i32>} : memref<32x768xf32, #tpu.memory_space<vmem>>, vector<1x16xf32>,
        %swap3A_745 = vector.shape_cast %swap3A_744 : vector<1x16xf32> to vector<16xf32>
        %swap3A_746 = vector.shape_cast %add3A_741 : vector<16xf32> to vector<1x16xf32>
        tpu.vector_store %arg9[%swap3A_742, %swap3A_743], %swap3A_746 {strides = array<i32>} : memref<32x768xf32, #tpu.memory_space<vmem>>, vector<1x16xf32>,
        %get3A_747 = arith.index_cast %add3A_216 : i32 to index
        %get3A_748 = arith.constant 608 : index
        %get3A_749 = tpu.vector_load %arg9[%get3A_747, %get3A_748] {strides = array<i32>} : memref<32x768xf32, #tpu.memory_space<vmem>>, vector<1x16xf32>,
        %get3A_750 = vector.shape_cast %get3A_749 : vector<1x16xf32> to vector<16xf32>
        %get3A_751 = arith.index_cast %add3A_216 : i32 to index
        %get3A_752 = arith.constant 608 : index
        %get3A_753 = tpu.vector_load %arg7[%get3A_751, %get3A_752] {strides = array<i32>} : memref<32x768xf32, #tpu.memory_space<vmem>>, vector<1x16xf32>,
        %get3A_754 = vector.shape_cast %get3A_753 : vector<1x16xf32> to vector<16xf32>
        %add3A_755 = arith.addf %get3A_750, %get3A_754 : vector<16xf32>
        %swap3A_756 = arith.index_cast %add3A_216 : i32 to index
        %swap3A_757 = arith.constant 608 : index
        %swap3A_758 = tpu.vector_load %arg9[%swap3A_756, %swap3A_757] {strides = array<i32>} : memref<32x768xf32, #tpu.memory_space<vmem>>, vector<1x16xf32>,
        %swap3A_759 = vector.shape_cast %swap3A_758 : vector<1x16xf32> to vector<16xf32>
        %swap3A_760 = vector.shape_cast %add3A_755 : vector<16xf32> to vector<1x16xf32>
        tpu.vector_store %arg9[%swap3A_756, %swap3A_757], %swap3A_760 {strides = array<i32>} : memref<32x768xf32, #tpu.memory_space<vmem>>, vector<1x16xf32>,
        %get3A_761 = arith.index_cast %add3A_216 : i32 to index
        %get3A_762 = arith.constant 624 : index
        %get3A_763 = tpu.vector_load %arg9[%get3A_761, %get3A_762] {strides = array<i32>} : memref<32x768xf32, #tpu.memory_space<vmem>>, vector<1x16xf32>,
        %get3A_764 = vector.shape_cast %get3A_763 : vector<1x16xf32> to vector<16xf32>
        %get3A_765 = arith.index_cast %add3A_216 : i32 to index
        %get3A_766 = arith.constant 624 : index
        %get3A_767 = tpu.vector_load %arg7[%get3A_765, %get3A_766] {strides = array<i32>} : memref<32x768xf32, #tpu.memory_space<vmem>>, vector<1x16xf32>,
        %get3A_768 = vector.shape_cast %get3A_767 : vector<1x16xf32> to vector<16xf32>
        %add3A_769 = arith.addf %get3A_764, %get3A_768 : vector<16xf32>
        %swap3A_770 = arith.index_cast %add3A_216 : i32 to index
        %swap3A_771 = arith.constant 624 : index
        %swap3A_772 = tpu.vector_load %arg9[%swap3A_770, %swap3A_771] {strides = array<i32>} : memref<32x768xf32, #tpu.memory_space<vmem>>, vector<1x16xf32>,
        %swap3A_773 = vector.shape_cast %swap3A_772 : vector<1x16xf32> to vector<16xf32>
        %swap3A_774 = vector.shape_cast %add3A_769 : vector<16xf32> to vector<1x16xf32>
        tpu.vector_store %arg9[%swap3A_770, %swap3A_771], %swap3A_774 {strides = array<i32>} : memref<32x768xf32, #tpu.memory_space<vmem>>, vector<1x16xf32>,
        %get3A_775 = arith.index_cast %add3A_216 : i32 to index
        %get3A_776 = arith.constant 640 : index
        %get3A_777 = tpu.vector_load %arg9[%get3A_775, %get3A_776] {strides = array<i32>} : memref<32x768xf32, #tpu.memory_space<vmem>>, vector<1x16xf32>,
        %get3A_778 = vector.shape_cast %get3A_777 : vector<1x16xf32> to vector<16xf32>
        %get3A_779 = arith.index_cast %add3A_216 : i32 to index
        %get3A_780 = arith.constant 640 : index
        %get3A_781 = tpu.vector_load %arg7[%get3A_779, %get3A_780] {strides = array<i32>} : memref<32x768xf32, #tpu.memory_space<vmem>>, vector<1x16xf32>,
        %get3A_782 = vector.shape_cast %get3A_781 : vector<1x16xf32> to vector<16xf32>
        %add3A_783 = arith.addf %get3A_778, %get3A_782 : vector<16xf32>
        %swap3A_784 = arith.index_cast %add3A_216 : i32 to index
        %swap3A_785 = arith.constant 640 : index
        %swap3A_786 = tpu.vector_load %arg9[%swap3A_784, %swap3A_785] {strides = array<i32>} : memref<32x768xf32, #tpu.memory_space<vmem>>, vector<1x16xf32>,
        %swap3A_787 = vector.shape_cast %swap3A_786 : vector<1x16xf32> to vector<16xf32>
        %swap3A_788 = vector.shape_cast %add3A_783 : vector<16xf32> to vector<1x16xf32>
        tpu.vector_store %arg9[%swap3A_784, %swap3A_785], %swap3A_788 {strides = array<i32>} : memref<32x768xf32, #tpu.memory_space<vmem>>, vector<1x16xf32>,
        %get3A_789 = arith.index_cast %add3A_216 : i32 to index
        %get3A_790 = arith.constant 656 : index
        %get3A_791 = tpu.vector_load %arg9[%get3A_789, %get3A_790] {strides = array<i32>} : memref<32x768xf32, #tpu.memory_space<vmem>>, vector<1x16xf32>,
        %get3A_792 = vector.shape_cast %get3A_791 : vector<1x16xf32> to vector<16xf32>
        %get3A_793 = arith.index_cast %add3A_216 : i32 to index
        %get3A_794 = arith.constant 656 : index
        %get3A_795 = tpu.vector_load %arg7[%get3A_793, %get3A_794] {strides = array<i32>} : memref<32x768xf32, #tpu.memory_space<vmem>>, vector<1x16xf32>,
        %get3A_796 = vector.shape_cast %get3A_795 : vector<1x16xf32> to vector<16xf32>
        %add3A_797 = arith.addf %get3A_792, %get3A_796 : vector<16xf32>
        %swap3A_798 = arith.index_cast %add3A_216 : i32 to index
        %swap3A_799 = arith.constant 656 : index
        %swap3A_800 = tpu.vector_load %arg9[%swap3A_798, %swap3A_799] {strides = array<i32>} : memref<32x768xf32, #tpu.memory_space<vmem>>, vector<1x16xf32>,
        %swap3A_801 = vector.shape_cast %swap3A_800 : vector<1x16xf32> to vector<16xf32>
        %swap3A_802 = vector.shape_cast %add3A_797 : vector<16xf32> to vector<1x16xf32>
        tpu.vector_store %arg9[%swap3A_798, %swap3A_799], %swap3A_802 {strides = array<i32>} : memref<32x768xf32, #tpu.memory_space<vmem>>, vector<1x16xf32>,
        %get3A_803 = arith.index_cast %add3A_216 : i32 to index
        %get3A_804 = arith.constant 672 : index
        %get3A_805 = tpu.vector_load %arg9[%get3A_803, %get3A_804] {strides = array<i32>} : memref<32x768xf32, #tpu.memory_space<vmem>>, vector<1x16xf32>,
        %get3A_806 = vector.shape_cast %get3A_805 : vector<1x16xf32> to vector<16xf32>
        %get3A_807 = arith.index_cast %add3A_216 : i32 to index
        %get3A_808 = arith.constant 672 : index
        %get3A_809 = tpu.vector_load %arg7[%get3A_807, %get3A_808] {strides = array<i32>} : memref<32x768xf32, #tpu.memory_space<vmem>>, vector<1x16xf32>,
        %get3A_810 = vector.shape_cast %get3A_809 : vector<1x16xf32> to vector<16xf32>
        %add3A_811 = arith.addf %get3A_806, %get3A_810 : vector<16xf32>
        %swap3A_812 = arith.index_cast %add3A_216 : i32 to index
        %swap3A_813 = arith.constant 672 : index
        %swap3A_814 = tpu.vector_load %arg9[%swap3A_812, %swap3A_813] {strides = array<i32>} : memref<32x768xf32, #tpu.memory_space<vmem>>, vector<1x16xf32>,
        %swap3A_815 = vector.shape_cast %swap3A_814 : vector<1x16xf32> to vector<16xf32>
        %swap3A_816 = vector.shape_cast %add3A_811 : vector<16xf32> to vector<1x16xf32>
        tpu.vector_store %arg9[%swap3A_812, %swap3A_813], %swap3A_816 {strides = array<i32>} : memref<32x768xf32, #tpu.memory_space<vmem>>, vector<1x16xf32>,
        %get3A_817 = arith.index_cast %add3A_216 : i32 to index
        %get3A_818 = arith.constant 688 : index
        %get3A_819 = tpu.vector_load %arg9[%get3A_817, %get3A_818] {strides = array<i32>} : memref<32x768xf32, #tpu.memory_space<vmem>>, vector<1x16xf32>,
        %get3A_820 = vector.shape_cast %get3A_819 : vector<1x16xf32> to vector<16xf32>
        %get3A_821 = arith.index_cast %add3A_216 : i32 to index
        %get3A_822 = arith.constant 688 : index
        %get3A_823 = tpu.vector_load %arg7[%get3A_821, %get3A_822] {strides = array<i32>} : memref<32x768xf32, #tpu.memory_space<vmem>>, vector<1x16xf32>,
        %get3A_824 = vector.shape_cast %get3A_823 : vector<1x16xf32> to vector<16xf32>
        %add3A_825 = arith.addf %get3A_820, %get3A_824 : vector<16xf32>
        %swap3A_826 = arith.index_cast %add3A_216 : i32 to index
        %swap3A_827 = arith.constant 688 : index
        %swap3A_828 = tpu.vector_load %arg9[%swap3A_826, %swap3A_827] {strides = array<i32>} : memref<32x768xf32, #tpu.memory_space<vmem>>, vector<1x16xf32>,
        %swap3A_829 = vector.shape_cast %swap3A_828 : vector<1x16xf32> to vector<16xf32>
        %swap3A_830 = vector.shape_cast %add3A_825 : vector<16xf32> to vector<1x16xf32>
        tpu.vector_store %arg9[%swap3A_826, %swap3A_827], %swap3A_830 {strides = array<i32>} : memref<32x768xf32, #tpu.memory_space<vmem>>, vector<1x16xf32>,
        %get3A_831 = arith.index_cast %add3A_216 : i32 to index
        %get3A_832 = arith.constant 704 : index
        %get3A_833 = tpu.vector_load %arg9[%get3A_831, %get3A_832] {strides = array<i32>} : memref<32x768xf32, #tpu.memory_space<vmem>>, vector<1x16xf32>,
        %get3A_834 = vector.shape_cast %get3A_833 : vector<1x16xf32> to vector<16xf32>
        %get3A_835 = arith.index_cast %add3A_216 : i32 to index
        %get3A_836 = arith.constant 704 : index
        %get3A_837 = tpu.vector_load %arg7[%get3A_835, %get3A_836] {strides = array<i32>} : memref<32x768xf32, #tpu.memory_space<vmem>>, vector<1x16xf32>,
        %get3A_838 = vector.shape_cast %get3A_837 : vector<1x16xf32> to vector<16xf32>
        %add3A_839 = arith.addf %get3A_834, %get3A_838 : vector<16xf32>
        %swap3A_840 = arith.index_cast %add3A_216 : i32 to index
        %swap3A_841 = arith.constant 704 : index
        %swap3A_842 = tpu.vector_load %arg9[%swap3A_840, %swap3A_841] {strides = array<i32>} : memref<32x768xf32, #tpu.memory_space<vmem>>, vector<1x16xf32>,
        %swap3A_843 = vector.shape_cast %swap3A_842 : vector<1x16xf32> to vector<16xf32>
        %swap3A_844 = vector.shape_cast %add3A_839 : vector<16xf32> to vector<1x16xf32>
        tpu.vector_store %arg9[%swap3A_840, %swap3A_841], %swap3A_844 {strides = array<i32>} : memref<32x768xf32, #tpu.memory_space<vmem>>, vector<1x16xf32>,
        %get3A_845 = arith.index_cast %add3A_216 : i32 to index
        %get3A_846 = arith.constant 720 : index
        %get3A_847 = tpu.vector_load %arg9[%get3A_845, %get3A_846] {strides = array<i32>} : memref<32x768xf32, #tpu.memory_space<vmem>>, vector<1x16xf32>,
        %get3A_848 = vector.shape_cast %get3A_847 : vector<1x16xf32> to vector<16xf32>
        %get3A_849 = arith.index_cast %add3A_216 : i32 to index
        %get3A_850 = arith.constant 720 : index
        %get3A_851 = tpu.vector_load %arg7[%get3A_849, %get3A_850] {strides = array<i32>} : memref<32x768xf32, #tpu.memory_space<vmem>>, vector<1x16xf32>,
        %get3A_852 = vector.shape_cast %get3A_851 : vector<1x16xf32> to vector<16xf32>
        %add3A_853 = arith.addf %get3A_848, %get3A_852 : vector<16xf32>
        %swap3A_854 = arith.index_cast %add3A_216 : i32 to index
        %swap3A_855 = arith.constant 720 : index
        %swap3A_856 = tpu.vector_load %arg9[%swap3A_854, %swap3A_855] {strides = array<i32>} : memref<32x768xf32, #tpu.memory_space<vmem>>, vector<1x16xf32>,
        %swap3A_857 = vector.shape_cast %swap3A_856 : vector<1x16xf32> to vector<16xf32>
        %swap3A_858 = vector.shape_cast %add3A_853 : vector<16xf32> to vector<1x16xf32>
        tpu.vector_store %arg9[%swap3A_854, %swap3A_855], %swap3A_858 {strides = array<i32>} : memref<32x768xf32, #tpu.memory_space<vmem>>, vector<1x16xf32>,
        %get3A_859 = arith.index_cast %add3A_216 : i32 to index
        %get3A_860 = arith.constant 736 : index
        %get3A_861 = tpu.vector_load %arg9[%get3A_859, %get3A_860] {strides = array<i32>} : memref<32x768xf32, #tpu.memory_space<vmem>>, vector<1x16xf32>,
        %get3A_862 = vector.shape_cast %get3A_861 : vector<1x16xf32> to vector<16xf32>
        %get3A_863 = arith.index_cast %add3A_216 : i32 to index
        %get3A_864 = arith.constant 736 : index
        %get3A_865 = tpu.vector_load %arg7[%get3A_863, %get3A_864] {strides = array<i32>} : memref<32x768xf32, #tpu.memory_space<vmem>>, vector<1x16xf32>,
        %get3A_866 = vector.shape_cast %get3A_865 : vector<1x16xf32> to vector<16xf32>
        %add3A_867 = arith.addf %get3A_862, %get3A_866 : vector<16xf32>
        %swap3A_868 = arith.index_cast %add3A_216 : i32 to index
        %swap3A_869 = arith.constant 736 : index
        %swap3A_870 = tpu.vector_load %arg9[%swap3A_868, %swap3A_869] {strides = array<i32>} : memref<32x768xf32, #tpu.memory_space<vmem>>, vector<1x16xf32>,
        %swap3A_871 = vector.shape_cast %swap3A_870 : vector<1x16xf32> to vector<16xf32>
        %swap3A_872 = vector.shape_cast %add3A_867 : vector<16xf32> to vector<1x16xf32>
        tpu.vector_store %arg9[%swap3A_868, %swap3A_869], %swap3A_872 {strides = array<i32>} : memref<32x768xf32, #tpu.memory_space<vmem>>, vector<1x16xf32>,
        %get3A_873 = arith.index_cast %add3A_216 : i32 to index
        %get3A_874 = arith.constant 752 : index
        %get3A_875 = tpu.vector_load %arg9[%get3A_873, %get3A_874] {strides = array<i32>} : memref<32x768xf32, #tpu.memory_space<vmem>>, vector<1x16xf32>,
        %get3A_876 = vector.shape_cast %get3A_875 : vector<1x16xf32> to vector<16xf32>
        %get3A_877 = arith.index_cast %add3A_216 : i32 to index
        %get3A_878 = arith.constant 752 : index
        %get3A_879 = tpu.vector_load %arg7[%get3A_877, %get3A_878] {strides = array<i32>} : memref<32x768xf32, #tpu.memory_space<vmem>>, vector<1x16xf32>,
        %get3A_880 = vector.shape_cast %get3A_879 : vector<1x16xf32> to vector<16xf32>
        %add3A_881 = arith.addf %get3A_876, %get3A_880 : vector<16xf32>
        %swap3A_882 = arith.index_cast %add3A_216 : i32 to index
        %swap3A_883 = arith.constant 752 : index
        %swap3A_884 = tpu.vector_load %arg9[%swap3A_882, %swap3A_883] {strides = array<i32>} : memref<32x768xf32, #tpu.memory_space<vmem>>, vector<1x16xf32>,
        %swap3A_885 = vector.shape_cast %swap3A_884 : vector<1x16xf32> to vector<16xf32>
        %swap3A_886 = vector.shape_cast %add3A_881 : vector<16xf32> to vector<1x16xf32>
        tpu.vector_store %arg9[%swap3A_882, %swap3A_883], %swap3A_886 {strides = array<i32>} : memref<32x768xf32, #tpu.memory_space<vmem>>, vector<1x16xf32>,
      }
      %scan3A_134 = arith.constant 32 : i32
      %jit3A = arith.constant 2 : i32
      %div3A = arith.divsi %add3A_120, %jit3A : i32
      %sign3A = arith.constant 0 : i32
      %sign3A_135 = arith.cmpi sgt, %add3A_120, %sign3A : i32
      %sign3A_136 = arith.extui %sign3A_135 : i1 to i32
      %sign3A_137 = arith.constant 0 : i32
      %sign3A_138 = arith.cmpi slt, %add3A_120, %sign3A_137 : i32
      %sign3A_139 = arith.extui %sign3A_138 : i1 to i32
      %sign3A_140 = arith.subi %sign3A_136, %sign3A_139 : i32
      %sign3A_141 = arith.constant 0 : i32
      %sign3A_142 = arith.cmpi sgt, %jit3A, %sign3A_141 : i32
      %sign3A_143 = arith.extui %sign3A_142 : i1 to i32
      %sign3A_144 = arith.constant 0 : i32
      %sign3A_145 = arith.cmpi slt, %jit3A, %sign3A_144 : i32
      %sign3A_146 = arith.extui %sign3A_145 : i1 to i32
      %sign3A_147 = arith.subi %sign3A_143, %sign3A_146 : i32
      %ne3A = arith.cmpi ne, %sign3A_140, %sign3A_147 : i32
      %rem3A = arith.remsi %add3A_120, %jit3A : i32
      %ne3A_148 = arith.constant 0 : i32
      %ne3A_149 = arith.cmpi ne, %rem3A, %ne3A_148 : i32
      %and3A = arith.andi %ne3A, %ne3A_149 : i1
      %sub3A = arith.constant 1 : i32
      %sub3A_150 = arith.subi %div3A, %sub3A : i32
      %select_n3A = arith.select %and3A, %sub3A_150, %div3A : i32
      %mul3A_151 = arith.constant 2048 : i32
      %mul3A_152 = arith.muli %select_n3A, %mul3A_151 : i32
      %add3A_153 = arith.addi %mul3A_152, %mul3A_2 : i32
      %add3A_154 = arith.constant 0 : i32
      %add3A_155 = arith.addi %add3A_153, %add3A_154 : i32
      %dma_start3A_156 = arith.constant 0 : i32
      %dma_start3A_157 = tpu.memref_slice %arg5[%add3A_155, %dma_start3A_156] : memref<8192x768xf32, #tpu.memory_space<hbm>> -> memref<32x768xf32, #tpu.memory_space<hbm>>
      %dma_start3A_158 = arith.constant 0 : i32
      %dma_start3A_159 = tpu.memref_slice %arg5[%add3A_155, %dma_start3A_158] : memref<8192x768xf32, #tpu.memory_space<hbm>> -> memref<32x768xf32, #tpu.memory_space<hbm>>
      tpu.enqueue_dma source(%arg9 : memref<32x768xf32, #tpu.memory_space<vmem>>) target(%dma_start3A_159 : memref<32x768xf32, #tpu.memory_space<hbm>>) target_semaphore(%arg16 : memref<!tpu.dma_semaphore, #tpu.memory_space<semaphore_mem>>)
      %add3A_160 = arith.constant 1 : i32
      %add3A_161 = arith.addi %add3A_118, %add3A_160 : i32
      %add3A_162 = arith.constant 1 : i32
      %add3A_163 = arith.addi %add3A_161, %add3A_162 : i32
      %lt3A_164 = arith.constant 8 : i32
      %lt3A_165 = arith.cmpi slt, %add3A_163, %lt3A_164 : i32
      %convert_element_type3A_166 = arith.extui %lt3A_165 : i1 to i32
      %cond3A_167 = arith.constant 0 : i32
      %cond3A_168 = arith.cmpi ne, %convert_element_type3A_166, %cond3A_167 : i32
      scf.if %cond3A_168 {
        %ge3A = arith.constant 1 : i32
        %ge3A_212 = arith.cmpi sge, %add3A_161, %ge3A : i32
        %convert_element_type3A_213 = arith.extui %ge3A_212 : i1 to i32
        %cond3A_214 = arith.constant 0 : i32
        %cond3A_215 = arith.cmpi ne, %convert_element_type3A_213, %cond3A_214 : i32
        scf.if %cond3A_215 {
          %dma_wait3A_224 = arith.constant 0 : i32
          %dma_wait3A_225 = arith.constant 0 : i32
          %dma_wait3A_226 = tpu.memref_slice %arg5[%dma_wait3A_224, %dma_wait3A_225] : memref<8192x768xf32, #tpu.memory_space<hbm>> -> memref<32x768xf32, #tpu.memory_space<hbm>>
          %dma_wait3A_227 = arith.constant 0 : i32
          %dma_wait3A_228 = arith.constant 0 : i32
          %dma_wait3A_229 = tpu.memref_slice %arg5[%dma_wait3A_227, %dma_wait3A_228] : memref<8192x768xf32, #tpu.memory_space<hbm>> -> memref<32x768xf32, #tpu.memory_space<hbm>>
          tpu.wait_dma2 semaphore(%arg16 : memref<!tpu.dma_semaphore, #tpu.memory_space<semaphore_mem>>) src(%arg9 : memref<32x768xf32, #tpu.memory_space<vmem>>) dst(%dma_wait3A_229 : memref<32x768xf32, #tpu.memory_space<hbm>>)
        } else {
        }
        %add3A_216 = arith.constant 1 : i32
        %add3A_217 = arith.addi %add3A_161, %add3A_216 : i32
        %mul3A_218 = arith.constant 32 : i32
        %mul3A_219 = arith.muli %add3A_217, %mul3A_218 : i32
        %dma_start3A_220 = tpu.memref_slice %arg6[%mul3A_219] : memref<256xi32, #tpu.memory_space<vmem>> -> memref<32xi32, #tpu.memory_space<vmem>>
        %dma_start3A_221 = arith.constant 0 : i32
        %dma_start3A_222 = arith.constant 0 : i32
        %dma_start3A_223 = tpu.memref_slice %arg3[%dma_start3A_221, %dma_start3A_222] : memref<100000x768xf32, #tpu.memory_space<hbm>> -> memref<100000x768xf32, #tpu.memory_space<hbm>>
        tpu.enqueue_indirect_dma source(%dma_start3A_223 : memref<100000x768xf32, #tpu.memory_space<hbm>>) target(%arg9 : memref<32x768xf32, #tpu.memory_space<vmem>>) offsets(%dma_start3A_220 : memref<32xi32, #tpu.memory_space<vmem>>) semaphore(%arg14 : memref<!tpu.dma_semaphore, #tpu.memory_space<semaphore_mem>>)
      } else {
      }
      %dma_wait3A_169 = arith.constant 0 : i32
      %dma_wait3A_170 = tpu.memref_slice %arg6[%dma_wait3A_169] : memref<256xi32, #tpu.memory_space<vmem>> -> memref<32xi32, #tpu.memory_space<vmem>>
      %dma_wait3A_171 = arith.constant 0 : i32
      %dma_wait3A_172 = arith.constant 0 : i32
      %dma_wait3A_173 = tpu.memref_slice %arg3[%dma_wait3A_171, %dma_wait3A_172] : memref<100000x768xf32, #tpu.memory_space<hbm>> -> memref<100000x768xf32, #tpu.memory_space<hbm>>
      tpu.wait_indirect_dma semaphore(%arg15 : memref<!tpu.dma_semaphore, #tpu.memory_space<semaphore_mem>>) src(%dma_wait3A_173 : memref<100000x768xf32, #tpu.memory_space<hbm>>) dst(%arg10 : memref<32x768xf32, #tpu.memory_space<vmem>>)
      %scan3A_174 = arith.constant 0 : i32
      %scan3A_175 = arith.constant 32 : i32
      %scan3A_176 = arith.addi %scan3A_174, %scan3A_175 : i32
      %scan3A_177 = arith.constant 1 : i32
      scf.for %scan3A_212 = %scan3A_174 to %scan3A_176 step %scan3A_177  : i32 {
        %mul3A_213 = arith.constant 1 : i32
        %mul3A_214 = arith.muli %scan3A_212, %mul3A_213 : i32
        %add3A_215 = arith.constant 0 : i32
        %add3A_216 = arith.addi %add3A_215, %mul3A_214 : i32
        %get3A = arith.index_cast %add3A_216 : i32 to index
        %get3A_217 = arith.constant 0 : index
        %get3A_218 = tpu.vector_load %arg10[%get3A, %get3A_217] {strides = array<i32>} : memref<32x768xf32, #tpu.memory_space<vmem>>, vector<1x16xf32>,
        %get3A_219 = vector.shape_cast %get3A_218 : vector<1x16xf32> to vector<16xf32>
        %get3A_220 = arith.index_cast %add3A_216 : i32 to index
        %get3A_221 = arith.constant 0 : index
        %get3A_222 = tpu.vector_load %arg8[%get3A_220, %get3A_221] {strides = array<i32>} : memref<32x768xf32, #tpu.memory_space<vmem>>, vector<1x16xf32>,
        %get3A_223 = vector.shape_cast %get3A_222 : vector<1x16xf32> to vector<16xf32>
        %add3A_224 = arith.addf %get3A_219, %get3A_223 : vector<16xf32>
        %swap3A = arith.index_cast %add3A_216 : i32 to index
        %swap3A_225 = arith.constant 0 : index
        %swap3A_226 = tpu.vector_load %arg10[%swap3A, %swap3A_225] {strides = array<i32>} : memref<32x768xf32, #tpu.memory_space<vmem>>, vector<1x16xf32>,
        %swap3A_227 = vector.shape_cast %swap3A_226 : vector<1x16xf32> to vector<16xf32>
        %swap3A_228 = vector.shape_cast %add3A_224 : vector<16xf32> to vector<1x16xf32>
        tpu.vector_store %arg10[%swap3A, %swap3A_225], %swap3A_228 {strides = array<i32>} : memref<32x768xf32, #tpu.memory_space<vmem>>, vector<1x16xf32>,
        %get3A_229 = arith.index_cast %add3A_216 : i32 to index
        %get3A_230 = arith.constant 16 : index
        %get3A_231 = tpu.vector_load %arg10[%get3A_229, %get3A_230] {strides = array<i32>} : memref<32x768xf32, #tpu.memory_space<vmem>>, vector<1x16xf32>,
        %get3A_232 = vector.shape_cast %get3A_231 : vector<1x16xf32> to vector<16xf32>
        %get3A_233 = arith.index_cast %add3A_216 : i32 to index
        %get3A_234 = arith.constant 16 : index
        %get3A_235 = tpu.vector_load %arg8[%get3A_233, %get3A_234] {strides = array<i32>} : memref<32x768xf32, #tpu.memory_space<vmem>>, vector<1x16xf32>,
        %get3A_236 = vector.shape_cast %get3A_235 : vector<1x16xf32> to vector<16xf32>
        %add3A_237 = arith.addf %get3A_232, %get3A_236 : vector<16xf32>
        %swap3A_238 = arith.index_cast %add3A_216 : i32 to index
        %swap3A_239 = arith.constant 16 : index
        %swap3A_240 = tpu.vector_load %arg10[%swap3A_238, %swap3A_239] {strides = array<i32>} : memref<32x768xf32, #tpu.memory_space<vmem>>, vector<1x16xf32>,
        %swap3A_241 = vector.shape_cast %swap3A_240 : vector<1x16xf32> to vector<16xf32>
        %swap3A_242 = vector.shape_cast %add3A_237 : vector<16xf32> to vector<1x16xf32>
        tpu.vector_store %arg10[%swap3A_238, %swap3A_239], %swap3A_242 {strides = array<i32>} : memref<32x768xf32, #tpu.memory_space<vmem>>, vector<1x16xf32>,
        %get3A_243 = arith.index_cast %add3A_216 : i32 to index
        %get3A_244 = arith.constant 32 : index
        %get3A_245 = tpu.vector_load %arg10[%get3A_243, %get3A_244] {strides = array<i32>} : memref<32x768xf32, #tpu.memory_space<vmem>>, vector<1x16xf32>,
        %get3A_246 = vector.shape_cast %get3A_245 : vector<1x16xf32> to vector<16xf32>
        %get3A_247 = arith.index_cast %add3A_216 : i32 to index
        %get3A_248 = arith.constant 32 : index
        %get3A_249 = tpu.vector_load %arg8[%get3A_247, %get3A_248] {strides = array<i32>} : memref<32x768xf32, #tpu.memory_space<vmem>>, vector<1x16xf32>,
        %get3A_250 = vector.shape_cast %get3A_249 : vector<1x16xf32> to vector<16xf32>
        %add3A_251 = arith.addf %get3A_246, %get3A_250 : vector<16xf32>
        %swap3A_252 = arith.index_cast %add3A_216 : i32 to index
        %swap3A_253 = arith.constant 32 : index
        %swap3A_254 = tpu.vector_load %arg10[%swap3A_252, %swap3A_253] {strides = array<i32>} : memref<32x768xf32, #tpu.memory_space<vmem>>, vector<1x16xf32>,
        %swap3A_255 = vector.shape_cast %swap3A_254 : vector<1x16xf32> to vector<16xf32>
        %swap3A_256 = vector.shape_cast %add3A_251 : vector<16xf32> to vector<1x16xf32>
        tpu.vector_store %arg10[%swap3A_252, %swap3A_253], %swap3A_256 {strides = array<i32>} : memref<32x768xf32, #tpu.memory_space<vmem>>, vector<1x16xf32>,
        %get3A_257 = arith.index_cast %add3A_216 : i32 to index
        %get3A_258 = arith.constant 48 : index
        %get3A_259 = tpu.vector_load %arg10[%get3A_257, %get3A_258] {strides = array<i32>} : memref<32x768xf32, #tpu.memory_space<vmem>>, vector<1x16xf32>,
        %get3A_260 = vector.shape_cast %get3A_259 : vector<1x16xf32> to vector<16xf32>
        %get3A_261 = arith.index_cast %add3A_216 : i32 to index
        %get3A_262 = arith.constant 48 : index
        %get3A_263 = tpu.vector_load %arg8[%get3A_261, %get3A_262] {strides = array<i32>} : memref<32x768xf32, #tpu.memory_space<vmem>>, vector<1x16xf32>,
        %get3A_264 = vector.shape_cast %get3A_263 : vector<1x16xf32> to vector<16xf32>
        %add3A_265 = arith.addf %get3A_260, %get3A_264 : vector<16xf32>
        %swap3A_266 = arith.index_cast %add3A_216 : i32 to index
        %swap3A_267 = arith.constant 48 : index
        %swap3A_268 = tpu.vector_load %arg10[%swap3A_266, %swap3A_267] {strides = array<i32>} : memref<32x768xf32, #tpu.memory_space<vmem>>, vector<1x16xf32>,
        %swap3A_269 = vector.shape_cast %swap3A_268 : vector<1x16xf32> to vector<16xf32>
        %swap3A_270 = vector.shape_cast %add3A_265 : vector<16xf32> to vector<1x16xf32>
        tpu.vector_store %arg10[%swap3A_266, %swap3A_267], %swap3A_270 {strides = array<i32>} : memref<32x768xf32, #tpu.memory_space<vmem>>, vector<1x16xf32>,
        %get3A_271 = arith.index_cast %add3A_216 : i32 to index
        %get3A_272 = arith.constant 64 : index
        %get3A_273 = tpu.vector_load %arg10[%get3A_271, %get3A_272] {strides = array<i32>} : memref<32x768xf32, #tpu.memory_space<vmem>>, vector<1x16xf32>,
        %get3A_274 = vector.shape_cast %get3A_273 : vector<1x16xf32> to vector<16xf32>
        %get3A_275 = arith.index_cast %add3A_216 : i32 to index
        %get3A_276 = arith.constant 64 : index
        %get3A_277 = tpu.vector_load %arg8[%get3A_275, %get3A_276] {strides = array<i32>} : memref<32x768xf32, #tpu.memory_space<vmem>>, vector<1x16xf32>,
        %get3A_278 = vector.shape_cast %get3A_277 : vector<1x16xf32> to vector<16xf32>
        %add3A_279 = arith.addf %get3A_274, %get3A_278 : vector<16xf32>
        %swap3A_280 = arith.index_cast %add3A_216 : i32 to index
        %swap3A_281 = arith.constant 64 : index
        %swap3A_282 = tpu.vector_load %arg10[%swap3A_280, %swap3A_281] {strides = array<i32>} : memref<32x768xf32, #tpu.memory_space<vmem>>, vector<1x16xf32>,
        %swap3A_283 = vector.shape_cast %swap3A_282 : vector<1x16xf32> to vector<16xf32>
        %swap3A_284 = vector.shape_cast %add3A_279 : vector<16xf32> to vector<1x16xf32>
        tpu.vector_store %arg10[%swap3A_280, %swap3A_281], %swap3A_284 {strides = array<i32>} : memref<32x768xf32, #tpu.memory_space<vmem>>, vector<1x16xf32>,
        %get3A_285 = arith.index_cast %add3A_216 : i32 to index
        %get3A_286 = arith.constant 80 : index
        %get3A_287 = tpu.vector_load %arg10[%get3A_285, %get3A_286] {strides = array<i32>} : memref<32x768xf32, #tpu.memory_space<vmem>>, vector<1x16xf32>,
        %get3A_288 = vector.shape_cast %get3A_287 : vector<1x16xf32> to vector<16xf32>
        %get3A_289 = arith.index_cast %add3A_216 : i32 to index
        %get3A_290 = arith.constant 80 : index
        %get3A_291 = tpu.vector_load %arg8[%get3A_289, %get3A_290] {strides = array<i32>} : memref<32x768xf32, #tpu.memory_space<vmem>>, vector<1x16xf32>,
        %get3A_292 = vector.shape_cast %get3A_291 : vector<1x16xf32> to vector<16xf32>
        %add3A_293 = arith.addf %get3A_288, %get3A_292 : vector<16xf32>
        %swap3A_294 = arith.index_cast %add3A_216 : i32 to index
        %swap3A_295 = arith.constant 80 : index
        %swap3A_296 = tpu.vector_load %arg10[%swap3A_294, %swap3A_295] {strides = array<i32>} : memref<32x768xf32, #tpu.memory_space<vmem>>, vector<1x16xf32>,
        %swap3A_297 = vector.shape_cast %swap3A_296 : vector<1x16xf32> to vector<16xf32>
        %swap3A_298 = vector.shape_cast %add3A_293 : vector<16xf32> to vector<1x16xf32>
        tpu.vector_store %arg10[%swap3A_294, %swap3A_295], %swap3A_298 {strides = array<i32>} : memref<32x768xf32, #tpu.memory_space<vmem>>, vector<1x16xf32>,
        %get3A_299 = arith.index_cast %add3A_216 : i32 to index
        %get3A_300 = arith.constant 96 : index
        %get3A_301 = tpu.vector_load %arg10[%get3A_299, %get3A_300] {strides = array<i32>} : memref<32x768xf32, #tpu.memory_space<vmem>>, vector<1x16xf32>,
        %get3A_302 = vector.shape_cast %get3A_301 : vector<1x16xf32> to vector<16xf32>
        %get3A_303 = arith.index_cast %add3A_216 : i32 to index
        %get3A_304 = arith.constant 96 : index
        %get3A_305 = tpu.vector_load %arg8[%get3A_303, %get3A_304] {strides = array<i32>} : memref<32x768xf32, #tpu.memory_space<vmem>>, vector<1x16xf32>,
        %get3A_306 = vector.shape_cast %get3A_305 : vector<1x16xf32> to vector<16xf32>
        %add3A_307 = arith.addf %get3A_302, %get3A_306 : vector<16xf32>
        %swap3A_308 = arith.index_cast %add3A_216 : i32 to index
        %swap3A_309 = arith.constant 96 : index
        %swap3A_310 = tpu.vector_load %arg10[%swap3A_308, %swap3A_309] {strides = array<i32>} : memref<32x768xf32, #tpu.memory_space<vmem>>, vector<1x16xf32>,
        %swap3A_311 = vector.shape_cast %swap3A_310 : vector<1x16xf32> to vector<16xf32>
        %swap3A_312 = vector.shape_cast %add3A_307 : vector<16xf32> to vector<1x16xf32>
        tpu.vector_store %arg10[%swap3A_308, %swap3A_309], %swap3A_312 {strides = array<i32>} : memref<32x768xf32, #tpu.memory_space<vmem>>, vector<1x16xf32>,
        %get3A_313 = arith.index_cast %add3A_216 : i32 to index
        %get3A_314 = arith.constant 112 : index
        %get3A_315 = tpu.vector_load %arg10[%get3A_313, %get3A_314] {strides = array<i32>} : memref<32x768xf32, #tpu.memory_space<vmem>>, vector<1x16xf32>,
        %get3A_316 = vector.shape_cast %get3A_315 : vector<1x16xf32> to vector<16xf32>
        %get3A_317 = arith.index_cast %add3A_216 : i32 to index
        %get3A_318 = arith.constant 112 : index
        %get3A_319 = tpu.vector_load %arg8[%get3A_317, %get3A_318] {strides = array<i32>} : memref<32x768xf32, #tpu.memory_space<vmem>>, vector<1x16xf32>,
        %get3A_320 = vector.shape_cast %get3A_319 : vector<1x16xf32> to vector<16xf32>
        %add3A_321 = arith.addf %get3A_316, %get3A_320 : vector<16xf32>
        %swap3A_322 = arith.index_cast %add3A_216 : i32 to index
        %swap3A_323 = arith.constant 112 : index
        %swap3A_324 = tpu.vector_load %arg10[%swap3A_322, %swap3A_323] {strides = array<i32>} : memref<32x768xf32, #tpu.memory_space<vmem>>, vector<1x16xf32>,
        %swap3A_325 = vector.shape_cast %swap3A_324 : vector<1x16xf32> to vector<16xf32>
        %swap3A_326 = vector.shape_cast %add3A_321 : vector<16xf32> to vector<1x16xf32>
        tpu.vector_store %arg10[%swap3A_322, %swap3A_323], %swap3A_326 {strides = array<i32>} : memref<32x768xf32, #tpu.memory_space<vmem>>, vector<1x16xf32>,
        %get3A_327 = arith.index_cast %add3A_216 : i32 to index
        %get3A_328 = arith.constant 128 : index
        %get3A_329 = tpu.vector_load %arg10[%get3A_327, %get3A_328] {strides = array<i32>} : memref<32x768xf32, #tpu.memory_space<vmem>>, vector<1x16xf32>,
        %get3A_330 = vector.shape_cast %get3A_329 : vector<1x16xf32> to vector<16xf32>
        %get3A_331 = arith.index_cast %add3A_216 : i32 to index
        %get3A_332 = arith.constant 128 : index
        %get3A_333 = tpu.vector_load %arg8[%get3A_331, %get3A_332] {strides = array<i32>} : memref<32x768xf32, #tpu.memory_space<vmem>>, vector<1x16xf32>,
        %get3A_334 = vector.shape_cast %get3A_333 : vector<1x16xf32> to vector<16xf32>
        %add3A_335 = arith.addf %get3A_330, %get3A_334 : vector<16xf32>
        %swap3A_336 = arith.index_cast %add3A_216 : i32 to index
        %swap3A_337 = arith.constant 128 : index
        %swap3A_338 = tpu.vector_load %arg10[%swap3A_336, %swap3A_337] {strides = array<i32>} : memref<32x768xf32, #tpu.memory_space<vmem>>, vector<1x16xf32>,
        %swap3A_339 = vector.shape_cast %swap3A_338 : vector<1x16xf32> to vector<16xf32>
        %swap3A_340 = vector.shape_cast %add3A_335 : vector<16xf32> to vector<1x16xf32>
        tpu.vector_store %arg10[%swap3A_336, %swap3A_337], %swap3A_340 {strides = array<i32>} : memref<32x768xf32, #tpu.memory_space<vmem>>, vector<1x16xf32>,
        %get3A_341 = arith.index_cast %add3A_216 : i32 to index
        %get3A_342 = arith.constant 144 : index
        %get3A_343 = tpu.vector_load %arg10[%get3A_341, %get3A_342] {strides = array<i32>} : memref<32x768xf32, #tpu.memory_space<vmem>>, vector<1x16xf32>,
        %get3A_344 = vector.shape_cast %get3A_343 : vector<1x16xf32> to vector<16xf32>
        %get3A_345 = arith.index_cast %add3A_216 : i32 to index
        %get3A_346 = arith.constant 144 : index
        %get3A_347 = tpu.vector_load %arg8[%get3A_345, %get3A_346] {strides = array<i32>} : memref<32x768xf32, #tpu.memory_space<vmem>>, vector<1x16xf32>,
        %get3A_348 = vector.shape_cast %get3A_347 : vector<1x16xf32> to vector<16xf32>
        %add3A_349 = arith.addf %get3A_344, %get3A_348 : vector<16xf32>
        %swap3A_350 = arith.index_cast %add3A_216 : i32 to index
        %swap3A_351 = arith.constant 144 : index
        %swap3A_352 = tpu.vector_load %arg10[%swap3A_350, %swap3A_351] {strides = array<i32>} : memref<32x768xf32, #tpu.memory_space<vmem>>, vector<1x16xf32>,
        %swap3A_353 = vector.shape_cast %swap3A_352 : vector<1x16xf32> to vector<16xf32>
        %swap3A_354 = vector.shape_cast %add3A_349 : vector<16xf32> to vector<1x16xf32>
        tpu.vector_store %arg10[%swap3A_350, %swap3A_351], %swap3A_354 {strides = array<i32>} : memref<32x768xf32, #tpu.memory_space<vmem>>, vector<1x16xf32>,
        %get3A_355 = arith.index_cast %add3A_216 : i32 to index
        %get3A_356 = arith.constant 160 : index
        %get3A_357 = tpu.vector_load %arg10[%get3A_355, %get3A_356] {strides = array<i32>} : memref<32x768xf32, #tpu.memory_space<vmem>>, vector<1x16xf32>,
        %get3A_358 = vector.shape_cast %get3A_357 : vector<1x16xf32> to vector<16xf32>
        %get3A_359 = arith.index_cast %add3A_216 : i32 to index
        %get3A_360 = arith.constant 160 : index
        %get3A_361 = tpu.vector_load %arg8[%get3A_359, %get3A_360] {strides = array<i32>} : memref<32x768xf32, #tpu.memory_space<vmem>>, vector<1x16xf32>,
        %get3A_362 = vector.shape_cast %get3A_361 : vector<1x16xf32> to vector<16xf32>
        %add3A_363 = arith.addf %get3A_358, %get3A_362 : vector<16xf32>
        %swap3A_364 = arith.index_cast %add3A_216 : i32 to index
        %swap3A_365 = arith.constant 160 : index
        %swap3A_366 = tpu.vector_load %arg10[%swap3A_364, %swap3A_365] {strides = array<i32>} : memref<32x768xf32, #tpu.memory_space<vmem>>, vector<1x16xf32>,
        %swap3A_367 = vector.shape_cast %swap3A_366 : vector<1x16xf32> to vector<16xf32>
        %swap3A_368 = vector.shape_cast %add3A_363 : vector<16xf32> to vector<1x16xf32>
        tpu.vector_store %arg10[%swap3A_364, %swap3A_365], %swap3A_368 {strides = array<i32>} : memref<32x768xf32, #tpu.memory_space<vmem>>, vector<1x16xf32>,
        %get3A_369 = arith.index_cast %add3A_216 : i32 to index
        %get3A_370 = arith.constant 176 : index
        %get3A_371 = tpu.vector_load %arg10[%get3A_369, %get3A_370] {strides = array<i32>} : memref<32x768xf32, #tpu.memory_space<vmem>>, vector<1x16xf32>,
        %get3A_372 = vector.shape_cast %get3A_371 : vector<1x16xf32> to vector<16xf32>
        %get3A_373 = arith.index_cast %add3A_216 : i32 to index
        %get3A_374 = arith.constant 176 : index
        %get3A_375 = tpu.vector_load %arg8[%get3A_373, %get3A_374] {strides = array<i32>} : memref<32x768xf32, #tpu.memory_space<vmem>>, vector<1x16xf32>,
        %get3A_376 = vector.shape_cast %get3A_375 : vector<1x16xf32> to vector<16xf32>
        %add3A_377 = arith.addf %get3A_372, %get3A_376 : vector<16xf32>
        %swap3A_378 = arith.index_cast %add3A_216 : i32 to index
        %swap3A_379 = arith.constant 176 : index
        %swap3A_380 = tpu.vector_load %arg10[%swap3A_378, %swap3A_379] {strides = array<i32>} : memref<32x768xf32, #tpu.memory_space<vmem>>, vector<1x16xf32>,
        %swap3A_381 = vector.shape_cast %swap3A_380 : vector<1x16xf32> to vector<16xf32>
        %swap3A_382 = vector.shape_cast %add3A_377 : vector<16xf32> to vector<1x16xf32>
        tpu.vector_store %arg10[%swap3A_378, %swap3A_379], %swap3A_382 {strides = array<i32>} : memref<32x768xf32, #tpu.memory_space<vmem>>, vector<1x16xf32>,
        %get3A_383 = arith.index_cast %add3A_216 : i32 to index
        %get3A_384 = arith.constant 192 : index
        %get3A_385 = tpu.vector_load %arg10[%get3A_383, %get3A_384] {strides = array<i32>} : memref<32x768xf32, #tpu.memory_space<vmem>>, vector<1x16xf32>,
        %get3A_386 = vector.shape_cast %get3A_385 : vector<1x16xf32> to vector<16xf32>
        %get3A_387 = arith.index_cast %add3A_216 : i32 to index
        %get3A_388 = arith.constant 192 : index
        %get3A_389 = tpu.vector_load %arg8[%get3A_387, %get3A_388] {strides = array<i32>} : memref<32x768xf32, #tpu.memory_space<vmem>>, vector<1x16xf32>,
        %get3A_390 = vector.shape_cast %get3A_389 : vector<1x16xf32> to vector<16xf32>
        %add3A_391 = arith.addf %get3A_386, %get3A_390 : vector<16xf32>
        %swap3A_392 = arith.index_cast %add3A_216 : i32 to index
        %swap3A_393 = arith.constant 192 : index
        %swap3A_394 = tpu.vector_load %arg10[%swap3A_392, %swap3A_393] {strides = array<i32>} : memref<32x768xf32, #tpu.memory_space<vmem>>, vector<1x16xf32>,
        %swap3A_395 = vector.shape_cast %swap3A_394 : vector<1x16xf32> to vector<16xf32>
        %swap3A_396 = vector.shape_cast %add3A_391 : vector<16xf32> to vector<1x16xf32>
        tpu.vector_store %arg10[%swap3A_392, %swap3A_393], %swap3A_396 {strides = array<i32>} : memref<32x768xf32, #tpu.memory_space<vmem>>, vector<1x16xf32>,
        %get3A_397 = arith.index_cast %add3A_216 : i32 to index
        %get3A_398 = arith.constant 208 : index
        %get3A_399 = tpu.vector_load %arg10[%get3A_397, %get3A_398] {strides = array<i32>} : memref<32x768xf32, #tpu.memory_space<vmem>>, vector<1x16xf32>,
        %get3A_400 = vector.shape_cast %get3A_399 : vector<1x16xf32> to vector<16xf32>
        %get3A_401 = arith.index_cast %add3A_216 : i32 to index
        %get3A_402 = arith.constant 208 : index
        %get3A_403 = tpu.vector_load %arg8[%get3A_401, %get3A_402] {strides = array<i32>} : memref<32x768xf32, #tpu.memory_space<vmem>>, vector<1x16xf32>,
        %get3A_404 = vector.shape_cast %get3A_403 : vector<1x16xf32> to vector<16xf32>
        %add3A_405 = arith.addf %get3A_400, %get3A_404 : vector<16xf32>
        %swap3A_406 = arith.index_cast %add3A_216 : i32 to index
        %swap3A_407 = arith.constant 208 : index
        %swap3A_408 = tpu.vector_load %arg10[%swap3A_406, %swap3A_407] {strides = array<i32>} : memref<32x768xf32, #tpu.memory_space<vmem>>, vector<1x16xf32>,
        %swap3A_409 = vector.shape_cast %swap3A_408 : vector<1x16xf32> to vector<16xf32>
        %swap3A_410 = vector.shape_cast %add3A_405 : vector<16xf32> to vector<1x16xf32>
        tpu.vector_store %arg10[%swap3A_406, %swap3A_407], %swap3A_410 {strides = array<i32>} : memref<32x768xf32, #tpu.memory_space<vmem>>, vector<1x16xf32>,
        %get3A_411 = arith.index_cast %add3A_216 : i32 to index
        %get3A_412 = arith.constant 224 : index
        %get3A_413 = tpu.vector_load %arg10[%get3A_411, %get3A_412] {strides = array<i32>} : memref<32x768xf32, #tpu.memory_space<vmem>>, vector<1x16xf32>,
        %get3A_414 = vector.shape_cast %get3A_413 : vector<1x16xf32> to vector<16xf32>
        %get3A_415 = arith.index_cast %add3A_216 : i32 to index
        %get3A_416 = arith.constant 224 : index
        %get3A_417 = tpu.vector_load %arg8[%get3A_415, %get3A_416] {strides = array<i32>} : memref<32x768xf32, #tpu.memory_space<vmem>>, vector<1x16xf32>,
        %get3A_418 = vector.shape_cast %get3A_417 : vector<1x16xf32> to vector<16xf32>
        %add3A_419 = arith.addf %get3A_414, %get3A_418 : vector<16xf32>
        %swap3A_420 = arith.index_cast %add3A_216 : i32 to index
        %swap3A_421 = arith.constant 224 : index
        %swap3A_422 = tpu.vector_load %arg10[%swap3A_420, %swap3A_421] {strides = array<i32>} : memref<32x768xf32, #tpu.memory_space<vmem>>, vector<1x16xf32>,
        %swap3A_423 = vector.shape_cast %swap3A_422 : vector<1x16xf32> to vector<16xf32>
        %swap3A_424 = vector.shape_cast %add3A_419 : vector<16xf32> to vector<1x16xf32>
        tpu.vector_store %arg10[%swap3A_420, %swap3A_421], %swap3A_424 {strides = array<i32>} : memref<32x768xf32, #tpu.memory_space<vmem>>, vector<1x16xf32>,
        %get3A_425 = arith.index_cast %add3A_216 : i32 to index
        %get3A_426 = arith.constant 240 : index
        %get3A_427 = tpu.vector_load %arg10[%get3A_425, %get3A_426] {strides = array<i32>} : memref<32x768xf32, #tpu.memory_space<vmem>>, vector<1x16xf32>,
        %get3A_428 = vector.shape_cast %get3A_427 : vector<1x16xf32> to vector<16xf32>
        %get3A_429 = arith.index_cast %add3A_216 : i32 to index
        %get3A_430 = arith.constant 240 : index
        %get3A_431 = tpu.vector_load %arg8[%get3A_429, %get3A_430] {strides = array<i32>} : memref<32x768xf32, #tpu.memory_space<vmem>>, vector<1x16xf32>,
        %get3A_432 = vector.shape_cast %get3A_431 : vector<1x16xf32> to vector<16xf32>
        %add3A_433 = arith.addf %get3A_428, %get3A_432 : vector<16xf32>
        %swap3A_434 = arith.index_cast %add3A_216 : i32 to index
        %swap3A_435 = arith.constant 240 : index
        %swap3A_436 = tpu.vector_load %arg10[%swap3A_434, %swap3A_435] {strides = array<i32>} : memref<32x768xf32, #tpu.memory_space<vmem>>, vector<1x16xf32>,
        %swap3A_437 = vector.shape_cast %swap3A_436 : vector<1x16xf32> to vector<16xf32>
        %swap3A_438 = vector.shape_cast %add3A_433 : vector<16xf32> to vector<1x16xf32>
        tpu.vector_store %arg10[%swap3A_434, %swap3A_435], %swap3A_438 {strides = array<i32>} : memref<32x768xf32, #tpu.memory_space<vmem>>, vector<1x16xf32>,
        %get3A_439 = arith.index_cast %add3A_216 : i32 to index
        %get3A_440 = arith.constant 256 : index
        %get3A_441 = tpu.vector_load %arg10[%get3A_439, %get3A_440] {strides = array<i32>} : memref<32x768xf32, #tpu.memory_space<vmem>>, vector<1x16xf32>,
        %get3A_442 = vector.shape_cast %get3A_441 : vector<1x16xf32> to vector<16xf32>
        %get3A_443 = arith.index_cast %add3A_216 : i32 to index
        %get3A_444 = arith.constant 256 : index
        %get3A_445 = tpu.vector_load %arg8[%get3A_443, %get3A_444] {strides = array<i32>} : memref<32x768xf32, #tpu.memory_space<vmem>>, vector<1x16xf32>,
        %get3A_446 = vector.shape_cast %get3A_445 : vector<1x16xf32> to vector<16xf32>
        %add3A_447 = arith.addf %get3A_442, %get3A_446 : vector<16xf32>
        %swap3A_448 = arith.index_cast %add3A_216 : i32 to index
        %swap3A_449 = arith.constant 256 : index
        %swap3A_450 = tpu.vector_load %arg10[%swap3A_448, %swap3A_449] {strides = array<i32>} : memref<32x768xf32, #tpu.memory_space<vmem>>, vector<1x16xf32>,
        %swap3A_451 = vector.shape_cast %swap3A_450 : vector<1x16xf32> to vector<16xf32>
        %swap3A_452 = vector.shape_cast %add3A_447 : vector<16xf32> to vector<1x16xf32>
        tpu.vector_store %arg10[%swap3A_448, %swap3A_449], %swap3A_452 {strides = array<i32>} : memref<32x768xf32, #tpu.memory_space<vmem>>, vector<1x16xf32>,
        %get3A_453 = arith.index_cast %add3A_216 : i32 to index
        %get3A_454 = arith.constant 272 : index
        %get3A_455 = tpu.vector_load %arg10[%get3A_453, %get3A_454] {strides = array<i32>} : memref<32x768xf32, #tpu.memory_space<vmem>>, vector<1x16xf32>,
        %get3A_456 = vector.shape_cast %get3A_455 : vector<1x16xf32> to vector<16xf32>
        %get3A_457 = arith.index_cast %add3A_216 : i32 to index
        %get3A_458 = arith.constant 272 : index
        %get3A_459 = tpu.vector_load %arg8[%get3A_457, %get3A_458] {strides = array<i32>} : memref<32x768xf32, #tpu.memory_space<vmem>>, vector<1x16xf32>,
        %get3A_460 = vector.shape_cast %get3A_459 : vector<1x16xf32> to vector<16xf32>
        %add3A_461 = arith.addf %get3A_456, %get3A_460 : vector<16xf32>
        %swap3A_462 = arith.index_cast %add3A_216 : i32 to index
        %swap3A_463 = arith.constant 272 : index
        %swap3A_464 = tpu.vector_load %arg10[%swap3A_462, %swap3A_463] {strides = array<i32>} : memref<32x768xf32, #tpu.memory_space<vmem>>, vector<1x16xf32>,
        %swap3A_465 = vector.shape_cast %swap3A_464 : vector<1x16xf32> to vector<16xf32>
        %swap3A_466 = vector.shape_cast %add3A_461 : vector<16xf32> to vector<1x16xf32>
        tpu.vector_store %arg10[%swap3A_462, %swap3A_463], %swap3A_466 {strides = array<i32>} : memref<32x768xf32, #tpu.memory_space<vmem>>, vector<1x16xf32>,
        %get3A_467 = arith.index_cast %add3A_216 : i32 to index
        %get3A_468 = arith.constant 288 : index
        %get3A_469 = tpu.vector_load %arg10[%get3A_467, %get3A_468] {strides = array<i32>} : memref<32x768xf32, #tpu.memory_space<vmem>>, vector<1x16xf32>,
        %get3A_470 = vector.shape_cast %get3A_469 : vector<1x16xf32> to vector<16xf32>
        %get3A_471 = arith.index_cast %add3A_216 : i32 to index
        %get3A_472 = arith.constant 288 : index
        %get3A_473 = tpu.vector_load %arg8[%get3A_471, %get3A_472] {strides = array<i32>} : memref<32x768xf32, #tpu.memory_space<vmem>>, vector<1x16xf32>,
        %get3A_474 = vector.shape_cast %get3A_473 : vector<1x16xf32> to vector<16xf32>
        %add3A_475 = arith.addf %get3A_470, %get3A_474 : vector<16xf32>
        %swap3A_476 = arith.index_cast %add3A_216 : i32 to index
        %swap3A_477 = arith.constant 288 : index
        %swap3A_478 = tpu.vector_load %arg10[%swap3A_476, %swap3A_477] {strides = array<i32>} : memref<32x768xf32, #tpu.memory_space<vmem>>, vector<1x16xf32>,
        %swap3A_479 = vector.shape_cast %swap3A_478 : vector<1x16xf32> to vector<16xf32>
        %swap3A_480 = vector.shape_cast %add3A_475 : vector<16xf32> to vector<1x16xf32>
        tpu.vector_store %arg10[%swap3A_476, %swap3A_477], %swap3A_480 {strides = array<i32>} : memref<32x768xf32, #tpu.memory_space<vmem>>, vector<1x16xf32>,
        %get3A_481 = arith.index_cast %add3A_216 : i32 to index
        %get3A_482 = arith.constant 304 : index
        %get3A_483 = tpu.vector_load %arg10[%get3A_481, %get3A_482] {strides = array<i32>} : memref<32x768xf32, #tpu.memory_space<vmem>>, vector<1x16xf32>,
        %get3A_484 = vector.shape_cast %get3A_483 : vector<1x16xf32> to vector<16xf32>
        %get3A_485 = arith.index_cast %add3A_216 : i32 to index
        %get3A_486 = arith.constant 304 : index
        %get3A_487 = tpu.vector_load %arg8[%get3A_485, %get3A_486] {strides = array<i32>} : memref<32x768xf32, #tpu.memory_space<vmem>>, vector<1x16xf32>,
        %get3A_488 = vector.shape_cast %get3A_487 : vector<1x16xf32> to vector<16xf32>
        %add3A_489 = arith.addf %get3A_484, %get3A_488 : vector<16xf32>
        %swap3A_490 = arith.index_cast %add3A_216 : i32 to index
        %swap3A_491 = arith.constant 304 : index
        %swap3A_492 = tpu.vector_load %arg10[%swap3A_490, %swap3A_491] {strides = array<i32>} : memref<32x768xf32, #tpu.memory_space<vmem>>, vector<1x16xf32>,
        %swap3A_493 = vector.shape_cast %swap3A_492 : vector<1x16xf32> to vector<16xf32>
        %swap3A_494 = vector.shape_cast %add3A_489 : vector<16xf32> to vector<1x16xf32>
        tpu.vector_store %arg10[%swap3A_490, %swap3A_491], %swap3A_494 {strides = array<i32>} : memref<32x768xf32, #tpu.memory_space<vmem>>, vector<1x16xf32>,
        %get3A_495 = arith.index_cast %add3A_216 : i32 to index
        %get3A_496 = arith.constant 320 : index
        %get3A_497 = tpu.vector_load %arg10[%get3A_495, %get3A_496] {strides = array<i32>} : memref<32x768xf32, #tpu.memory_space<vmem>>, vector<1x16xf32>,
        %get3A_498 = vector.shape_cast %get3A_497 : vector<1x16xf32> to vector<16xf32>
        %get3A_499 = arith.index_cast %add3A_216 : i32 to index
        %get3A_500 = arith.constant 320 : index
        %get3A_501 = tpu.vector_load %arg8[%get3A_499, %get3A_500] {strides = array<i32>} : memref<32x768xf32, #tpu.memory_space<vmem>>, vector<1x16xf32>,
        %get3A_502 = vector.shape_cast %get3A_501 : vector<1x16xf32> to vector<16xf32>
        %add3A_503 = arith.addf %get3A_498, %get3A_502 : vector<16xf32>
        %swap3A_504 = arith.index_cast %add3A_216 : i32 to index
        %swap3A_505 = arith.constant 320 : index
        %swap3A_506 = tpu.vector_load %arg10[%swap3A_504, %swap3A_505] {strides = array<i32>} : memref<32x768xf32, #tpu.memory_space<vmem>>, vector<1x16xf32>,
        %swap3A_507 = vector.shape_cast %swap3A_506 : vector<1x16xf32> to vector<16xf32>
        %swap3A_508 = vector.shape_cast %add3A_503 : vector<16xf32> to vector<1x16xf32>
        tpu.vector_store %arg10[%swap3A_504, %swap3A_505], %swap3A_508 {strides = array<i32>} : memref<32x768xf32, #tpu.memory_space<vmem>>, vector<1x16xf32>,
        %get3A_509 = arith.index_cast %add3A_216 : i32 to index
        %get3A_510 = arith.constant 336 : index
        %get3A_511 = tpu.vector_load %arg10[%get3A_509, %get3A_510] {strides = array<i32>} : memref<32x768xf32, #tpu.memory_space<vmem>>, vector<1x16xf32>,
        %get3A_512 = vector.shape_cast %get3A_511 : vector<1x16xf32> to vector<16xf32>
        %get3A_513 = arith.index_cast %add3A_216 : i32 to index
        %get3A_514 = arith.constant 336 : index
        %get3A_515 = tpu.vector_load %arg8[%get3A_513, %get3A_514] {strides = array<i32>} : memref<32x768xf32, #tpu.memory_space<vmem>>, vector<1x16xf32>,
        %get3A_516 = vector.shape_cast %get3A_515 : vector<1x16xf32> to vector<16xf32>
        %add3A_517 = arith.addf %get3A_512, %get3A_516 : vector<16xf32>
        %swap3A_518 = arith.index_cast %add3A_216 : i32 to index
        %swap3A_519 = arith.constant 336 : index
        %swap3A_520 = tpu.vector_load %arg10[%swap3A_518, %swap3A_519] {strides = array<i32>} : memref<32x768xf32, #tpu.memory_space<vmem>>, vector<1x16xf32>,
        %swap3A_521 = vector.shape_cast %swap3A_520 : vector<1x16xf32> to vector<16xf32>
        %swap3A_522 = vector.shape_cast %add3A_517 : vector<16xf32> to vector<1x16xf32>
        tpu.vector_store %arg10[%swap3A_518, %swap3A_519], %swap3A_522 {strides = array<i32>} : memref<32x768xf32, #tpu.memory_space<vmem>>, vector<1x16xf32>,
        %get3A_523 = arith.index_cast %add3A_216 : i32 to index
        %get3A_524 = arith.constant 352 : index
        %get3A_525 = tpu.vector_load %arg10[%get3A_523, %get3A_524] {strides = array<i32>} : memref<32x768xf32, #tpu.memory_space<vmem>>, vector<1x16xf32>,
        %get3A_526 = vector.shape_cast %get3A_525 : vector<1x16xf32> to vector<16xf32>
        %get3A_527 = arith.index_cast %add3A_216 : i32 to index
        %get3A_528 = arith.constant 352 : index
        %get3A_529 = tpu.vector_load %arg8[%get3A_527, %get3A_528] {strides = array<i32>} : memref<32x768xf32, #tpu.memory_space<vmem>>, vector<1x16xf32>,
        %get3A_530 = vector.shape_cast %get3A_529 : vector<1x16xf32> to vector<16xf32>
        %add3A_531 = arith.addf %get3A_526, %get3A_530 : vector<16xf32>
        %swap3A_532 = arith.index_cast %add3A_216 : i32 to index
        %swap3A_533 = arith.constant 352 : index
        %swap3A_534 = tpu.vector_load %arg10[%swap3A_532, %swap3A_533] {strides = array<i32>} : memref<32x768xf32, #tpu.memory_space<vmem>>, vector<1x16xf32>,
        %swap3A_535 = vector.shape_cast %swap3A_534 : vector<1x16xf32> to vector<16xf32>
        %swap3A_536 = vector.shape_cast %add3A_531 : vector<16xf32> to vector<1x16xf32>
        tpu.vector_store %arg10[%swap3A_532, %swap3A_533], %swap3A_536 {strides = array<i32>} : memref<32x768xf32, #tpu.memory_space<vmem>>, vector<1x16xf32>,
        %get3A_537 = arith.index_cast %add3A_216 : i32 to index
        %get3A_538 = arith.constant 368 : index
        %get3A_539 = tpu.vector_load %arg10[%get3A_537, %get3A_538] {strides = array<i32>} : memref<32x768xf32, #tpu.memory_space<vmem>>, vector<1x16xf32>,
        %get3A_540 = vector.shape_cast %get3A_539 : vector<1x16xf32> to vector<16xf32>
        %get3A_541 = arith.index_cast %add3A_216 : i32 to index
        %get3A_542 = arith.constant 368 : index
        %get3A_543 = tpu.vector_load %arg8[%get3A_541, %get3A_542] {strides = array<i32>} : memref<32x768xf32, #tpu.memory_space<vmem>>, vector<1x16xf32>,
        %get3A_544 = vector.shape_cast %get3A_543 : vector<1x16xf32> to vector<16xf32>
        %add3A_545 = arith.addf %get3A_540, %get3A_544 : vector<16xf32>
        %swap3A_546 = arith.index_cast %add3A_216 : i32 to index
        %swap3A_547 = arith.constant 368 : index
        %swap3A_548 = tpu.vector_load %arg10[%swap3A_546, %swap3A_547] {strides = array<i32>} : memref<32x768xf32, #tpu.memory_space<vmem>>, vector<1x16xf32>,
        %swap3A_549 = vector.shape_cast %swap3A_548 : vector<1x16xf32> to vector<16xf32>
        %swap3A_550 = vector.shape_cast %add3A_545 : vector<16xf32> to vector<1x16xf32>
        tpu.vector_store %arg10[%swap3A_546, %swap3A_547], %swap3A_550 {strides = array<i32>} : memref<32x768xf32, #tpu.memory_space<vmem>>, vector<1x16xf32>,
        %get3A_551 = arith.index_cast %add3A_216 : i32 to index
        %get3A_552 = arith.constant 384 : index
        %get3A_553 = tpu.vector_load %arg10[%get3A_551, %get3A_552] {strides = array<i32>} : memref<32x768xf32, #tpu.memory_space<vmem>>, vector<1x16xf32>,
        %get3A_554 = vector.shape_cast %get3A_553 : vector<1x16xf32> to vector<16xf32>
        %get3A_555 = arith.index_cast %add3A_216 : i32 to index
        %get3A_556 = arith.constant 384 : index
        %get3A_557 = tpu.vector_load %arg8[%get3A_555, %get3A_556] {strides = array<i32>} : memref<32x768xf32, #tpu.memory_space<vmem>>, vector<1x16xf32>,
        %get3A_558 = vector.shape_cast %get3A_557 : vector<1x16xf32> to vector<16xf32>
        %add3A_559 = arith.addf %get3A_554, %get3A_558 : vector<16xf32>
        %swap3A_560 = arith.index_cast %add3A_216 : i32 to index
        %swap3A_561 = arith.constant 384 : index
        %swap3A_562 = tpu.vector_load %arg10[%swap3A_560, %swap3A_561] {strides = array<i32>} : memref<32x768xf32, #tpu.memory_space<vmem>>, vector<1x16xf32>,
        %swap3A_563 = vector.shape_cast %swap3A_562 : vector<1x16xf32> to vector<16xf32>
        %swap3A_564 = vector.shape_cast %add3A_559 : vector<16xf32> to vector<1x16xf32>
        tpu.vector_store %arg10[%swap3A_560, %swap3A_561], %swap3A_564 {strides = array<i32>} : memref<32x768xf32, #tpu.memory_space<vmem>>, vector<1x16xf32>,
        %get3A_565 = arith.index_cast %add3A_216 : i32 to index
        %get3A_566 = arith.constant 400 : index
        %get3A_567 = tpu.vector_load %arg10[%get3A_565, %get3A_566] {strides = array<i32>} : memref<32x768xf32, #tpu.memory_space<vmem>>, vector<1x16xf32>,
        %get3A_568 = vector.shape_cast %get3A_567 : vector<1x16xf32> to vector<16xf32>
        %get3A_569 = arith.index_cast %add3A_216 : i32 to index
        %get3A_570 = arith.constant 400 : index
        %get3A_571 = tpu.vector_load %arg8[%get3A_569, %get3A_570] {strides = array<i32>} : memref<32x768xf32, #tpu.memory_space<vmem>>, vector<1x16xf32>,
        %get3A_572 = vector.shape_cast %get3A_571 : vector<1x16xf32> to vector<16xf32>
        %add3A_573 = arith.addf %get3A_568, %get3A_572 : vector<16xf32>
        %swap3A_574 = arith.index_cast %add3A_216 : i32 to index
        %swap3A_575 = arith.constant 400 : index
        %swap3A_576 = tpu.vector_load %arg10[%swap3A_574, %swap3A_575] {strides = array<i32>} : memref<32x768xf32, #tpu.memory_space<vmem>>, vector<1x16xf32>,
        %swap3A_577 = vector.shape_cast %swap3A_576 : vector<1x16xf32> to vector<16xf32>
        %swap3A_578 = vector.shape_cast %add3A_573 : vector<16xf32> to vector<1x16xf32>
        tpu.vector_store %arg10[%swap3A_574, %swap3A_575], %swap3A_578 {strides = array<i32>} : memref<32x768xf32, #tpu.memory_space<vmem>>, vector<1x16xf32>,
        %get3A_579 = arith.index_cast %add3A_216 : i32 to index
        %get3A_580 = arith.constant 416 : index
        %get3A_581 = tpu.vector_load %arg10[%get3A_579, %get3A_580] {strides = array<i32>} : memref<32x768xf32, #tpu.memory_space<vmem>>, vector<1x16xf32>,
        %get3A_582 = vector.shape_cast %get3A_581 : vector<1x16xf32> to vector<16xf32>
        %get3A_583 = arith.index_cast %add3A_216 : i32 to index
        %get3A_584 = arith.constant 416 : index
        %get3A_585 = tpu.vector_load %arg8[%get3A_583, %get3A_584] {strides = array<i32>} : memref<32x768xf32, #tpu.memory_space<vmem>>, vector<1x16xf32>,
        %get3A_586 = vector.shape_cast %get3A_585 : vector<1x16xf32> to vector<16xf32>
        %add3A_587 = arith.addf %get3A_582, %get3A_586 : vector<16xf32>
        %swap3A_588 = arith.index_cast %add3A_216 : i32 to index
        %swap3A_589 = arith.constant 416 : index
        %swap3A_590 = tpu.vector_load %arg10[%swap3A_588, %swap3A_589] {strides = array<i32>} : memref<32x768xf32, #tpu.memory_space<vmem>>, vector<1x16xf32>,
        %swap3A_591 = vector.shape_cast %swap3A_590 : vector<1x16xf32> to vector<16xf32>
        %swap3A_592 = vector.shape_cast %add3A_587 : vector<16xf32> to vector<1x16xf32>
        tpu.vector_store %arg10[%swap3A_588, %swap3A_589], %swap3A_592 {strides = array<i32>} : memref<32x768xf32, #tpu.memory_space<vmem>>, vector<1x16xf32>,
        %get3A_593 = arith.index_cast %add3A_216 : i32 to index
        %get3A_594 = arith.constant 432 : index
        %get3A_595 = tpu.vector_load %arg10[%get3A_593, %get3A_594] {strides = array<i32>} : memref<32x768xf32, #tpu.memory_space<vmem>>, vector<1x16xf32>,
        %get3A_596 = vector.shape_cast %get3A_595 : vector<1x16xf32> to vector<16xf32>
        %get3A_597 = arith.index_cast %add3A_216 : i32 to index
        %get3A_598 = arith.constant 432 : index
        %get3A_599 = tpu.vector_load %arg8[%get3A_597, %get3A_598] {strides = array<i32>} : memref<32x768xf32, #tpu.memory_space<vmem>>, vector<1x16xf32>,
        %get3A_600 = vector.shape_cast %get3A_599 : vector<1x16xf32> to vector<16xf32>
        %add3A_601 = arith.addf %get3A_596, %get3A_600 : vector<16xf32>
        %swap3A_602 = arith.index_cast %add3A_216 : i32 to index
        %swap3A_603 = arith.constant 432 : index
        %swap3A_604 = tpu.vector_load %arg10[%swap3A_602, %swap3A_603] {strides = array<i32>} : memref<32x768xf32, #tpu.memory_space<vmem>>, vector<1x16xf32>,
        %swap3A_605 = vector.shape_cast %swap3A_604 : vector<1x16xf32> to vector<16xf32>
        %swap3A_606 = vector.shape_cast %add3A_601 : vector<16xf32> to vector<1x16xf32>
        tpu.vector_store %arg10[%swap3A_602, %swap3A_603], %swap3A_606 {strides = array<i32>} : memref<32x768xf32, #tpu.memory_space<vmem>>, vector<1x16xf32>,
        %get3A_607 = arith.index_cast %add3A_216 : i32 to index
        %get3A_608 = arith.constant 448 : index
        %get3A_609 = tpu.vector_load %arg10[%get3A_607, %get3A_608] {strides = array<i32>} : memref<32x768xf32, #tpu.memory_space<vmem>>, vector<1x16xf32>,
        %get3A_610 = vector.shape_cast %get3A_609 : vector<1x16xf32> to vector<16xf32>
        %get3A_611 = arith.index_cast %add3A_216 : i32 to index
        %get3A_612 = arith.constant 448 : index
        %get3A_613 = tpu.vector_load %arg8[%get3A_611, %get3A_612] {strides = array<i32>} : memref<32x768xf32, #tpu.memory_space<vmem>>, vector<1x16xf32>,
        %get3A_614 = vector.shape_cast %get3A_613 : vector<1x16xf32> to vector<16xf32>
        %add3A_615 = arith.addf %get3A_610, %get3A_614 : vector<16xf32>
        %swap3A_616 = arith.index_cast %add3A_216 : i32 to index
        %swap3A_617 = arith.constant 448 : index
        %swap3A_618 = tpu.vector_load %arg10[%swap3A_616, %swap3A_617] {strides = array<i32>} : memref<32x768xf32, #tpu.memory_space<vmem>>, vector<1x16xf32>,
        %swap3A_619 = vector.shape_cast %swap3A_618 : vector<1x16xf32> to vector<16xf32>
        %swap3A_620 = vector.shape_cast %add3A_615 : vector<16xf32> to vector<1x16xf32>
        tpu.vector_store %arg10[%swap3A_616, %swap3A_617], %swap3A_620 {strides = array<i32>} : memref<32x768xf32, #tpu.memory_space<vmem>>, vector<1x16xf32>,
        %get3A_621 = arith.index_cast %add3A_216 : i32 to index
        %get3A_622 = arith.constant 464 : index
        %get3A_623 = tpu.vector_load %arg10[%get3A_621, %get3A_622] {strides = array<i32>} : memref<32x768xf32, #tpu.memory_space<vmem>>, vector<1x16xf32>,
        %get3A_624 = vector.shape_cast %get3A_623 : vector<1x16xf32> to vector<16xf32>
        %get3A_625 = arith.index_cast %add3A_216 : i32 to index
        %get3A_626 = arith.constant 464 : index
        %get3A_627 = tpu.vector_load %arg8[%get3A_625, %get3A_626] {strides = array<i32>} : memref<32x768xf32, #tpu.memory_space<vmem>>, vector<1x16xf32>,
        %get3A_628 = vector.shape_cast %get3A_627 : vector<1x16xf32> to vector<16xf32>
        %add3A_629 = arith.addf %get3A_624, %get3A_628 : vector<16xf32>
        %swap3A_630 = arith.index_cast %add3A_216 : i32 to index
        %swap3A_631 = arith.constant 464 : index
        %swap3A_632 = tpu.vector_load %arg10[%swap3A_630, %swap3A_631] {strides = array<i32>} : memref<32x768xf32, #tpu.memory_space<vmem>>, vector<1x16xf32>,
        %swap3A_633 = vector.shape_cast %swap3A_632 : vector<1x16xf32> to vector<16xf32>
        %swap3A_634 = vector.shape_cast %add3A_629 : vector<16xf32> to vector<1x16xf32>
        tpu.vector_store %arg10[%swap3A_630, %swap3A_631], %swap3A_634 {strides = array<i32>} : memref<32x768xf32, #tpu.memory_space<vmem>>, vector<1x16xf32>,
        %get3A_635 = arith.index_cast %add3A_216 : i32 to index
        %get3A_636 = arith.constant 480 : index
        %get3A_637 = tpu.vector_load %arg10[%get3A_635, %get3A_636] {strides = array<i32>} : memref<32x768xf32, #tpu.memory_space<vmem>>, vector<1x16xf32>,
        %get3A_638 = vector.shape_cast %get3A_637 : vector<1x16xf32> to vector<16xf32>
        %get3A_639 = arith.index_cast %add3A_216 : i32 to index
        %get3A_640 = arith.constant 480 : index
        %get3A_641 = tpu.vector_load %arg8[%get3A_639, %get3A_640] {strides = array<i32>} : memref<32x768xf32, #tpu.memory_space<vmem>>, vector<1x16xf32>,
        %get3A_642 = vector.shape_cast %get3A_641 : vector<1x16xf32> to vector<16xf32>
        %add3A_643 = arith.addf %get3A_638, %get3A_642 : vector<16xf32>
        %swap3A_644 = arith.index_cast %add3A_216 : i32 to index
        %swap3A_645 = arith.constant 480 : index
        %swap3A_646 = tpu.vector_load %arg10[%swap3A_644, %swap3A_645] {strides = array<i32>} : memref<32x768xf32, #tpu.memory_space<vmem>>, vector<1x16xf32>,
        %swap3A_647 = vector.shape_cast %swap3A_646 : vector<1x16xf32> to vector<16xf32>
        %swap3A_648 = vector.shape_cast %add3A_643 : vector<16xf32> to vector<1x16xf32>
        tpu.vector_store %arg10[%swap3A_644, %swap3A_645], %swap3A_648 {strides = array<i32>} : memref<32x768xf32, #tpu.memory_space<vmem>>, vector<1x16xf32>,
        %get3A_649 = arith.index_cast %add3A_216 : i32 to index
        %get3A_650 = arith.constant 496 : index
        %get3A_651 = tpu.vector_load %arg10[%get3A_649, %get3A_650] {strides = array<i32>} : memref<32x768xf32, #tpu.memory_space<vmem>>, vector<1x16xf32>,
        %get3A_652 = vector.shape_cast %get3A_651 : vector<1x16xf32> to vector<16xf32>
        %get3A_653 = arith.index_cast %add3A_216 : i32 to index
        %get3A_654 = arith.constant 496 : index
        %get3A_655 = tpu.vector_load %arg8[%get3A_653, %get3A_654] {strides = array<i32>} : memref<32x768xf32, #tpu.memory_space<vmem>>, vector<1x16xf32>,
        %get3A_656 = vector.shape_cast %get3A_655 : vector<1x16xf32> to vector<16xf32>
        %add3A_657 = arith.addf %get3A_652, %get3A_656 : vector<16xf32>
        %swap3A_658 = arith.index_cast %add3A_216 : i32 to index
        %swap3A_659 = arith.constant 496 : index
        %swap3A_660 = tpu.vector_load %arg10[%swap3A_658, %swap3A_659] {strides = array<i32>} : memref<32x768xf32, #tpu.memory_space<vmem>>, vector<1x16xf32>,
        %swap3A_661 = vector.shape_cast %swap3A_660 : vector<1x16xf32> to vector<16xf32>
        %swap3A_662 = vector.shape_cast %add3A_657 : vector<16xf32> to vector<1x16xf32>
        tpu.vector_store %arg10[%swap3A_658, %swap3A_659], %swap3A_662 {strides = array<i32>} : memref<32x768xf32, #tpu.memory_space<vmem>>, vector<1x16xf32>,
        %get3A_663 = arith.index_cast %add3A_216 : i32 to index
        %get3A_664 = arith.constant 512 : index
        %get3A_665 = tpu.vector_load %arg10[%get3A_663, %get3A_664] {strides = array<i32>} : memref<32x768xf32, #tpu.memory_space<vmem>>, vector<1x16xf32>,
        %get3A_666 = vector.shape_cast %get3A_665 : vector<1x16xf32> to vector<16xf32>
        %get3A_667 = arith.index_cast %add3A_216 : i32 to index
        %get3A_668 = arith.constant 512 : index
        %get3A_669 = tpu.vector_load %arg8[%get3A_667, %get3A_668] {strides = array<i32>} : memref<32x768xf32, #tpu.memory_space<vmem>>, vector<1x16xf32>,
        %get3A_670 = vector.shape_cast %get3A_669 : vector<1x16xf32> to vector<16xf32>
        %add3A_671 = arith.addf %get3A_666, %get3A_670 : vector<16xf32>
        %swap3A_672 = arith.index_cast %add3A_216 : i32 to index
        %swap3A_673 = arith.constant 512 : index
        %swap3A_674 = tpu.vector_load %arg10[%swap3A_672, %swap3A_673] {strides = array<i32>} : memref<32x768xf32, #tpu.memory_space<vmem>>, vector<1x16xf32>,
        %swap3A_675 = vector.shape_cast %swap3A_674 : vector<1x16xf32> to vector<16xf32>
        %swap3A_676 = vector.shape_cast %add3A_671 : vector<16xf32> to vector<1x16xf32>
        tpu.vector_store %arg10[%swap3A_672, %swap3A_673], %swap3A_676 {strides = array<i32>} : memref<32x768xf32, #tpu.memory_space<vmem>>, vector<1x16xf32>,
        %get3A_677 = arith.index_cast %add3A_216 : i32 to index
        %get3A_678 = arith.constant 528 : index
        %get3A_679 = tpu.vector_load %arg10[%get3A_677, %get3A_678] {strides = array<i32>} : memref<32x768xf32, #tpu.memory_space<vmem>>, vector<1x16xf32>,
        %get3A_680 = vector.shape_cast %get3A_679 : vector<1x16xf32> to vector<16xf32>
        %get3A_681 = arith.index_cast %add3A_216 : i32 to index
        %get3A_682 = arith.constant 528 : index
        %get3A_683 = tpu.vector_load %arg8[%get3A_681, %get3A_682] {strides = array<i32>} : memref<32x768xf32, #tpu.memory_space<vmem>>, vector<1x16xf32>,
        %get3A_684 = vector.shape_cast %get3A_683 : vector<1x16xf32> to vector<16xf32>
        %add3A_685 = arith.addf %get3A_680, %get3A_684 : vector<16xf32>
        %swap3A_686 = arith.index_cast %add3A_216 : i32 to index
        %swap3A_687 = arith.constant 528 : index
        %swap3A_688 = tpu.vector_load %arg10[%swap3A_686, %swap3A_687] {strides = array<i32>} : memref<32x768xf32, #tpu.memory_space<vmem>>, vector<1x16xf32>,
        %swap3A_689 = vector.shape_cast %swap3A_688 : vector<1x16xf32> to vector<16xf32>
        %swap3A_690 = vector.shape_cast %add3A_685 : vector<16xf32> to vector<1x16xf32>
        tpu.vector_store %arg10[%swap3A_686, %swap3A_687], %swap3A_690 {strides = array<i32>} : memref<32x768xf32, #tpu.memory_space<vmem>>, vector<1x16xf32>,
        %get3A_691 = arith.index_cast %add3A_216 : i32 to index
        %get3A_692 = arith.constant 544 : index
        %get3A_693 = tpu.vector_load %arg10[%get3A_691, %get3A_692] {strides = array<i32>} : memref<32x768xf32, #tpu.memory_space<vmem>>, vector<1x16xf32>,
        %get3A_694 = vector.shape_cast %get3A_693 : vector<1x16xf32> to vector<16xf32>
        %get3A_695 = arith.index_cast %add3A_216 : i32 to index
        %get3A_696 = arith.constant 544 : index
        %get3A_697 = tpu.vector_load %arg8[%get3A_695, %get3A_696] {strides = array<i32>} : memref<32x768xf32, #tpu.memory_space<vmem>>, vector<1x16xf32>,
        %get3A_698 = vector.shape_cast %get3A_697 : vector<1x16xf32> to vector<16xf32>
        %add3A_699 = arith.addf %get3A_694, %get3A_698 : vector<16xf32>
        %swap3A_700 = arith.index_cast %add3A_216 : i32 to index
        %swap3A_701 = arith.constant 544 : index
        %swap3A_702 = tpu.vector_load %arg10[%swap3A_700, %swap3A_701] {strides = array<i32>} : memref<32x768xf32, #tpu.memory_space<vmem>>, vector<1x16xf32>,
        %swap3A_703 = vector.shape_cast %swap3A_702 : vector<1x16xf32> to vector<16xf32>
        %swap3A_704 = vector.shape_cast %add3A_699 : vector<16xf32> to vector<1x16xf32>
        tpu.vector_store %arg10[%swap3A_700, %swap3A_701], %swap3A_704 {strides = array<i32>} : memref<32x768xf32, #tpu.memory_space<vmem>>, vector<1x16xf32>,
        %get3A_705 = arith.index_cast %add3A_216 : i32 to index
        %get3A_706 = arith.constant 560 : index
        %get3A_707 = tpu.vector_load %arg10[%get3A_705, %get3A_706] {strides = array<i32>} : memref<32x768xf32, #tpu.memory_space<vmem>>, vector<1x16xf32>,
        %get3A_708 = vector.shape_cast %get3A_707 : vector<1x16xf32> to vector<16xf32>
        %get3A_709 = arith.index_cast %add3A_216 : i32 to index
        %get3A_710 = arith.constant 560 : index
        %get3A_711 = tpu.vector_load %arg8[%get3A_709, %get3A_710] {strides = array<i32>} : memref<32x768xf32, #tpu.memory_space<vmem>>, vector<1x16xf32>,
        %get3A_712 = vector.shape_cast %get3A_711 : vector<1x16xf32> to vector<16xf32>
        %add3A_713 = arith.addf %get3A_708, %get3A_712 : vector<16xf32>
        %swap3A_714 = arith.index_cast %add3A_216 : i32 to index
        %swap3A_715 = arith.constant 560 : index
        %swap3A_716 = tpu.vector_load %arg10[%swap3A_714, %swap3A_715] {strides = array<i32>} : memref<32x768xf32, #tpu.memory_space<vmem>>, vector<1x16xf32>,
        %swap3A_717 = vector.shape_cast %swap3A_716 : vector<1x16xf32> to vector<16xf32>
        %swap3A_718 = vector.shape_cast %add3A_713 : vector<16xf32> to vector<1x16xf32>
        tpu.vector_store %arg10[%swap3A_714, %swap3A_715], %swap3A_718 {strides = array<i32>} : memref<32x768xf32, #tpu.memory_space<vmem>>, vector<1x16xf32>,
        %get3A_719 = arith.index_cast %add3A_216 : i32 to index
        %get3A_720 = arith.constant 576 : index
        %get3A_721 = tpu.vector_load %arg10[%get3A_719, %get3A_720] {strides = array<i32>} : memref<32x768xf32, #tpu.memory_space<vmem>>, vector<1x16xf32>,
        %get3A_722 = vector.shape_cast %get3A_721 : vector<1x16xf32> to vector<16xf32>
        %get3A_723 = arith.index_cast %add3A_216 : i32 to index
        %get3A_724 = arith.constant 576 : index
        %get3A_725 = tpu.vector_load %arg8[%get3A_723, %get3A_724] {strides = array<i32>} : memref<32x768xf32, #tpu.memory_space<vmem>>, vector<1x16xf32>,
        %get3A_726 = vector.shape_cast %get3A_725 : vector<1x16xf32> to vector<16xf32>
        %add3A_727 = arith.addf %get3A_722, %get3A_726 : vector<16xf32>
        %swap3A_728 = arith.index_cast %add3A_216 : i32 to index
        %swap3A_729 = arith.constant 576 : index
        %swap3A_730 = tpu.vector_load %arg10[%swap3A_728, %swap3A_729] {strides = array<i32>} : memref<32x768xf32, #tpu.memory_space<vmem>>, vector<1x16xf32>,
        %swap3A_731 = vector.shape_cast %swap3A_730 : vector<1x16xf32> to vector<16xf32>
        %swap3A_732 = vector.shape_cast %add3A_727 : vector<16xf32> to vector<1x16xf32>
        tpu.vector_store %arg10[%swap3A_728, %swap3A_729], %swap3A_732 {strides = array<i32>} : memref<32x768xf32, #tpu.memory_space<vmem>>, vector<1x16xf32>,
        %get3A_733 = arith.index_cast %add3A_216 : i32 to index
        %get3A_734 = arith.constant 592 : index
        %get3A_735 = tpu.vector_load %arg10[%get3A_733, %get3A_734] {strides = array<i32>} : memref<32x768xf32, #tpu.memory_space<vmem>>, vector<1x16xf32>,
        %get3A_736 = vector.shape_cast %get3A_735 : vector<1x16xf32> to vector<16xf32>
        %get3A_737 = arith.index_cast %add3A_216 : i32 to index
        %get3A_738 = arith.constant 592 : index
        %get3A_739 = tpu.vector_load %arg8[%get3A_737, %get3A_738] {strides = array<i32>} : memref<32x768xf32, #tpu.memory_space<vmem>>, vector<1x16xf32>,
        %get3A_740 = vector.shape_cast %get3A_739 : vector<1x16xf32> to vector<16xf32>
        %add3A_741 = arith.addf %get3A_736, %get3A_740 : vector<16xf32>
        %swap3A_742 = arith.index_cast %add3A_216 : i32 to index
        %swap3A_743 = arith.constant 592 : index
        %swap3A_744 = tpu.vector_load %arg10[%swap3A_742, %swap3A_743] {strides = array<i32>} : memref<32x768xf32, #tpu.memory_space<vmem>>, vector<1x16xf32>,
        %swap3A_745 = vector.shape_cast %swap3A_744 : vector<1x16xf32> to vector<16xf32>
        %swap3A_746 = vector.shape_cast %add3A_741 : vector<16xf32> to vector<1x16xf32>
        tpu.vector_store %arg10[%swap3A_742, %swap3A_743], %swap3A_746 {strides = array<i32>} : memref<32x768xf32, #tpu.memory_space<vmem>>, vector<1x16xf32>,
        %get3A_747 = arith.index_cast %add3A_216 : i32 to index
        %get3A_748 = arith.constant 608 : index
        %get3A_749 = tpu.vector_load %arg10[%get3A_747, %get3A_748] {strides = array<i32>} : memref<32x768xf32, #tpu.memory_space<vmem>>, vector<1x16xf32>,
        %get3A_750 = vector.shape_cast %get3A_749 : vector<1x16xf32> to vector<16xf32>
        %get3A_751 = arith.index_cast %add3A_216 : i32 to index
        %get3A_752 = arith.constant 608 : index
        %get3A_753 = tpu.vector_load %arg8[%get3A_751, %get3A_752] {strides = array<i32>} : memref<32x768xf32, #tpu.memory_space<vmem>>, vector<1x16xf32>,
        %get3A_754 = vector.shape_cast %get3A_753 : vector<1x16xf32> to vector<16xf32>
        %add3A_755 = arith.addf %get3A_750, %get3A_754 : vector<16xf32>
        %swap3A_756 = arith.index_cast %add3A_216 : i32 to index
        %swap3A_757 = arith.constant 608 : index
        %swap3A_758 = tpu.vector_load %arg10[%swap3A_756, %swap3A_757] {strides = array<i32>} : memref<32x768xf32, #tpu.memory_space<vmem>>, vector<1x16xf32>,
        %swap3A_759 = vector.shape_cast %swap3A_758 : vector<1x16xf32> to vector<16xf32>
        %swap3A_760 = vector.shape_cast %add3A_755 : vector<16xf32> to vector<1x16xf32>
        tpu.vector_store %arg10[%swap3A_756, %swap3A_757], %swap3A_760 {strides = array<i32>} : memref<32x768xf32, #tpu.memory_space<vmem>>, vector<1x16xf32>,
        %get3A_761 = arith.index_cast %add3A_216 : i32 to index
        %get3A_762 = arith.constant 624 : index
        %get3A_763 = tpu.vector_load %arg10[%get3A_761, %get3A_762] {strides = array<i32>} : memref<32x768xf32, #tpu.memory_space<vmem>>, vector<1x16xf32>,
        %get3A_764 = vector.shape_cast %get3A_763 : vector<1x16xf32> to vector<16xf32>
        %get3A_765 = arith.index_cast %add3A_216 : i32 to index
        %get3A_766 = arith.constant 624 : index
        %get3A_767 = tpu.vector_load %arg8[%get3A_765, %get3A_766] {strides = array<i32>} : memref<32x768xf32, #tpu.memory_space<vmem>>, vector<1x16xf32>,
        %get3A_768 = vector.shape_cast %get3A_767 : vector<1x16xf32> to vector<16xf32>
        %add3A_769 = arith.addf %get3A_764, %get3A_768 : vector<16xf32>
        %swap3A_770 = arith.index_cast %add3A_216 : i32 to index
        %swap3A_771 = arith.constant 624 : index
        %swap3A_772 = tpu.vector_load %arg10[%swap3A_770, %swap3A_771] {strides = array<i32>} : memref<32x768xf32, #tpu.memory_space<vmem>>, vector<1x16xf32>,
        %swap3A_773 = vector.shape_cast %swap3A_772 : vector<1x16xf32> to vector<16xf32>
        %swap3A_774 = vector.shape_cast %add3A_769 : vector<16xf32> to vector<1x16xf32>
        tpu.vector_store %arg10[%swap3A_770, %swap3A_771], %swap3A_774 {strides = array<i32>} : memref<32x768xf32, #tpu.memory_space<vmem>>, vector<1x16xf32>,
        %get3A_775 = arith.index_cast %add3A_216 : i32 to index
        %get3A_776 = arith.constant 640 : index
        %get3A_777 = tpu.vector_load %arg10[%get3A_775, %get3A_776] {strides = array<i32>} : memref<32x768xf32, #tpu.memory_space<vmem>>, vector<1x16xf32>,
        %get3A_778 = vector.shape_cast %get3A_777 : vector<1x16xf32> to vector<16xf32>
        %get3A_779 = arith.index_cast %add3A_216 : i32 to index
        %get3A_780 = arith.constant 640 : index
        %get3A_781 = tpu.vector_load %arg8[%get3A_779, %get3A_780] {strides = array<i32>} : memref<32x768xf32, #tpu.memory_space<vmem>>, vector<1x16xf32>,
        %get3A_782 = vector.shape_cast %get3A_781 : vector<1x16xf32> to vector<16xf32>
        %add3A_783 = arith.addf %get3A_778, %get3A_782 : vector<16xf32>
        %swap3A_784 = arith.index_cast %add3A_216 : i32 to index
        %swap3A_785 = arith.constant 640 : index
        %swap3A_786 = tpu.vector_load %arg10[%swap3A_784, %swap3A_785] {strides = array<i32>} : memref<32x768xf32, #tpu.memory_space<vmem>>, vector<1x16xf32>,
        %swap3A_787 = vector.shape_cast %swap3A_786 : vector<1x16xf32> to vector<16xf32>
        %swap3A_788 = vector.shape_cast %add3A_783 : vector<16xf32> to vector<1x16xf32>
        tpu.vector_store %arg10[%swap3A_784, %swap3A_785], %swap3A_788 {strides = array<i32>} : memref<32x768xf32, #tpu.memory_space<vmem>>, vector<1x16xf32>,
        %get3A_789 = arith.index_cast %add3A_216 : i32 to index
        %get3A_790 = arith.constant 656 : index
        %get3A_791 = tpu.vector_load %arg10[%get3A_789, %get3A_790] {strides = array<i32>} : memref<32x768xf32, #tpu.memory_space<vmem>>, vector<1x16xf32>,
        %get3A_792 = vector.shape_cast %get3A_791 : vector<1x16xf32> to vector<16xf32>
        %get3A_793 = arith.index_cast %add3A_216 : i32 to index
        %get3A_794 = arith.constant 656 : index
        %get3A_795 = tpu.vector_load %arg8[%get3A_793, %get3A_794] {strides = array<i32>} : memref<32x768xf32, #tpu.memory_space<vmem>>, vector<1x16xf32>,
        %get3A_796 = vector.shape_cast %get3A_795 : vector<1x16xf32> to vector<16xf32>
        %add3A_797 = arith.addf %get3A_792, %get3A_796 : vector<16xf32>
        %swap3A_798 = arith.index_cast %add3A_216 : i32 to index
        %swap3A_799 = arith.constant 656 : index
        %swap3A_800 = tpu.vector_load %arg10[%swap3A_798, %swap3A_799] {strides = array<i32>} : memref<32x768xf32, #tpu.memory_space<vmem>>, vector<1x16xf32>,
        %swap3A_801 = vector.shape_cast %swap3A_800 : vector<1x16xf32> to vector<16xf32>
        %swap3A_802 = vector.shape_cast %add3A_797 : vector<16xf32> to vector<1x16xf32>
        tpu.vector_store %arg10[%swap3A_798, %swap3A_799], %swap3A_802 {strides = array<i32>} : memref<32x768xf32, #tpu.memory_space<vmem>>, vector<1x16xf32>,
        %get3A_803 = arith.index_cast %add3A_216 : i32 to index
        %get3A_804 = arith.constant 672 : index
        %get3A_805 = tpu.vector_load %arg10[%get3A_803, %get3A_804] {strides = array<i32>} : memref<32x768xf32, #tpu.memory_space<vmem>>, vector<1x16xf32>,
        %get3A_806 = vector.shape_cast %get3A_805 : vector<1x16xf32> to vector<16xf32>
        %get3A_807 = arith.index_cast %add3A_216 : i32 to index
        %get3A_808 = arith.constant 672 : index
        %get3A_809 = tpu.vector_load %arg8[%get3A_807, %get3A_808] {strides = array<i32>} : memref<32x768xf32, #tpu.memory_space<vmem>>, vector<1x16xf32>,
        %get3A_810 = vector.shape_cast %get3A_809 : vector<1x16xf32> to vector<16xf32>
        %add3A_811 = arith.addf %get3A_806, %get3A_810 : vector<16xf32>
        %swap3A_812 = arith.index_cast %add3A_216 : i32 to index
        %swap3A_813 = arith.constant 672 : index
        %swap3A_814 = tpu.vector_load %arg10[%swap3A_812, %swap3A_813] {strides = array<i32>} : memref<32x768xf32, #tpu.memory_space<vmem>>, vector<1x16xf32>,
        %swap3A_815 = vector.shape_cast %swap3A_814 : vector<1x16xf32> to vector<16xf32>
        %swap3A_816 = vector.shape_cast %add3A_811 : vector<16xf32> to vector<1x16xf32>
        tpu.vector_store %arg10[%swap3A_812, %swap3A_813], %swap3A_816 {strides = array<i32>} : memref<32x768xf32, #tpu.memory_space<vmem>>, vector<1x16xf32>,
        %get3A_817 = arith.index_cast %add3A_216 : i32 to index
        %get3A_818 = arith.constant 688 : index
        %get3A_819 = tpu.vector_load %arg10[%get3A_817, %get3A_818] {strides = array<i32>} : memref<32x768xf32, #tpu.memory_space<vmem>>, vector<1x16xf32>,
        %get3A_820 = vector.shape_cast %get3A_819 : vector<1x16xf32> to vector<16xf32>
        %get3A_821 = arith.index_cast %add3A_216 : i32 to index
        %get3A_822 = arith.constant 688 : index
        %get3A_823 = tpu.vector_load %arg8[%get3A_821, %get3A_822] {strides = array<i32>} : memref<32x768xf32, #tpu.memory_space<vmem>>, vector<1x16xf32>,
        %get3A_824 = vector.shape_cast %get3A_823 : vector<1x16xf32> to vector<16xf32>
        %add3A_825 = arith.addf %get3A_820, %get3A_824 : vector<16xf32>
        %swap3A_826 = arith.index_cast %add3A_216 : i32 to index
        %swap3A_827 = arith.constant 688 : index
        %swap3A_828 = tpu.vector_load %arg10[%swap3A_826, %swap3A_827] {strides = array<i32>} : memref<32x768xf32, #tpu.memory_space<vmem>>, vector<1x16xf32>,
        %swap3A_829 = vector.shape_cast %swap3A_828 : vector<1x16xf32> to vector<16xf32>
        %swap3A_830 = vector.shape_cast %add3A_825 : vector<16xf32> to vector<1x16xf32>
        tpu.vector_store %arg10[%swap3A_826, %swap3A_827], %swap3A_830 {strides = array<i32>} : memref<32x768xf32, #tpu.memory_space<vmem>>, vector<1x16xf32>,
        %get3A_831 = arith.index_cast %add3A_216 : i32 to index
        %get3A_832 = arith.constant 704 : index
        %get3A_833 = tpu.vector_load %arg10[%get3A_831, %get3A_832] {strides = array<i32>} : memref<32x768xf32, #tpu.memory_space<vmem>>, vector<1x16xf32>,
        %get3A_834 = vector.shape_cast %get3A_833 : vector<1x16xf32> to vector<16xf32>
        %get3A_835 = arith.index_cast %add3A_216 : i32 to index
        %get3A_836 = arith.constant 704 : index
        %get3A_837 = tpu.vector_load %arg8[%get3A_835, %get3A_836] {strides = array<i32>} : memref<32x768xf32, #tpu.memory_space<vmem>>, vector<1x16xf32>,
        %get3A_838 = vector.shape_cast %get3A_837 : vector<1x16xf32> to vector<16xf32>
        %add3A_839 = arith.addf %get3A_834, %get3A_838 : vector<16xf32>
        %swap3A_840 = arith.index_cast %add3A_216 : i32 to index
        %swap3A_841 = arith.constant 704 : index
        %swap3A_842 = tpu.vector_load %arg10[%swap3A_840, %swap3A_841] {strides = array<i32>} : memref<32x768xf32, #tpu.memory_space<vmem>>, vector<1x16xf32>,
        %swap3A_843 = vector.shape_cast %swap3A_842 : vector<1x16xf32> to vector<16xf32>
        %swap3A_844 = vector.shape_cast %add3A_839 : vector<16xf32> to vector<1x16xf32>
        tpu.vector_store %arg10[%swap3A_840, %swap3A_841], %swap3A_844 {strides = array<i32>} : memref<32x768xf32, #tpu.memory_space<vmem>>, vector<1x16xf32>,
        %get3A_845 = arith.index_cast %add3A_216 : i32 to index
        %get3A_846 = arith.constant 720 : index
        %get3A_847 = tpu.vector_load %arg10[%get3A_845, %get3A_846] {strides = array<i32>} : memref<32x768xf32, #tpu.memory_space<vmem>>, vector<1x16xf32>,
        %get3A_848 = vector.shape_cast %get3A_847 : vector<1x16xf32> to vector<16xf32>
        %get3A_849 = arith.index_cast %add3A_216 : i32 to index
        %get3A_850 = arith.constant 720 : index
        %get3A_851 = tpu.vector_load %arg8[%get3A_849, %get3A_850] {strides = array<i32>} : memref<32x768xf32, #tpu.memory_space<vmem>>, vector<1x16xf32>,
        %get3A_852 = vector.shape_cast %get3A_851 : vector<1x16xf32> to vector<16xf32>
        %add3A_853 = arith.addf %get3A_848, %get3A_852 : vector<16xf32>
        %swap3A_854 = arith.index_cast %add3A_216 : i32 to index
        %swap3A_855 = arith.constant 720 : index
        %swap3A_856 = tpu.vector_load %arg10[%swap3A_854, %swap3A_855] {strides = array<i32>} : memref<32x768xf32, #tpu.memory_space<vmem>>, vector<1x16xf32>,
        %swap3A_857 = vector.shape_cast %swap3A_856 : vector<1x16xf32> to vector<16xf32>
        %swap3A_858 = vector.shape_cast %add3A_853 : vector<16xf32> to vector<1x16xf32>
        tpu.vector_store %arg10[%swap3A_854, %swap3A_855], %swap3A_858 {strides = array<i32>} : memref<32x768xf32, #tpu.memory_space<vmem>>, vector<1x16xf32>,
        %get3A_859 = arith.index_cast %add3A_216 : i32 to index
        %get3A_860 = arith.constant 736 : index
        %get3A_861 = tpu.vector_load %arg10[%get3A_859, %get3A_860] {strides = array<i32>} : memref<32x768xf32, #tpu.memory_space<vmem>>, vector<1x16xf32>,
        %get3A_862 = vector.shape_cast %get3A_861 : vector<1x16xf32> to vector<16xf32>
        %get3A_863 = arith.index_cast %add3A_216 : i32 to index
        %get3A_864 = arith.constant 736 : index
        %get3A_865 = tpu.vector_load %arg8[%get3A_863, %get3A_864] {strides = array<i32>} : memref<32x768xf32, #tpu.memory_space<vmem>>, vector<1x16xf32>,
        %get3A_866 = vector.shape_cast %get3A_865 : vector<1x16xf32> to vector<16xf32>
        %add3A_867 = arith.addf %get3A_862, %get3A_866 : vector<16xf32>
        %swap3A_868 = arith.index_cast %add3A_216 : i32 to index
        %swap3A_869 = arith.constant 736 : index
        %swap3A_870 = tpu.vector_load %arg10[%swap3A_868, %swap3A_869] {strides = array<i32>} : memref<32x768xf32, #tpu.memory_space<vmem>>, vector<1x16xf32>,
        %swap3A_871 = vector.shape_cast %swap3A_870 : vector<1x16xf32> to vector<16xf32>
        %swap3A_872 = vector.shape_cast %add3A_867 : vector<16xf32> to vector<1x16xf32>
        tpu.vector_store %arg10[%swap3A_868, %swap3A_869], %swap3A_872 {strides = array<i32>} : memref<32x768xf32, #tpu.memory_space<vmem>>, vector<1x16xf32>,
        %get3A_873 = arith.index_cast %add3A_216 : i32 to index
        %get3A_874 = arith.constant 752 : index
        %get3A_875 = tpu.vector_load %arg10[%get3A_873, %get3A_874] {strides = array<i32>} : memref<32x768xf32, #tpu.memory_space<vmem>>, vector<1x16xf32>,
        %get3A_876 = vector.shape_cast %get3A_875 : vector<1x16xf32> to vector<16xf32>
        %get3A_877 = arith.index_cast %add3A_216 : i32 to index
        %get3A_878 = arith.constant 752 : index
        %get3A_879 = tpu.vector_load %arg8[%get3A_877, %get3A_878] {strides = array<i32>} : memref<32x768xf32, #tpu.memory_space<vmem>>, vector<1x16xf32>,
        %get3A_880 = vector.shape_cast %get3A_879 : vector<1x16xf32> to vector<16xf32>
        %add3A_881 = arith.addf %get3A_876, %get3A_880 : vector<16xf32>
        %swap3A_882 = arith.index_cast %add3A_216 : i32 to index
        %swap3A_883 = arith.constant 752 : index
        %swap3A_884 = tpu.vector_load %arg10[%swap3A_882, %swap3A_883] {strides = array<i32>} : memref<32x768xf32, #tpu.memory_space<vmem>>, vector<1x16xf32>,
        %swap3A_885 = vector.shape_cast %swap3A_884 : vector<1x16xf32> to vector<16xf32>
        %swap3A_886 = vector.shape_cast %add3A_881 : vector<16xf32> to vector<1x16xf32>
        tpu.vector_store %arg10[%swap3A_882, %swap3A_883], %swap3A_886 {strides = array<i32>} : memref<32x768xf32, #tpu.memory_space<vmem>>, vector<1x16xf32>,
      }
      %scan3A_178 = arith.constant 32 : i32
      %jit3A_179 = arith.constant 2 : i32
      %div3A_180 = arith.divsi %add3A_161, %jit3A_179 : i32
      %sign3A_181 = arith.constant 0 : i32
      %sign3A_182 = arith.cmpi sgt, %add3A_161, %sign3A_181 : i32
      %sign3A_183 = arith.extui %sign3A_182 : i1 to i32
      %sign3A_184 = arith.constant 0 : i32
      %sign3A_185 = arith.cmpi slt, %add3A_161, %sign3A_184 : i32
      %sign3A_186 = arith.extui %sign3A_185 : i1 to i32
      %sign3A_187 = arith.subi %sign3A_183, %sign3A_186 : i32
      %sign3A_188 = arith.constant 0 : i32
      %sign3A_189 = arith.cmpi sgt, %jit3A_179, %sign3A_188 : i32
      %sign3A_190 = arith.extui %sign3A_189 : i1 to i32
      %sign3A_191 = arith.constant 0 : i32
      %sign3A_192 = arith.cmpi slt, %jit3A_179, %sign3A_191 : i32
      %sign3A_193 = arith.extui %sign3A_192 : i1 to i32
      %sign3A_194 = arith.subi %sign3A_190, %sign3A_193 : i32
      %ne3A_195 = arith.cmpi ne, %sign3A_187, %sign3A_194 : i32
      %rem3A_196 = arith.remsi %add3A_161, %jit3A_179 : i32
      %ne3A_197 = arith.constant 0 : i32
      %ne3A_198 = arith.cmpi ne, %rem3A_196, %ne3A_197 : i32
      %and3A_199 = arith.andi %ne3A_195, %ne3A_198 : i1
      %sub3A_200 = arith.constant 1 : i32
      %sub3A_201 = arith.subi %div3A_180, %sub3A_200 : i32
      %select_n3A_202 = arith.select %and3A_199, %sub3A_201, %div3A_180 : i32
      %mul3A_203 = arith.constant 2048 : i32
      %mul3A_204 = arith.muli %select_n3A_202, %mul3A_203 : i32
      %add3A_205 = arith.addi %mul3A_204, %mul3A_2 : i32
      %add3A_206 = arith.constant 32 : i32
      %add3A_207 = arith.addi %add3A_205, %add3A_206 : i32
      %dma_start3A_208 = arith.constant 0 : i32
      %dma_start3A_209 = tpu.memref_slice %arg5[%add3A_207, %dma_start3A_208] : memref<8192x768xf32, #tpu.memory_space<hbm>> -> memref<32x768xf32, #tpu.memory_space<hbm>>
      %dma_start3A_210 = arith.constant 0 : i32
      %dma_start3A_211 = tpu.memref_slice %arg5[%add3A_207, %dma_start3A_210] : memref<8192x768xf32, #tpu.memory_space<hbm>> -> memref<32x768xf32, #tpu.memory_space<hbm>>
      tpu.enqueue_dma source(%arg10 : memref<32x768xf32, #tpu.memory_space<vmem>>) target(%dma_start3A_211 : memref<32x768xf32, #tpu.memory_space<hbm>>) target_semaphore(%arg17 : memref<!tpu.dma_semaphore, #tpu.memory_space<semaphore_mem>>)
    }
    %scan3A_101 = arith.constant 4 : i32
    %dma_wait3A_102 = arith.constant 0 : i32
    %dma_wait3A_103 = arith.constant 0 : i32
    %dma_wait3A_104 = tpu.memref_slice %arg5[%dma_wait3A_102, %dma_wait3A_103] : memref<8192x768xf32, #tpu.memory_space<hbm>> -> memref<32x768xf32, #tpu.memory_space<hbm>>
    %dma_wait3A_105 = arith.constant 0 : i32
    %dma_wait3A_106 = arith.constant 0 : i32
    %dma_wait3A_107 = tpu.memref_slice %arg5[%dma_wait3A_105, %dma_wait3A_106] : memref<8192x768xf32, #tpu.memory_space<hbm>> -> memref<32x768xf32, #tpu.memory_space<hbm>>
    tpu.wait_dma2 semaphore(%arg16 : memref<!tpu.dma_semaphore, #tpu.memory_space<semaphore_mem>>) src(%arg9 : memref<32x768xf32, #tpu.memory_space<vmem>>) dst(%dma_wait3A_107 : memref<32x768xf32, #tpu.memory_space<hbm>>)
    %dma_wait3A_108 = arith.constant 0 : i32
    %dma_wait3A_109 = arith.constant 0 : i32
    %dma_wait3A_110 = tpu.memref_slice %arg5[%dma_wait3A_108, %dma_wait3A_109] : memref<8192x768xf32, #tpu.memory_space<hbm>> -> memref<32x768xf32, #tpu.memory_space<hbm>>
    %dma_wait3A_111 = arith.constant 0 : i32
    %dma_wait3A_112 = arith.constant 0 : i32
    %dma_wait3A_113 = tpu.memref_slice %arg5[%dma_wait3A_111, %dma_wait3A_112] : memref<8192x768xf32, #tpu.memory_space<hbm>> -> memref<32x768xf32, #tpu.memory_space<hbm>>
    tpu.wait_dma2 semaphore(%arg17 : memref<!tpu.dma_semaphore, #tpu.memory_space<semaphore_mem>>) src(%arg10 : memref<32x768xf32, #tpu.memory_space<vmem>>) dst(%dma_wait3A_113 : memref<32x768xf32, #tpu.memory_space<hbm>>)
    return
  }
}

</mosaic_0001>

<sc_bundles>
// kernel: kernel.3.cloned.1.call-start
scs
__scs_entry_jumppad:
0x0: {  	(pc) =	sbr.rel $0x88, $3  }
0x1: {  	(tag) =	ssettag $0x0;
	lr =	simm.s32 $0x1  }
0x2: {  	[smem:$0x3F9E] =	sst lr;
	_ =	strace $0xD0000000  }
0x3: {  	_ = 	snop  }
0x4: {  	_ = 	snop  }
0x5: {  	_ = 	snop  }
0x6: {  	_ = 	snop  }
0x7: {  	_ = 	snop  }
__scs_overlays_trampoline_lowered:
0x8: {  	[smem:$0x3FAD] =	sst s0  }
0x9: {  	[smem:$0x3FAE] =	sst s1  }
0xa: {  	[smem:$0x3FAF] =	sst s2  }
0xb: {  	[smem:$0x3FB0] =	sst s3  }
0xc: {  	[smem:$0x3FB1] =	sst s4  }
0xd: {  	[smem:$0x3FB2] =	sst s5  }
0xe: {  	[smem:$0x3FB3] =	sst s6  }
0xf: {  	[smem:$0x3FB4] =	sst s7  }
0x10: {  	[smem:$0x3FB5] =	sst s8  }
0x11: {  	[smem:$0x3FB6] =	sst s9;
	s0 =	simm.s32 @!p0 $0x0  }
0x12: {  	s1 =	sld [smem:$0x3F9C];
	s0 =	simm.s32 @p0 $0x1  }
0x13: {  	[smem:$0x3FB7] =	sst s0;
	s0 =	simm.s32 @!p1 $0x0  }
0x14: {  	s2 =	sld [smem:$0x3F9B];
	s0 =	simm.s32 @p1 $0x1  }
0x15: {  	[smem:$0x3FB8] =	sst s0;
	s0 =	simm.s32 @!p2 $0x0  }
0x16: {  	s3 =	sld [smem:$0x3FDB];
	s0 =	simm.s32 @p2 $0x1  }
0x17: {  	s4 =	simm.s32 $0x1BF5;
	[smem:$0x3FBA] =	sst s0  }
0x18: {  	s0 =	sld [smem:$0x3F9D];
	_ =	swait.ge [sflag:s4], $0x0  }
0x19: {  	s7 =	sld [smem:$0x3F9E]  }
0x1a: {  	s8 =	sadd.s32 $0xFFFFE003, lr  }
0x1b: {  	s9 =	sadd.s32 $0xFFFFFEF7, lr;
	s5 =	simm.s32 $0xFFFFFFFF;
	p2 =	slt.u32 s8, $0xFFFFF086  }
0x1c: {  	p1 =	slt.u32 s9, $0xF7A;
	s5 =	simm.s32 @!p2 $0x0  }
0x1d: {  	s5 =	simm.s32 @p1 $0x1;
	p0 =	seq.s32 s7, s2  }
0x1e: {  	s7 =	smul.u32 @!p0 $0xF7A, s2;
	p2 =	seq.s32 @!p0 s5, $0x0  }
0x1f: {  	s9 =	smul.u32 $0xF7A, s1;
	s8 =	simm.s32 @!p0 $0x1BF5;
	p2 =	por !p2, p0  }
0x20: {  	[sflag:s8] =	ssyncset.s32 @!p0 $0xFFFFF086;
	s6 =	sadd.s32 @!p0 s3, s7;
	s7 =	simm.s32 @!p0 $0x108  }
0x21: {  	s3 =	sadd.s32 s3, s9;
	s6 =	sadd.s32 @!p0 $0x88, s6;
	s7 =	simm.s32 @p2 $0x1082  }
0x22: {  	[simem:s7], [sflag:s8] =	dma.local @!p0 [hbm:s6], $0xF7A  }
0x23: {  	s9 =	sor.u32 $0xD0000000, s2;
	s6 =	simm.s32 $0x108;
	_ =	swait.ge @!p0 [sflag:s8], $0x0  }
0x24: {  	s3 =	sadd.s32 $0x88, s3;
	s6 =	simm.s32 @!p1 $0x1082;
	[sflag:s4] =	ssyncset.s32 $0xFFFFF086  }
0x25: {  	[simem:s6], [sflag:s4] =	dma.local [hbm:s3], $0xF7A  }
0x26: {  	[smem:$0x3F9E] =	sst s1;
	(tag) =	ssettag s2;
	_ =	strace s9  }
0x27: {  	s1 =	sld [smem:$0x3FAE]  }
0x28: {  	s2 =	sld [smem:$0x3FAF]  }
0x29: {  	s4 =	sld [smem:$0x3FB1]  }
0x2a: {  	p0 =	seq.s32 s5, $0x0;
	s5 =	sld [smem:$0x3FB2]  }
0x2b: {  	s6 =	sld [smem:$0x3FB3]  }
0x2c: {  	s7 =	sld [smem:$0x3FB4]  }
0x2d: {  	s3 =	simm.s32 $0x108;
	s8 =	sld [smem:$0x3FB5]  }
0x2e: {  	s3 =	simm.s32 @!p0 $0x1082;
	s9 =	sld [smem:$0x3FB6]  }
0x2f: {  	lr =	sadd.s32 s0, s3;
	s0 =	sld [smem:$0x3FAD]  }
0x30: {  	s3 =	sld [smem:$0x3FB0]  }
0x31: {  	[smem:$0x3FB9] =	sst s10  }
0x32: {  	s10 =	sld [smem:$0x3FB7];
	_ =	sdelay $0x3  }
0x33: {  	p0 =	seq.s32 s10, $0x1;
	s10 =	sld [smem:$0x3FB9];
	_ =	sdelay $0x3  }
0x34: {  	[smem:$0x3FB9] =	sst s10  }
0x35: {  	s10 =	sld [smem:$0x3FB8];
	_ =	sdelay $0x3  }
0x36: {  	p1 =	seq.s32 s10, $0x1;
	s10 =	sld [smem:$0x3FB9];
	_ =	sdelay $0x3  }
0x37: {  	[smem:$0x3FB9] =	sst s10  }
0x38: {  	s10 =	sld [smem:$0x3FBA]  }
0x39: {  	_ = 	snop;
	(pc) =	sbr.ind lr, $3  }
0x3a: {  	_ = 	snop  }
0x3b: {  	_ = 	snop  }
0x3c: {  	p2 =	seq.s32 s10, $0x1;
	s10 =	sld [smem:$0x3FB9]  }
0x3d: {  	_ =	shalt  }
0x3e: {  	_ =	shalt  }
0x3f: {  	_ =	shalt  }
0x40: {  	_ =	shalt  }
0x41: {  	_ =	shalt  }
0x42: {  	_ =	shalt  }
0x43: {  	_ =	shalt  }
0x44: {  	_ =	shalt  }
0x45: {  	_ =	shalt  }
0x46: {  	_ =	shalt  }
0x47: {  	_ =	shalt  }
0x48: {  	_ =	shalt  }
0x49: {  	_ =	shalt  }
0x4a: {  	_ =	shalt  }
0x4b: {  	_ =	shalt  }
0x4c: {  	_ =	shalt  }
0x4d: {  	_ =	shalt  }
0x4e: {  	_ =	shalt  }
0x4f: {  	_ =	shalt  }
0x50: {  	_ =	shalt  }
0x51: {  	_ =	shalt  }
0x52: {  	_ =	shalt  }
0x53: {  	_ =	shalt  }
0x54: {  	_ =	shalt  }
0x55: {  	_ =	shalt  }
0x56: {  	_ =	shalt  }
0x57: {  	_ =	shalt  }
0x58: {  	_ =	shalt  }
0x59: {  	_ =	shalt  }
0x5a: {  	_ =	shalt  }
0x5b: {  	_ =	shalt  }
0x5c: {  	_ =	shalt  }
0x5d: {  	_ =	shalt  }
0x5e: {  	_ =	shalt  }
0x5f: {  	_ =	shalt  }
0x60: {  	_ =	shalt  }
0x61: {  	_ =	shalt  }
0x62: {  	_ =	shalt  }
0x63: {  	_ =	shalt  }
0x64: {  	_ =	shalt  }
0x65: {  	_ =	shalt  }
0x66: {  	_ =	shalt  }
0x67: {  	_ =	shalt  }
0x68: {  	_ =	shalt  }
0x69: {  	_ =	shalt  }
0x6a: {  	_ =	shalt  }
0x6b: {  	_ =	shalt  }
0x6c: {  	_ =	shalt  }
0x6d: {  	_ =	shalt  }
0x6e: {  	_ =	shalt  }
0x6f: {  	_ =	shalt  }
0x70: {  	_ =	shalt  }
0x71: {  	_ =	shalt  }
0x72: {  	_ =	shalt  }
0x73: {  	_ =	shalt  }
0x74: {  	_ =	shalt  }
0x75: {  	_ =	shalt  }
0x76: {  	_ =	shalt  }
0x77: {  	_ =	shalt  }
0x78: {  	_ =	shalt  }
0x79: {  	_ =	shalt  }
0x7a: {  	_ =	shalt  }
0x7b: {  	_ =	shalt  }
0x7c: {  	_ =	shalt  }
0x7d: {  	_ =	shalt  }
0x7e: {  	_ =	shalt  }
0x7f: {  	_ =	shalt  }
0x80: {  	_ =	shalt  }
0x81: {  	_ =	shalt  }
0x82: {  	_ =	shalt  }
0x83: {  	_ =	shalt  }
0x84: {  	_ =	shalt  }
0x85: {  	_ =	shalt  }
0x86: {  	_ =	shalt  }
0x87: {  	_ =	shalt  }
.Lfunc_end0:
.L_simem_size_0:
called_computation_lowered:
.L_overlay_start_0:
0x88: {  	s2 =	sld [smem:$0x3FD9]  }
0x89: {  	s3 =	sld [smem:$0x3FFE];
	_ =	sdelay $0x1  }
0x8a: {  	s1 =	srdreg.scid  }
0x8b: {  	s0 =	sand.u32 $0x1, s1  }
0x8c: {  	s18 =	sshll.u32 s0, $0xA;
	s2 =	sadd.s32 s3, s2  }
0x8d: {  	s2 =	sadd.s32 s2, s18  }
0x8e: {  	[smem:$0x3FC5] =	sst s2  }
0x8f: {  	_ = 	snop  }
0x90: {  	s2 =	sld [smem:$0x3FC9]  }
0x91: {  	s19 =	sld [smem:$0x3FC8]  }
0x92: {  	s4 =	sld [smem:$0x3FC7]  }
0x93: {  	s5 =	sld [smem:$0x3FD0];
	(tm) =	ssettm $0x1  }
0x94: {  	s6 =	sld [smem:$0x3FFB];
	_ =	sdelay $0x3  }
0x95: {  	_ =	strace s6  }
0x96: {  	s6 =	sld [smem:$0x3FFC];
	_ =	sdelay $0x3  }
0x97: {  	_ =	strace s6  }
0x98: {  	s6 =	sld [smem:$0x3FFD];
	_ =	sdelay $0x3  }
0x99: {  	_ =	strace s6  }
0x9a: {  	_ =	strace $0x8FFFFFFF  }
0x9b: {  	s20 =	sld [smem:$0x3FDB];
	_ =	sdelay $0x1  }
0x9c: {  	s7 =	simm.s32 $_scs_section_size  }
0x9d: {  	s8 =	simm.s32 $_size__tile_overlayer_lowered;
	s9 =	simm.s32 $_tile_overlayer_lowered  }
0x9e: {  	s23 =	simm.s32 $0x1BFF;
	s22 =	sshll.u32 s9, $0x1;
	s6 =	sadd.s32 s7, s20  }
0x9f: {  	s10 =	simm.s32 $0x0;
	s21 =	sshll.u32 s8, $0x1;
	s8 =	sadd.s32 s22, s6  }
0xa0: {  	[timem:s10], [sflag:s23] =	dma.local [hbm:s8], s21  }
0xa1: {  	_ =	swait.ge [sflag:s23], s21  }
0xa2: {  	s7 =	ssub.s32 $0x0, s21;
	[sflag:s23] =	ssyncset.done $0x0  }
0xa3: {  	[sflag:s23] =	ssyncadd.s32 s7;
	_ =	sdelay $0x1  }
0xa4: {  	s24 =	simm.s32 $0x1B8B  }
0xa5: {  	_ =	swait.ge [sflag:s24], $0x1  }
0xa6: {  	[sflag:s24] =	ssyncset.done $0x0  }
0xa7: {  	s25 =	simm.s32 $0x1B8E;
	[sflag:s24] =	ssyncadd.s32 $0xFFFFFFFF  }
0xa8: {  	s26 =	simm.s32 $execute0_lowered;
	[smem:$0x3FD2] =	sst s25  }
0xa9: {  	s7 =	sshll.u32 s26, $0x1;
	_ =	strace $0x80000046;
	[dreg:$0x1] =	wrdreg $0xFFFFFFFF  }
0xaa: {  	s28 =	simm.s32 $_size_execute0_lowered;
	s6 =	sadd.s32 s6, s7;
	[dreg:$0x0] =	wrdreg $0x0  }
0xab: {  	s7 =	sshll.u32 s28, $0x1;
	[dreg:$0x2] =	wrdreg s6  }
0xac: {  	[dreg:$0x3] =	wrdreg s7  }
0xad: {  	[dreg:$0x4] =	wrdreg $0xC0  }
0xae: {  	_ =	task [dreg:s10], $0x5FFFF  }
0xaf: {  	[dreg:$0x1] =	wrdreg $0xFFFFFFFF  }
0xb0: {  	[dreg:$0x0] =	wrdreg $0x60  }
0xb1: {  	[dreg:$0x2] =	wrdreg s2  }
0xb2: {  	[dreg:$0x3] =	wrdreg s19  }
0xb3: {  	[dreg:$0x4] =	wrdreg s4  }
0xb4: {  	[dreg:$0x5] =	wrdreg s5  }
0xb5: {  	[dreg:$0x6] =	wrdreg $0x9  }
0xb6: {  	_ =	task.clear_ibuf [dreg:s10], $0x7FFFF;
	_ =	strace $0x90000046  }
0xb7: {  	s29 =	simm.s32 $0x9;
	_ =	strace $0x80000048  }
0xb8: {  	_ =	swait.ge [sflag:s29], $0x1  }
0xb9: {  	[sflag:s29] =	ssyncadd.s32 $0xFFFFFFFF  }
0xba: {  	_ =	strace $0x90000048  }
0xbb: {  	_ =	sfence  }
0xbc: {  	s30 =	sld [smem:$0x0];
	_ =	sdelay $0x2  }
0xbd: {  	s31 =	sshll.u32 s1, $0xD;
	s1 =	sshrl.u32 s1, $0x2  }
0xbe: {  	s3 =	sand.u32 $0x4000, s31;
	s1 =	sadd.s32 s1, s30  }
0xbf: {  	s0 =	sor.u32 s3, s0;
	s1 =	sshll.u32 s1, $0x11  }
0xc0: {  	s0 =	sor.u32 s1, s0  }
0xc1: {  	s0 =	sadd.s32 $0x8F2B, s0  }
0xc2: {  	[sflag:s0] =	ssyncadd.remote.s32 $0x1  }
0xc3: {  	_ =	sfence.sel $0xFFFF  }
0xc4: {  	[dreg:$0x0] =	wrdreg $0xFFFFFFFF;
	(pc) =	sbr.abs _section_cstart, $3  }
0xc5: {  	[dreg:$0x1] =	wrdreg $0xFFFFFFFF  }
0xc6: {  	_ =	task.clear_ibuf [dreg:s10], $0x2FFFF;
	_ =	strace $0x9FFFFFFF  }
0xc7: {  	(tm) =	ssettm $0x7FFFFFFF  }
tec
execute0_lowered:
.L_overlay_start_1:
0x0: {  	(tag) =	ssettag $0x1  }
0x1: {  	s0 =	rddreg [dreg:$0x0]  }
0x2: {  	s2 =	srdreg.scid;
	s1 =	rddreg [dreg:$0x1]  }
0x3: {  	s3 =	stileid.u32;
	s6 =	rddreg [dreg:$0x2];
	s5 =	simm.s32 $0x0  }
0x4: {  	s20 =	simm.s32 $0x1;
	s17 =	simm.s32 $0x12100;
	s18 =	simm.s32 $0x12900  }
0x5: {  	s19 =	simm.s32 $0x13100;
	s28 =	simm.s32 $0x16100;
	s29 =	simm.s32 $0x16900  }
0x6: {  	s30 =	simm.s32 $0x17100;
	s4 =	sshll.u32 s3, $0x7;
	s3 =	rddreg [dreg:$0x3]  }
0x7: {  	s31 =	simm.s32 $0x17900;
	s2 =	sand.u32 $0x1, s2;
	[smem:$0x7FF] =	sst s5  }
0x8: {  	s12 =	sadd.s32 $0x100, s1;
	s13 =	sadd.s32 $0x200, s1;
	s7 =	sshll.u32 s2, $0x6  }
0x9: {  	s2 =	ssub.s32 $0x2, s2;
	_ =	strace $0x80000047;
	s4 =	sor.u32 s7, s4  }
0xa: {  	s10 =	sshrl.u32 s2, $0x1;
	s8 =	sshll.u32 s4, $0x2;
	s21 =	sshrl.u32 s4, $0x3  }
0xb: {  	s2 =	ssub.s32 s2, s10;
	s9 =	sand.u32 $0x1E00, s8;
	s22 =	smul.u32 $0x1800, s21  }
0xc: {  	s26 =	smax.u32 s2, $0x1;
	s2 =	simm.s32 $0x4;
	s9 =	sor.u32 s7, s9  }
0xd: {  	s7 =	sor.u32 s7, s8;
	s8 =	smul.u32 $0x300, s21;
	[dreg:$0xb] =	wrdreg s26  }
0xe: {  	s21 =	simm.s32 $0xC100;
	s9 =	sshrl.u32 s9, $0x3;
	s7 =	sshrl.u32 s7, $0x3  }
0xf: {  	s26 =	simm.s32 $0x15900;
	s11 =	sadd.s32 s0, s9;
	s24 =	sor.u32 $0x20, s7  }
0x10: {  	s7 =	sor.u32 $0x30, s7;
	s9 =	sshrl.u32 s22, $0x3;
	s22 =	simm.s32 $0x13900  }
0x11: {  	[dreg:$0x5] =	wrdreg s11;
	s23 =	sadd.s32 $0x10, s11;
	s10 =	sadd.s32 s0, s24  }
0x12: {  	s0 =	sadd.s32 s0, s7;
	s25 =	sadd.s32 s6, s9;
	[dreg:$0x6] =	wrdreg s23  }
0x13: {  	s6 =	sadd.s32 s6, s8;
	s24 =	simm.s32 $0x14900;
	[dreg:$0x7] =	wrdreg s10  }
0x14: {  	v2 =	vlaneseq.u32;
	s8 =	simm.s32 $0x7;
	s9 =	simm.s32 $0x0;
	[dreg:$0x8] =	wrdreg s0  }
0x15: {  	vm0 =	vmmov $0xffff;
	v1 =	vshrl.u32 v2, $0x3;
	[dreg:$0x9] =	wrdreg s6;
	s0 =	sadd.s32 $0xC00, s25;
	s23 =	simm.s32 $0x14100  }
0x16: {  	v0 =	vand.u32 $0x7, v2;
	v2 =	vor.u32 $0x8, v2;
	v1 =	vmul.u32 $0x8, v1;
	s25 =	simm.s32 $0x15100;
	[dreg:$0xa] =	wrdreg s0;
	s0 =	simm.s32 $0x5  }
.LBB2_1:
0x17: {  	s6 =	rddreg [dreg:$0x5]  }
0x18: {  	[tilespmem:s5], [sflag:$0x1] =	stream.linear.gather [hbm4b:s6+s5], $0x40, $0x38;
	[tilespmem:$0x18100] =	vst v63  }
0x19: {  	s10 =	rddreg [dreg:$0x6];
	s7 =	simm.s32 $0x40  }
0x1a: {  	[tilespmem:s7], [sflag:$0x1] =	stream.linear.gather [hbm4b:s10+s5], $0x40, $0x38;
	[tilespmem:$0x18100] =	vst v63  }
0x1b: {  	s11 =	rddreg [dreg:$0x7];
	s14 =	simm.s32 $0x80  }
0x1c: {  	[tilespmem:s14], [sflag:$0x1] =	stream.linear.gather [hbm4b:s11+s5], $0x40, $0x38;
	[tilespmem:$0x18100] =	vst v63  }
0x1d: {  	s15 =	rddreg [dreg:$0x8];
	s16 =	simm.s32 $0xC0  }
0x1e: {  	[tilespmem:s16], [sflag:$0x1] =	stream.linear.gather [hbm4b:s15+s5], $0x40, $0x38;
	[tilespmem:$0x18100] =	vst v63  }
0x1f: {  	s10 =	rddreg [dreg:$0x9];
	s11 =	simm.s32 $0x100  }
0x20: {  	[tilespmem:s11], [sflag:$0x2] =	stream.linear.gather [hbm4b:s10+s5], $0x6000, $0x38;
	[tilespmem:$0x18100] =	vst v63  }
0x21: {  	s14 =	rddreg [dreg:$0xa];
	s15 =	simm.s32 $0x6100  }
0x22: {  	[tilespmem:s15], [sflag:$0x3] =	stream.linear.gather [hbm4b:s14+s5], $0x6000, $0x38;
	[tilespmem:$0x18100] =	vst v63  }
0x23: {  	_ =	swait.ge [sflag:s20], $0x40  }
0x24: {  	[sflag:s20] =	ssyncset.done $0x0  }
0x25: {  	[sflag:s20] =	ssyncadd.s32 $0xFFFFFFC0  }
0x26: {  	_ =	swait.ge [sflag:s20], $0x40  }
0x27: {  	[sflag:s20] =	ssyncset.done $0x0  }
0x28: {  	[sflag:s20] =	ssyncadd.s32 $0xFFFFFFC0  }
0x29: {  	_ =	swait.ge [sflag:s20], $0x40  }
0x2a: {  	[sflag:s20] =	ssyncset.done $0x0  }
0x2b: {  	[sflag:s20] =	ssyncadd.s32 $0xFFFFFFC0  }
0x2c: {  	_ =	swait.ge [sflag:s20], $0x40  }
0x2d: {  	[sflag:s20] =	ssyncset.done $0x0  }
0x2e: {  	[sflag:s20] =	ssyncadd.s32 $0xFFFFFFC0  }
0x2f: {  	v3 =	vld [tilespmem:$0x0];
	_ =	sdelay $0x4  }
0x30: {  	v4 =	vshrl.u32 v3, $0x3  }
0x31: {  	v4 =	vmul.u32 $0x30, v4  }
0x32: {  	v3 =	vand.u32 $0x7, v3  }
0x33: {  	v3 =	vor.u32 v3, v4  }
0x34: {  	v4 =	vperm.xlane v3, v0;
	_ =	sdelay $0x1  }
0x35: {  	v4 =	vadd.s32 v1, v4;
	_ =	sdelay $0x3  }
0x36: {  	v3 =	vperm.xlane v3, v2  }
0x37: {  	[tilespmem:s21], [sflag:$0x4] =	stream.indirect_vreg.gather [hbm4b:s1+s5], $0x80, v4, vm0, $0xb8;
	[tilespmem:$0x18100] =	vst v63  }
0x38: {  	s16 =	simm.s32 $0xC900;
	v3 =	vadd.s32 v1, v3  }
0x39: {  	[tilespmem:s16], [sflag:$0x4] =	stream.indirect_vreg.gather [hbm4b:s12+s5], $0x80, v4, vm0, $0xb8;
	[tilespmem:$0x18100] =	vst v63  }
0x3a: {  	s7 =	simm.s32 $0xD100  }
0x3b: {  	[tilespmem:s7], [sflag:$0x4] =	stream.indirect_vreg.gather [hbm4b:s13+s5], $0x80, v4, vm0, $0xb8;
	[tilespmem:$0x18100] =	vst v63  }
0x3c: {  	s10 =	simm.s32 $0xD900  }
0x3d: {  	[tilespmem:s10], [sflag:$0x4] =	stream.indirect_vreg.gather [hbm4b:s1+s5], $0x80, v3, vm0, $0xb8;
	[tilespmem:$0x18100] =	vst v63  }
0x3e: {  	s11 =	simm.s32 $0xE100  }
0x3f: {  	[tilespmem:s11], [sflag:$0x4] =	stream.indirect_vreg.gather [hbm4b:s12+s5], $0x80, v3, vm0, $0xb8;
	[tilespmem:$0x18100] =	vst v63  }
0x40: {  	s14 =	simm.s32 $0xE900  }
0x41: {  	[tilespmem:s14], [sflag:$0x4] =	stream.indirect_vreg.gather [hbm4b:s13+s5], $0x80, v3, vm0, $0xb8;
	[tilespmem:$0x18100] =	vst v63  }
0x42: {  	v3 =	vld [tilespmem:$0x10];
	_ =	sdelay $0x4  }
0x43: {  	v63 =	vshrl.u32 v3, $0x3  }
0x44: {  	v4 =	vmul.u32 $0x30, v63  }
0x45: {  	v3 =	vand.u32 $0x7, v3  }
0x46: {  	v3 =	vor.u32 v3, v4  }
0x47: {  	v4 =	vperm.xlane v3, v0;
	_ =	sdelay $0x1  }
0x48: {  	v4 =	vadd.s32 v1, v4;
	_ =	sdelay $0x3  }
0x49: {  	s15 =	simm.s32 $0xF100;
	v3 =	vperm.xlane v3, v2  }
0x4a: {  	[tilespmem:s15], [sflag:$0x4] =	stream.indirect_vreg.gather [hbm4b:s1+s5], $0x80, v4, vm0, $0xb8;
	[tilespmem:$0x18100] =	vst v63  }
0x4b: {  	s16 =	simm.s32 $0xF900;
	v3 =	vadd.s32 v1, v3  }
0x4c: {  	[tilespmem:s16], [sflag:$0x4] =	stream.indirect_vreg.gather [hbm4b:s12+s5], $0x80, v4, vm0, $0xb8;
	[tilespmem:$0x18100] =	vst v63  }
0x4d: {  	s7 =	simm.s32 $0x10100  }
0x4e: {  	[tilespmem:s7], [sflag:$0x4] =	stream.indirect_vreg.gather [hbm4b:s13+s5], $0x80, v4, vm0, $0xb8;
	[tilespmem:$0x18100] =	vst v63  }
0x4f: {  	s10 =	simm.s32 $0x10900  }
0x50: {  	[tilespmem:s10], [sflag:$0x4] =	stream.indirect_vreg.gather [hbm4b:s1+s5], $0x80, v3, vm0, $0xb8;
	[tilespmem:$0x18100] =	vst v63  }
0x51: {  	s11 =	simm.s32 $0x11100  }
0x52: {  	[tilespmem:s11], [sflag:$0x4] =	stream.indirect_vreg.gather [hbm4b:s12+s5], $0x80, v3, vm0, $0xb8;
	[tilespmem:$0x18100] =	vst v63  }
0x53: {  	s14 =	simm.s32 $0x11900;
	s15 =	simm.s32 $0x2  }
0x54: {  	[tilespmem:s14], [sflag:$0x4] =	stream.indirect_vreg.gather [hbm4b:s13+s5], $0x80, v3, vm0, $0xb8;
	[tilespmem:$0x18100] =	vst v63  }
0x55: {  	_ =	swait.ge [sflag:s15], $0x6000  }
0x56: {  	[sflag:s15] =	ssyncset.done $0x0  }
0x57: {  	s16 =	simm.s32 $0x3;
	[sflag:s15] =	ssyncadd.s32 $0xFFFFA000  }
0x58: {  	_ =	swait.ge [sflag:s16], $0x6000  }
0x59: {  	[sflag:s16] =	ssyncset.done $0x0  }
0x5a: {  	s10 =	simm.s32 $0x0;
	[sflag:s16] =	ssyncadd.s32 $0xFFFFA000  }
.LBB2_2:
0x5b: {  	p0 =	seq.s32 s10, $0x0  }
0x5c: {  	s6 =	simm.s32 @!p0 $0x7  }
0x5d: {  	_ =	swait.ge @!p0 [sflag:s6], $0x6000  }
0x5e: {  	s11 =	sshll.u32 s10, $0x6;
	[sflag:s6] =	ssyncset.done @!p0 $0x0  }
0x5f: {  	s11 =	sand.u32 $0x3FFFFFC0, s11;
	[sflag:s6] =	ssyncadd.s32 @!p0 $0xFFFFA000  }
0x60: {  	v3 =	vld [tilespmem:s11+$0x20];
	_ =	sdelay $0x4  }
0x61: {  	v4 =	vshrl.u32 v3, $0x3  }
0x62: {  	v4 =	vmul.u32 $0x30, v4  }
0x63: {  	v3 =	vand.u32 $0x7, v3  }
0x64: {  	v3 =	vor.u32 v3, v4  }
0x65: {  	v4 =	vperm.xlane v3, v0;
	_ =	sdelay $0x1  }
0x66: {  	v4 =	vadd.s32 v1, v4;
	_ =	sdelay $0x3  }
0x67: {  	s14 =	simm.s32 $0x0;
	v3 =	vperm.xlane v3, v2  }
0x68: {  	[tilespmem:s17], [sflag:$0x5] =	stream.indirect_vreg.gather [hbm4b:s1+s14], $0x80, v4, vm0, $0xb8;
	[tilespmem:$0x18100] =	vst v63  }
0x69: {  	v3 =	vadd.s32 v1, v3  }
0x6a: {  	[tilespmem:s18], [sflag:$0x5] =	stream.indirect_vreg.gather [hbm4b:s12+s14], $0x80, v4, vm0, $0xb8;
	[tilespmem:$0x18100] =	vst v63  }
0x6b: {  	_ = 	snop  }
0x6c: {  	[tilespmem:s19], [sflag:$0x5] =	stream.indirect_vreg.gather [hbm4b:s13+s14], $0x80, v4, vm0, $0xb8;
	[tilespmem:$0x18100] =	vst v63  }
0x6d: {  	_ = 	snop  }
0x6e: {  	[tilespmem:s22], [sflag:$0x5] =	stream.indirect_vreg.gather [hbm4b:s1+s14], $0x80, v3, vm0, $0xb8;
	[tilespmem:$0x18100] =	vst v63  }
0x6f: {  	_ = 	snop  }
0x70: {  	[tilespmem:s23], [sflag:$0x5] =	stream.indirect_vreg.gather [hbm4b:s12+s14], $0x80, v3, vm0, $0xb8;
	[tilespmem:$0x18100] =	vst v63  }
0x71: {  	_ = 	snop  }
0x72: {  	[tilespmem:s24], [sflag:$0x5] =	stream.indirect_vreg.gather [hbm4b:s13+s14], $0x80, v3, vm0, $0xb8;
	[tilespmem:$0x18100] =	vst v63  }
0x73: {  	v3 =	vld [tilespmem:s11+$0x30];
	_ =	sdelay $0x4  }
0x74: {  	v4 =	vshrl.u32 v3, $0x3  }
0x75: {  	v4 =	vmul.u32 $0x30, v4  }
0x76: {  	v3 =	vand.u32 $0x7, v3  }
0x77: {  	v3 =	vor.u32 v3, v4  }
0x78: {  	v4 =	vperm.xlane v3, v0;
	_ =	sdelay $0x1  }
0x79: {  	v4 =	vadd.s32 v1, v4;
	_ =	sdelay $0x3  }
0x7a: {  	v3 =	vperm.xlane v3, v2  }
0x7b: {  	[tilespmem:s25], [sflag:$0x5] =	stream.indirect_vreg.gather [hbm4b:s1+s14], $0x80, v4, vm0, $0xb8;
	[tilespmem:$0x18100] =	vst v63  }
0x7c: {  	v3 =	vadd.s32 v1, v3  }
0x7d: {  	[tilespmem:s26], [sflag:$0x5] =	stream.indirect_vreg.gather [hbm4b:s12+s14], $0x80, v4, vm0, $0xb8;
	[tilespmem:$0x18100] =	vst v63  }
0x7e: {  	_ = 	snop  }
0x7f: {  	[tilespmem:s28], [sflag:$0x5] =	stream.indirect_vreg.gather [hbm4b:s13+s14], $0x80, v4, vm0, $0xb8;
	[tilespmem:$0x18100] =	vst v63  }
0x80: {  	_ = 	snop  }
0x81: {  	[tilespmem:s29], [sflag:$0x5] =	stream.indirect_vreg.gather [hbm4b:s1+s14], $0x80, v3, vm0, $0xb8;
	[tilespmem:$0x18100] =	vst v63  }
0x82: {  	_ = 	snop  }
0x83: {  	[tilespmem:s30], [sflag:$0x5] =	stream.indirect_vreg.gather [hbm4b:s12+s14], $0x80, v3, vm0, $0xb8;
	[tilespmem:$0x18100] =	vst v63  }
0x84: {  	s16 =	simm.s32 $0x0  }
0x85: {  	[tilespmem:s31], [sflag:$0x5] =	stream.indirect_vreg.gather [hbm4b:s13+s14], $0x80, v3, vm0, $0xb8;
	[tilespmem:$0x18100] =	vst v63  }
0x86: {  	s6 =	smul.u32 $0x1800, s16;
	_ =	swait.ge [sflag:s2], $0x6000  }
0x87: {  	s15 =	sand.u32 $0x380, s14;
	[sflag:s2] =	ssyncset.done $0x0  }
0x88: {  	s6 =	sor.u32 s15, s6;
	[sflag:s2] =	ssyncadd.s32 $0xFFFFA000  }
0x89: {  	v12 =	vld [tilespmem:s6+$0x100]  }
0x8a: {  	v13 =	vld [tilespmem:s6+$0x110]  }
0x8b: {  	v14 =	vld [tilespmem:s6+$0x120]  }
0x8c: {  	v15 =	vld [tilespmem:s6+$0x130]  }
0x8d: {  	v16 =	vld [tilespmem:s6+$0x140]  }
0x8e: {  	v17 =	vld [tilespmem:s6+$0x150]  }
0x8f: {  	v18 =	vld [tilespmem:s6+$0x160]  }
0x90: {  	v19 =	vld [tilespmem:s6+$0x170]  }
0x91: {  	v20 =	vld [tilespmem:s6+$0x500]  }
0x92: {  	v21 =	vld [tilespmem:s6+$0x510]  }
0x93: {  	v22 =	vld [tilespmem:s6+$0x520]  }
0x94: {  	v23 =	vld [tilespmem:s6+$0x530]  }
0x95: {  	v24 =	vld [tilespmem:s6+$0x540]  }
0x96: {  	v25 =	vld [tilespmem:s6+$0x550]  }
0x97: {  	v26 =	vld [tilespmem:s6+$0x560]  }
0x98: {  	v27 =	vld [tilespmem:s6+$0x570]  }
0x99: {  	v28 =	vld [tilespmem:s6+$0x900]  }
0x9a: {  	v29 =	vld [tilespmem:s6+$0x910]  }
0x9b: {  	v30 =	vld [tilespmem:s6+$0x920]  }
0x9c: {  	v31 =	vld [tilespmem:s6+$0x930]  }
0x9d: {  	v32 =	vld [tilespmem:s6+$0x940]  }
0x9e: {  	v33 =	vld [tilespmem:s6+$0x950]  }
0x9f: {  	v34 =	vld [tilespmem:s6+$0x960]  }
0xa0: {  	v35 =	vld [tilespmem:s6+$0x970]  }
0xa1: {  	v36 =	vld [tilespmem:s6+$0xD00]  }
0xa2: {  	v37 =	vld [tilespmem:s6+$0xD10]  }
0xa3: {  	v38 =	vld [tilespmem:s6+$0xD20]  }
0xa4: {  	v39 =	vld [tilespmem:s6+$0xD30]  }
0xa5: {  	v40 =	vld [tilespmem:s6+$0xD40]  }
0xa6: {  	v41 =	vld [tilespmem:s6+$0xD50]  }
0xa7: {  	v42 =	vld [tilespmem:s6+$0xD60]  }
0xa8: {  	v43 =	vld [tilespmem:s6+$0xD70]  }
0xa9: {  	v44 =	vld [tilespmem:s6+$0x1100]  }
0xaa: {  	v45 =	vld [tilespmem:s6+$0x1110]  }
0xab: {  	v46 =	vld [tilespmem:s6+$0x1120]  }
0xac: {  	v47 =	vld [tilespmem:s6+$0x1130]  }
0xad: {  	v48 =	vld [tilespmem:s6+$0x1140]  }
0xae: {  	v49 =	vld [tilespmem:s6+$0x1150]  }
0xaf: {  	v50 =	vld [tilespmem:s6+$0x1160]  }
0xb0: {  	v11 =	vld [tilespmem:s6+$0x1170]  }
0xb1: {  	v10 =	vld [tilespmem:s6+$0x1500]  }
0xb2: {  	v9 =	vld [tilespmem:s6+$0x1510]  }
0xb3: {  	v8 =	vld [tilespmem:s6+$0x1520]  }
0xb4: {  	v7 =	vld [tilespmem:s6+$0x1530]  }
0xb5: {  	v6 =	vld [tilespmem:s6+$0x1540]  }
0xb6: {  	v51 =	vld [tilespmem:s6+$0xC100]  }
0xb7: {  	v52 =	vld [tilespmem:s6+$0xC110]  }
0xb8: {  	v53 =	vld [tilespmem:s6+$0xC120]  }
0xb9: {  	v54 =	vld [tilespmem:s6+$0xC130]  }
0xba: {  	v55 =	vld [tilespmem:s6+$0xC140]  }
0xbb: {  	v62 =	vld [tilespmem:s6+$0xC150];
	v12 =	vadd.f32 v12, v51  }
0xbc: {  	v63 =	vld [tilespmem:s6+$0xC160];
	v13 =	vadd.f32 v13, v52  }
0xbd: {  	[tilespmem:s6+$0xC100] =	vst v12;
	v12 =	vadd.f32 v14, v53;
	v14 =	vld [tilespmem:s6+$0xC170]  }
0xbe: {  	[tilespmem:s6+$0xC110] =	vst v13;
	v13 =	vadd.f32 v15, v54;
	v15 =	vld [tilespmem:s6+$0xC500]  }
0xbf: {  	[tilespmem:s6+$0xC120] =	vst v12;
	v12 =	vadd.f32 v16, v55;
	v16 =	vld [tilespmem:s6+$0xC510]  }
0xc0: {  	[tilespmem:s6+$0xC130] =	vst v13;
	v13 =	vadd.f32 v17, v62;
	v17 =	vld [tilespmem:s6+$0xC520]  }
0xc1: {  	v5 =	vld [tilespmem:s6+$0x1550]  }
0xc2: {  	[tilespmem:s6+$0xC140] =	vst v12;
	v12 =	vadd.f32 v18, v63;
	v18 =	vld [tilespmem:s6+$0xC570]  }
0xc3: {  	[tilespmem:s6+$0xC150] =	vst v13;
	v13 =	vadd.f32 v19, v14;
	v14 =	vld [tilespmem:s6+$0xC530]  }
0xc4: {  	[tilespmem:s6+$0xC160] =	vst v12;
	v12 =	vadd.f32 v20, v15;
	v15 =	vld [tilespmem:s6+$0xC540]  }
0xc5: {  	[tilespmem:s6+$0xC170] =	vst v13;
	v13 =	vadd.f32 v21, v16;
	v16 =	vadd.f32 v22, v17;
	v17 =	vld [tilespmem:s6+$0xC560]  }
0xc6: {  	[tilespmem:s6+$0xC500] =	vst v12;
	v12 =	vld [tilespmem:s6+$0xC550]  }
0xc7: {  	[tilespmem:s6+$0xC510] =	vst v13;
	v13 =	vld [tilespmem:s6+$0xC900];
	v18 =	vadd.f32 v27, v18  }
0xc8: {  	[tilespmem:s6+$0xC520] =	vst v16;
	v16 =	vld [tilespmem:s6+$0xC910];
	v14 =	vadd.f32 v23, v14  }
0xc9: {  	v4 =	vld [tilespmem:s6+$0x1560];
	v15 =	vadd.f32 v24, v15;
	[tilespmem:s6+$0xC570] =	vst v18  }
0xca: {  	[tilespmem:s6+$0xC530] =	vst v14;
	v14 =	vld [tilespmem:s6+$0xC920];
	v17 =	vadd.f32 v26, v17  }
0xcb: {  	v12 =	vadd.f32 v25, v12;
	[tilespmem:s6+$0xC540] =	vst v15;
	v15 =	vld [tilespmem:s6+$0xC930]  }
0xcc: {  	v18 =	vld [tilespmem:s6+$0xC970];
	[tilespmem:s6+$0xC560] =	vst v17;
	v13 =	vadd.f32 v28, v13  }
0xcd: {  	v16 =	vadd.f32 v29, v16;
	[tilespmem:s6+$0xC550] =	vst v12;
	v12 =	vld [tilespmem:s6+$0xC940]  }
0xce: {  	v17 =	vld [tilespmem:s6+$0xC950];
	[tilespmem:s6+$0xC900] =	vst v13  }
0xcf: {  	[tilespmem:s6+$0xC910] =	vst v16;
	v16 =	vld [tilespmem:s6+$0xC960];
	v13 =	vadd.f32 v30, v14  }
0xd0: {  	v14 =	vld [tilespmem:s6+$0xCD00];
	v15 =	vadd.f32 v31, v15  }
0xd1: {  	[tilespmem:s6+$0xC920] =	vst v13;
	v13 =	vld [tilespmem:s6+$0xCD10]  }
0xd2: {  	v12 =	vadd.f32 v32, v12;
	[tilespmem:s6+$0xC930] =	vst v15;
	v15 =	vld [tilespmem:s6+$0xCD20]  }
0xd3: {  	v3 =	vld [tilespmem:s6+$0x1570];
	v17 =	vadd.f32 v33, v17  }
0xd4: {  	v16 =	vadd.f32 v34, v16;
	[tilespmem:s6+$0xC940] =	vst v12;
	v12 =	vld [tilespmem:s6+$0xCD30]  }
0xd5: {  	[tilespmem:s6+$0xC950] =	vst v17;
	v17 =	vld [tilespmem:s6+$0xCD40];
	v14 =	vadd.f32 v36, v14  }
0xd6: {  	v18 =	vadd.f32 v35, v18;
	[tilespmem:s6+$0xC960] =	vst v16;
	v16 =	vld [tilespmem:s6+$0xCD50]  }
0xd7: {  	v13 =	vadd.f32 v37, v13;
	[tilespmem:s6+$0xCD00] =	vst v14;
	v14 =	vadd.f32 v38, v15;
	v15 =	vld [tilespmem:s6+$0xCD60]  }
0xd8: {  	[tilespmem:s6+$0xC970] =	vst v18;
	v18 =	vld [tilespmem:s6+$0xCD70]  }
0xd9: {  	[tilespmem:s6+$0xCD10] =	vst v13;
	v13 =	vld [tilespmem:s6+$0xD100];
	v12 =	vadd.f32 v39, v12  }
0xda: {  	v17 =	vadd.f32 v40, v17;
	[tilespmem:s6+$0xCD20] =	vst v14;
	v14 =	vld [tilespmem:s6+$0xD110]  }
0xdb: {  	v16 =	vadd.f32 v41, v16;
	[tilespmem:s6+$0xCD30] =	vst v12;
	v12 =	vld [tilespmem:s6+$0xD120]  }
0xdc: {  	[tilespmem:s6+$0xCD40] =	vst v17;
	v17 =	vld [tilespmem:s6+$0xD130];
	v15 =	vadd.f32 v42, v15  }
0xdd: {  	v19 =	vld [tilespmem:s6+$0xD140];
	[tilespmem:s6+$0xCD50] =	vst v16;
	v16 =	vadd.f32 v43, v18  }
0xde: {  	v18 =	vld [tilespmem:s6+$0xD150];
	v13 =	vadd.f32 v44, v13;
	[tilespmem:s6+$0xCD60] =	vst v15  }
0xdf: {  	v20 =	vld [tilespmem:s6+$0xD160];
	[tilespmem:s6+$0xCD70] =	vst v16;
	v14 =	vadd.f32 v45, v14  }
0xe0: {  	v16 =	vld [tilespmem:s6+$0xD170];
	[tilespmem:s6+$0xD100] =	vst v13;
	v12 =	vadd.f32 v46, v12  }
0xe1: {  	v15 =	vld [tilespmem:s6+$0xD500];
	v13 =	vadd.f32 v47, v17;
	[tilespmem:s6+$0xD110] =	vst v14  }
0xe2: {  	v14 =	vld [tilespmem:s6+$0xD510];
	[tilespmem:s6+$0xD120] =	vst v12;
	v12 =	vadd.f32 v48, v19  }
0xe3: {  	[tilespmem:s6+$0xD130] =	vst v13;
	v13 =	vld [tilespmem:s6+$0xD520];
	v18 =	vadd.f32 v49, v18  }
0xe4: {  	s15 =	simm.s32 $0x1;
	v17 =	vadd.f32 v50, v20;
	[tilespmem:s6+$0xD140] =	vst v12;
	v12 =	vld [tilespmem:s6+$0xD530]  }
.LBB2_3:
0xe5: {  	s16 =	sshrl.u32 s15, $0x3;
	p0 =	sne.s32 s15, $0x1F;
	[tilespmem:s6+$0xD150] =	vst v18;
	v11 =	vadd.f32 v11, v16;
	v16 =	vld [tilespmem:s6+$0xD540]  }
0xe6: {  	s14 =	sadd.s32 $0x80, s14;
	s16 =	smul.u32 $0x1800, s16;
	[tilespmem:s6+$0xD160] =	vst v17;
	v10 =	vadd.f32 v10, v15;
	v15 =	vld [tilespmem:s6+$0xD550]  }
0xe7: {  	s7 =	sand.u32 $0x380, s14;
	[tilespmem:s6+$0xD170] =	vst v11;
	v9 =	vadd.f32 v9, v14;
	v11 =	vld [tilespmem:s6+$0xD560]  }
0xe8: {  	s7 =	sor.u32 s7, s16;
	[tilespmem:s6+$0xD500] =	vst v10;
	v8 =	vadd.f32 v8, v13;
	v10 =	vld [tilespmem:s6+$0xD570]  }
0xe9: {  	v39 =	vld [tilespmem:s7+$0x100];
	[tilespmem:s6+$0xD510] =	vst v9;
	v7 =	vadd.f32 v7, v12  }
0xea: {  	v40 =	vld [tilespmem:s7+$0x110];
	[tilespmem:s6+$0xD520] =	vst v8;
	v6 =	vadd.f32 v6, v16  }
0xeb: {  	v41 =	vld [tilespmem:s7+$0x120];
	[tilespmem:s6+$0xD530] =	vst v7;
	v5 =	vadd.f32 v5, v15  }
0xec: {  	v42 =	vld [tilespmem:s7+$0x130];
	[tilespmem:s6+$0xD540] =	vst v6;
	v4 =	vadd.f32 v4, v11  }
0xed: {  	v43 =	vld [tilespmem:s7+$0x140];
	[tilespmem:s6+$0xD550] =	vst v5;
	v3 =	vadd.f32 v3, v10  }
0xee: {  	v44 =	vld [tilespmem:s7+$0x150];
	[tilespmem:s6+$0xD560] =	vst v4  }
0xef: {  	v45 =	vld [tilespmem:s7+$0x160];
	[tilespmem:s6+$0xD570] =	vst v3;
	s6 =	smov.u32 s7  }
0xf0: {  	v46 =	vld [tilespmem:s6+$0x170]  }
0xf1: {  	v47 =	vld [tilespmem:s6+$0x500]  }
0xf2: {  	v48 =	vld [tilespmem:s6+$0x510]  }
0xf3: {  	v49 =	vld [tilespmem:s6+$0x520]  }
0xf4: {  	v50 =	vld [tilespmem:s6+$0x530]  }
0xf5: {  	v38 =	vld [tilespmem:s6+$0x540]  }
0xf6: {  	v37 =	vld [tilespmem:s6+$0x550]  }
0xf7: {  	v36 =	vld [tilespmem:s6+$0x560]  }
0xf8: {  	v35 =	vld [tilespmem:s6+$0x570]  }
0xf9: {  	v34 =	vld [tilespmem:s6+$0x900]  }
0xfa: {  	v33 =	vld [tilespmem:s6+$0x910]  }
0xfb: {  	v32 =	vld [tilespmem:s6+$0x920]  }
0xfc: {  	v31 =	vld [tilespmem:s6+$0x930]  }
0xfd: {  	v30 =	vld [tilespmem:s6+$0x940]  }
0xfe: {  	v29 =	vld [tilespmem:s6+$0x950]  }
0xff: {  	v28 =	vld [tilespmem:s6+$0x960]  }
0x100: {  	v27 =	vld [tilespmem:s6+$0x970]  }
0x101: {  	v26 =	vld [tilespmem:s6+$0xD00]  }
0x102: {  	v25 =	vld [tilespmem:s6+$0xD10]  }
0x103: {  	v24 =	vld [tilespmem:s6+$0xD20]  }
0x104: {  	v23 =	vld [tilespmem:s6+$0xD30]  }
0x105: {  	v22 =	vld [tilespmem:s6+$0xD40]  }
0x106: {  	v21 =	vld [tilespmem:s6+$0xD50]  }
0x107: {  	v20 =	vld [tilespmem:s6+$0xD60]  }
0x108: {  	v19 =	vld [tilespmem:s6+$0xD70]  }
0x109: {  	v18 =	vld [tilespmem:s6+$0x1100]  }
0x10a: {  	v17 =	vld [tilespmem:s6+$0x1110]  }
0x10b: {  	v16 =	vld [tilespmem:s6+$0x1120]  }
0x10c: {  	v15 =	vld [tilespmem:s6+$0x1130]  }
0x10d: {  	v14 =	vld [tilespmem:s6+$0x1140]  }
0x10e: {  	v13 =	vld [tilespmem:s6+$0x1150]  }
0x10f: {  	v12 =	vld [tilespmem:s6+$0x1160]  }
0x110: {  	v11 =	vld [tilespmem:s6+$0x1170]  }
0x111: {  	v10 =	vld [tilespmem:s6+$0x1500]  }
0x112: {  	v9 =	vld [tilespmem:s6+$0x1510]  }
0x113: {  	v8 =	vld [tilespmem:s6+$0x1520]  }
0x114: {  	v7 =	vld [tilespmem:s6+$0x1530]  }
0x115: {  	v6 =	vld [tilespmem:s6+$0x1540]  }
0x116: {  	v5 =	vld [tilespmem:s6+$0x1550]  }
0x117: {  	v4 =	vld [tilespmem:s6+$0x1560]  }
0x118: {  	v3 =	vld [tilespmem:s6+$0x1570]  }
0x119: {  	v51 =	vld [tilespmem:s6+$0xC100]  }
0x11a: {  	v52 =	vld [tilespmem:s6+$0xC110]  }
0x11b: {  	v53 =	vld [tilespmem:s6+$0xC120]  }
0x11c: {  	v54 =	vld [tilespmem:s6+$0xC130]  }
0x11d: {  	v55 =	vld [tilespmem:s6+$0xC140]  }
0x11e: {  	v39 =	vadd.f32 v39, v51;
	v51 =	vld [tilespmem:s6+$0xC150]  }
0x11f: {  	v40 =	vadd.f32 v40, v52;
	v52 =	vld [tilespmem:s6+$0xC160]  }
0x120: {  	[tilespmem:s6+$0xC100] =	vst v39;
	v39 =	vadd.f32 v41, v53;
	v41 =	vld [tilespmem:s6+$0xC170]  }
0x121: {  	[tilespmem:s6+$0xC110] =	vst v40;
	v40 =	vadd.f32 v42, v54;
	v42 =	vld [tilespmem:s6+$0xC500]  }
0x122: {  	[tilespmem:s6+$0xC120] =	vst v39;
	v39 =	vadd.f32 v43, v55;
	v43 =	vld [tilespmem:s6+$0xC510]  }
0x123: {  	[tilespmem:s6+$0xC130] =	vst v40;
	v40 =	vadd.f32 v44, v51;
	v44 =	vld [tilespmem:s6+$0xC520]  }
0x124: {  	[tilespmem:s6+$0xC140] =	vst v39;
	v39 =	vadd.f32 v45, v52;
	v45 =	vld [tilespmem:s6+$0xC530]  }
0x125: {  	[tilespmem:s6+$0xC150] =	vst v40;
	v40 =	vadd.f32 v46, v41;
	v41 =	vld [tilespmem:s6+$0xC540]  }
0x126: {  	[tilespmem:s6+$0xC160] =	vst v39;
	v39 =	vadd.f32 v47, v42;
	v42 =	vld [tilespmem:s6+$0xC550]  }
0x127: {  	[tilespmem:s6+$0xC170] =	vst v40;
	v40 =	vadd.f32 v48, v43;
	v43 =	vld [tilespmem:s6+$0xC560]  }
0x128: {  	[tilespmem:s6+$0xC500] =	vst v39;
	v39 =	vadd.f32 v49, v44;
	v44 =	vld [tilespmem:s6+$0xC570]  }
0x129: {  	[tilespmem:s6+$0xC510] =	vst v40;
	v40 =	vadd.f32 v50, v45;
	v45 =	vld [tilespmem:s6+$0xC900]  }
0x12a: {  	[tilespmem:s6+$0xC520] =	vst v39;
	v38 =	vadd.f32 v38, v41;
	v39 =	vld [tilespmem:s6+$0xC910]  }
0x12b: {  	[tilespmem:s6+$0xC530] =	vst v40;
	v37 =	vadd.f32 v37, v42;
	v40 =	vld [tilespmem:s6+$0xC920]  }
0x12c: {  	[tilespmem:s6+$0xC540] =	vst v38;
	v36 =	vadd.f32 v36, v43;
	v38 =	vld [tilespmem:s6+$0xC930]  }
0x12d: {  	[tilespmem:s6+$0xC550] =	vst v37;
	v35 =	vadd.f32 v35, v44;
	v37 =	vld [tilespmem:s6+$0xC940]  }
0x12e: {  	[tilespmem:s6+$0xC560] =	vst v36;
	v34 =	vadd.f32 v34, v45;
	v36 =	vld [tilespmem:s6+$0xC950]  }
0x12f: {  	[tilespmem:s6+$0xC570] =	vst v35;
	v33 =	vadd.f32 v33, v39;
	v35 =	vld [tilespmem:s6+$0xC960]  }
0x130: {  	[tilespmem:s6+$0xC900] =	vst v34;
	v32 =	vadd.f32 v32, v40;
	v34 =	vld [tilespmem:s6+$0xC970]  }
0x131: {  	[tilespmem:s6+$0xC910] =	vst v33;
	v31 =	vadd.f32 v31, v38;
	v33 =	vld [tilespmem:s6+$0xCD00]  }
0x132: {  	[tilespmem:s6+$0xC920] =	vst v32;
	v30 =	vadd.f32 v30, v37;
	v32 =	vld [tilespmem:s6+$0xCD10]  }
0x133: {  	[tilespmem:s6+$0xC930] =	vst v31;
	v29 =	vadd.f32 v29, v36;
	v31 =	vld [tilespmem:s6+$0xCD20]  }
0x134: {  	[tilespmem:s6+$0xC940] =	vst v30;
	v28 =	vadd.f32 v28, v35;
	v30 =	vld [tilespmem:s6+$0xCD30]  }
0x135: {  	[tilespmem:s6+$0xC950] =	vst v29;
	v27 =	vadd.f32 v27, v34;
	v29 =	vld [tilespmem:s6+$0xCD40]  }
0x136: {  	[tilespmem:s6+$0xC960] =	vst v28;
	v26 =	vadd.f32 v26, v33;
	v28 =	vld [tilespmem:s6+$0xCD50]  }
0x137: {  	[tilespmem:s6+$0xC970] =	vst v27;
	v25 =	vadd.f32 v25, v32;
	v27 =	vld [tilespmem:s6+$0xCD60]  }
0x138: {  	[tilespmem:s6+$0xCD00] =	vst v26;
	v24 =	vadd.f32 v24, v31;
	v26 =	vld [tilespmem:s6+$0xCD70]  }
0x139: {  	[tilespmem:s6+$0xCD10] =	vst v25;
	v23 =	vadd.f32 v23, v30;
	v25 =	vld [tilespmem:s6+$0xD100]  }
0x13a: {  	[tilespmem:s6+$0xCD20] =	vst v24;
	v22 =	vadd.f32 v22, v29;
	v24 =	vld [tilespmem:s6+$0xD110]  }
0x13b: {  	[tilespmem:s6+$0xCD30] =	vst v23;
	v21 =	vadd.f32 v21, v28;
	v23 =	vld [tilespmem:s6+$0xD120]  }
0x13c: {  	[tilespmem:s6+$0xCD40] =	vst v22;
	v20 =	vadd.f32 v20, v27;
	v22 =	vld [tilespmem:s6+$0xD130]  }
0x13d: {  	[tilespmem:s6+$0xCD50] =	vst v21;
	v19 =	vadd.f32 v19, v26;
	v21 =	vld [tilespmem:s6+$0xD140]  }
0x13e: {  	[tilespmem:s6+$0xCD60] =	vst v20;
	v18 =	vadd.f32 v18, v25;
	v20 =	vld [tilespmem:s6+$0xD150]  }
0x13f: {  	[tilespmem:s6+$0xCD70] =	vst v19;
	v17 =	vadd.f32 v17, v24;
	v19 =	vld [tilespmem:s6+$0xD160]  }
.Ltmp0:
0x140: {  	[tilespmem:s6+$0xD100] =	vst v18;
	v18 =	vadd.f32 v16, v23;
	v16 =	vld [tilespmem:s6+$0xD170];
	(pc) =	sbr.rel @p0 .LBB2_3-.Ltmp0, $4  }
0x141: {  	[tilespmem:s6+$0xD110] =	vst v17;
	v17 =	vadd.f32 v15, v22;
	v15 =	vld [tilespmem:s6+$0xD500]  }
0x142: {  	[tilespmem:s6+$0xD120] =	vst v18;
	v21 =	vadd.f32 v14, v21;
	v14 =	vld [tilespmem:s6+$0xD510]  }
0x143: {  	[tilespmem:s6+$0xD130] =	vst v17;
	v18 =	vadd.f32 v13, v20;
	v13 =	vld [tilespmem:s6+$0xD520]  }
0x144: {  	s15 =	sadd.s32 $0x1, s15;
	[tilespmem:s6+$0xD140] =	vst v21;
	v17 =	vadd.f32 v12, v19;
	v12 =	vld [tilespmem:s6+$0xD530]  }
0x145: {  	[tilespmem:s6+$0xD150] =	vst v18;
	v18 =	vld [tilespmem:s6+$0xD540];
	v11 =	vadd.f32 v11, v16  }
0x146: {  	v16 =	vld [tilespmem:s6+$0xD550];
	[tilespmem:s6+$0xD160] =	vst v17;
	v10 =	vadd.f32 v10, v15  }
0x147: {  	[tilespmem:s6+$0xD170] =	vst v11;
	v9 =	vadd.f32 v9, v14;
	v11 =	vld [tilespmem:s6+$0xD560]  }
0x148: {  	[tilespmem:s6+$0xD500] =	vst v10;
	v8 =	vadd.f32 v8, v13;
	v10 =	vld [tilespmem:s6+$0xD570]  }
0x149: {  	[tilespmem:s6+$0xD510] =	vst v9;
	v7 =	vadd.f32 v7, v12  }
0x14a: {  	s7 =	sshll.u32 s10, $0xB;
	[tilespmem:s6+$0xD520] =	vst v8;
	v6 =	vadd.f32 v6, v18  }
0x14b: {  	s7 =	sor.u32 s4, s7;
	v5 =	vadd.f32 v5, v16;
	[tilespmem:s6+$0xD530] =	vst v7  }
0x14c: {  	s14 =	sshrl.u32 s7, $0x3;
	[tilespmem:s6+$0xD540] =	vst v6;
	v4 =	vadd.f32 v4, v11  }
0x14d: {  	s7 =	smul.u32 $0x300, s14;
	[tilespmem:s6+$0xD550] =	vst v5;
	v3 =	vadd.f32 v3, v10  }
0x14e: {  	p0 =	seq.s32 s10, $0x3;
	[tilespmem:s6+$0xD560] =	vst v4  }
0x14f: {  	s7 =	sadd.s32 s3, s7;
	[tilespmem:s6+$0xD570] =	vst v3;
	s6 =	simm.s32 @!p0 $0x6  }
0x150: {  	[hbm4b:s7+s5] =	stream.linear.scatter [tilespmem:s21], [sflag:$0x6], $0x6000, $0x38;
	[tilespmem:$0x18100] =	vst v63  }
0x151: {  	_ =	swait.ge @!p0 [sflag:s6], $0x6000  }
0x152: {  	[sflag:s6] =	ssyncset.done @!p0 $0x0  }
0x153: {  	[sflag:s6] =	ssyncadd.s32 @!p0 $0xFFFFA000  }
0x154: {  	v3 =	vld @!p0 [tilespmem:s11+$0x40];
	_ =	sdelay $0x4  }
0x155: {  	v4 =	vshrl.u32 @!p0 v3, $0x3  }
0x156: {  	v4 =	vmul.u32 @!p0 $0x30, v4  }
0x157: {  	v5 =	vlaneseq.u32 @!p0;
	v3 =	vand.u32 @!p0 $0x7, v3  }
0x158: {  	v6 =	vshrl.u32 @!p0 v5, $0x3;
	v3 =	vor.u32 @!p0 v3, v4;
	v4 =	vand.u32 @!p0 $0x7, v5  }
0x159: {  	v6 =	vmul.u32 @!p0 $0x8, v6;
	v7 =	vperm.xlane @!p0 v3, v4;
	_ =	sdelay $0x1  }
0x15a: {  	v7 =	vadd.s32 @!p0 v6, v7;
	_ =	sdelay $0x2  }
0x15b: {  	v5 =	vor.u32 @!p0 $0x8, v5  }
0x15c: {  	vm1 =	vmmov @!p0 $0xffff;
	s7 =	simm.s32 @!p0 $0xC100;
	s6 =	simm.s32 @!p0 $0x0;
	v3 =	vperm.xlane @!p0 v3, v5  }
0x15d: {  	[tilespmem:s7], [sflag:$0x4] =	stream.indirect_vreg.gather @!p0 [hbm4b:s1+s6], $0x80, v7, vm1, $0xb8;
	[tilespmem:$0x18100] =	vst v63  }
0x15e: {  	v3 =	vadd.s32 @!p0 v6, v3;
	s7 =	simm.s32 @!p0 $0xC900  }
0x15f: {  	[tilespmem:s7], [sflag:$0x4] =	stream.indirect_vreg.gather @!p0 [hbm4b:s12+s6], $0x80, v7, vm1, $0xb8;
	[tilespmem:$0x18100] =	vst v63  }
0x160: {  	s7 =	simm.s32 @!p0 $0xD100  }
0x161: {  	[tilespmem:s7], [sflag:$0x4] =	stream.indirect_vreg.gather @!p0 [hbm4b:s13+s6], $0x80, v7, vm1, $0xb8;
	[tilespmem:$0x18100] =	vst v63  }
0x162: {  	s7 =	simm.s32 @!p0 $0xD900  }
0x163: {  	[tilespmem:s7], [sflag:$0x4] =	stream.indirect_vreg.gather @!p0 [hbm4b:s1+s6], $0x80, v3, vm1, $0xb8;
	[tilespmem:$0x18100] =	vst v63  }
0x164: {  	s7 =	simm.s32 @!p0 $0xE100  }
0x165: {  	[tilespmem:s7], [sflag:$0x4] =	stream.indirect_vreg.gather @!p0 [hbm4b:s12+s6], $0x80, v3, vm1, $0xb8;
	[tilespmem:$0x18100] =	vst v63  }
0x166: {  	s7 =	simm.s32 @!p0 $0xE900  }
0x167: {  	[tilespmem:s7], [sflag:$0x4] =	stream.indirect_vreg.gather @!p0 [hbm4b:s13+s6], $0x80, v3, vm1, $0xb8;
	[tilespmem:$0x18100] =	vst v63  }
0x168: {  	v3 =	vld @!p0 [tilespmem:s11+$0x50];
	_ =	sdelay $0x4  }
0x169: {  	v7 =	vshrl.u32 @!p0 v3, $0x3  }
0x16a: {  	v7 =	vmul.u32 @!p0 $0x30, v7  }
0x16b: {  	v3 =	vand.u32 @!p0 $0x7, v3  }
0x16c: {  	v3 =	vor.u32 @!p0 v3, v7  }
0x16d: {  	v4 =	vperm.xlane @!p0 v3, v4;
	_ =	sdelay $0x1  }
0x16e: {  	v4 =	vadd.s32 @!p0 v6, v4;
	_ =	sdelay $0x3  }
0x16f: {  	s7 =	simm.s32 @!p0 $0xF100;
	v3 =	vperm.xlane @!p0 v3, v5  }
0x170: {  	[tilespmem:s7], [sflag:$0x4] =	stream.indirect_vreg.gather @!p0 [hbm4b:s1+s6], $0x80, v4, vm1, $0xb8;
	[tilespmem:$0x18100] =	vst v63  }
0x171: {  	v3 =	vadd.s32 @!p0 v6, v3;
	s7 =	simm.s32 @!p0 $0xF900  }
0x172: {  	[tilespmem:s7], [sflag:$0x4] =	stream.indirect_vreg.gather @!p0 [hbm4b:s12+s6], $0x80, v4, vm1, $0xb8;
	[tilespmem:$0x18100] =	vst v63  }
0x173: {  	s7 =	simm.s32 @!p0 $0x10100  }
0x174: {  	[tilespmem:s7], [sflag:$0x4] =	stream.indirect_vreg.gather @!p0 [hbm4b:s13+s6], $0x80, v4, vm1, $0xb8;
	[tilespmem:$0x18100] =	vst v63  }
0x175: {  	s7 =	simm.s32 @!p0 $0x10900  }
0x176: {  	[tilespmem:s7], [sflag:$0x4] =	stream.indirect_vreg.gather @!p0 [hbm4b:s1+s6], $0x80, v3, vm1, $0xb8;
	[tilespmem:$0x18100] =	vst v63  }
0x177: {  	s7 =	simm.s32 @!p0 $0x11100  }
0x178: {  	[tilespmem:s7], [sflag:$0x4] =	stream.indirect_vreg.gather @!p0 [hbm4b:s12+s6], $0x80, v3, vm1, $0xb8;
	[tilespmem:$0x18100] =	vst v63  }
0x179: {  	s15 =	simm.s32 $0x0;
	s7 =	simm.s32 @!p0 $0x11900  }
0x17a: {  	[tilespmem:s7], [sflag:$0x4] =	stream.indirect_vreg.gather @!p0 [hbm4b:s13+s6], $0x80, v3, vm1, $0xb8;
	[tilespmem:$0x18100] =	vst v63  }
0x17b: {  	s11 =	simm.s32 $0x0;
	s6 =	smul.u32 $0x1800, s15;
	_ =	swait.ge [sflag:s0], $0x6000  }
0x17c: {  	s16 =	sand.u32 $0x380, s11;
	[sflag:s0] =	ssyncset.done $0x0  }
0x17d: {  	s6 =	sor.u32 s16, s6;
	[sflag:s0] =	ssyncadd.s32 $0xFFFFA000  }
0x17e: {  	v12 =	vld [tilespmem:s6+$0x6100]  }
0x17f: {  	v13 =	vld [tilespmem:s6+$0x6110]  }
0x180: {  	v14 =	vld [tilespmem:s6+$0x6120]  }
0x181: {  	v15 =	vld [tilespmem:s6+$0x6130]  }
0x182: {  	v16 =	vld [tilespmem:s6+$0x6140]  }
0x183: {  	v17 =	vld [tilespmem:s6+$0x6150]  }
0x184: {  	v18 =	vld [tilespmem:s6+$0x6160]  }
0x185: {  	v19 =	vld [tilespmem:s6+$0x6170]  }
0x186: {  	v20 =	vld [tilespmem:s6+$0x6500]  }
0x187: {  	v21 =	vld [tilespmem:s6+$0x6510]  }
0x188: {  	v22 =	vld [tilespmem:s6+$0x6520]  }
0x189: {  	v23 =	vld [tilespmem:s6+$0x6530]  }
0x18a: {  	v24 =	vld [tilespmem:s6+$0x6540]  }
0x18b: {  	v25 =	vld [tilespmem:s6+$0x6550]  }
0x18c: {  	v26 =	vld [tilespmem:s6+$0x6560]  }
0x18d: {  	v27 =	vld [tilespmem:s6+$0x6570]  }
0x18e: {  	v28 =	vld [tilespmem:s6+$0x6900]  }
0x18f: {  	v29 =	vld [tilespmem:s6+$0x6910]  }
0x190: {  	v30 =	vld [tilespmem:s6+$0x6920]  }
0x191: {  	v31 =	vld [tilespmem:s6+$0x6930]  }
0x192: {  	v32 =	vld [tilespmem:s6+$0x6940]  }
0x193: {  	v33 =	vld [tilespmem:s6+$0x6950]  }
0x194: {  	v34 =	vld [tilespmem:s6+$0x6960]  }
0x195: {  	v35 =	vld [tilespmem:s6+$0x6970]  }
0x196: {  	v36 =	vld [tilespmem:s6+$0x6D00]  }
0x197: {  	v37 =	vld [tilespmem:s6+$0x6D10]  }
0x198: {  	v38 =	vld [tilespmem:s6+$0x6D20]  }
0x199: {  	v39 =	vld [tilespmem:s6+$0x6D30]  }
0x19a: {  	v40 =	vld [tilespmem:s6+$0x6D40]  }
0x19b: {  	v41 =	vld [tilespmem:s6+$0x6D50]  }
0x19c: {  	v42 =	vld [tilespmem:s6+$0x6D60]  }
0x19d: {  	v43 =	vld [tilespmem:s6+$0x6D70]  }
0x19e: {  	v44 =	vld [tilespmem:s6+$0x7100]  }
0x19f: {  	v45 =	vld [tilespmem:s6+$0x7110]  }
0x1a0: {  	v46 =	vld [tilespmem:s6+$0x7120]  }
0x1a1: {  	v47 =	vld [tilespmem:s6+$0x7130]  }
0x1a2: {  	v48 =	vld [tilespmem:s6+$0x7140]  }
0x1a3: {  	v49 =	vld [tilespmem:s6+$0x7150]  }
0x1a4: {  	v50 =	vld [tilespmem:s6+$0x7160]  }
0x1a5: {  	v11 =	vld [tilespmem:s6+$0x7170]  }
0x1a6: {  	v10 =	vld [tilespmem:s6+$0x7500]  }
0x1a7: {  	v9 =	vld [tilespmem:s6+$0x7510]  }
0x1a8: {  	v8 =	vld [tilespmem:s6+$0x7520]  }
0x1a9: {  	v7 =	vld [tilespmem:s6+$0x7530]  }
0x1aa: {  	v6 =	vld [tilespmem:s6+$0x7540]  }
0x1ab: {  	v51 =	vld [tilespmem:s6+$0x12100]  }
0x1ac: {  	v52 =	vld [tilespmem:s6+$0x12110]  }
0x1ad: {  	v53 =	vld [tilespmem:s6+$0x12120]  }
0x1ae: {  	v54 =	vld [tilespmem:s6+$0x12130]  }
0x1af: {  	v55 =	vld [tilespmem:s6+$0x12140]  }
0x1b0: {  	v62 =	vld [tilespmem:s6+$0x12150];
	v12 =	vadd.f32 v12, v51  }
0x1b1: {  	v63 =	vld [tilespmem:s6+$0x12160];
	v13 =	vadd.f32 v13, v52  }
0x1b2: {  	[tilespmem:s6+$0x12100] =	vst v12;
	v12 =	vadd.f32 v14, v53;
	v14 =	vld [tilespmem:s6+$0x12170]  }
0x1b3: {  	[tilespmem:s6+$0x12110] =	vst v13;
	v13 =	vadd.f32 v15, v54;
	v15 =	vld [tilespmem:s6+$0x12500]  }
0x1b4: {  	[tilespmem:s6+$0x12120] =	vst v12;
	v12 =	vadd.f32 v16, v55;
	v16 =	vld [tilespmem:s6+$0x12510]  }
0x1b5: {  	[tilespmem:s6+$0x12130] =	vst v13;
	v13 =	vadd.f32 v17, v62;
	v17 =	vld [tilespmem:s6+$0x12520]  }
0x1b6: {  	v5 =	vld [tilespmem:s6+$0x7550]  }
0x1b7: {  	[tilespmem:s6+$0x12140] =	vst v12;
	v12 =	vadd.f32 v18, v63;
	v18 =	vld [tilespmem:s6+$0x12570]  }
0x1b8: {  	[tilespmem:s6+$0x12150] =	vst v13;
	v13 =	vadd.f32 v19, v14;
	v14 =	vld [tilespmem:s6+$0x12530]  }
0x1b9: {  	[tilespmem:s6+$0x12160] =	vst v12;
	v12 =	vadd.f32 v20, v15;
	v15 =	vld [tilespmem:s6+$0x12540]  }
0x1ba: {  	[tilespmem:s6+$0x12170] =	vst v13;
	v13 =	vadd.f32 v21, v16;
	v16 =	vadd.f32 v22, v17;
	v17 =	vld [tilespmem:s6+$0x12560]  }
0x1bb: {  	[tilespmem:s6+$0x12500] =	vst v12;
	v12 =	vld [tilespmem:s6+$0x12550]  }
0x1bc: {  	[tilespmem:s6+$0x12510] =	vst v13;
	v13 =	vld [tilespmem:s6+$0x12900];
	v18 =	vadd.f32 v27, v18  }
0x1bd: {  	[tilespmem:s6+$0x12520] =	vst v16;
	v16 =	vld [tilespmem:s6+$0x12910];
	v14 =	vadd.f32 v23, v14  }
0x1be: {  	v4 =	vld [tilespmem:s6+$0x7560];
	v15 =	vadd.f32 v24, v15;
	[tilespmem:s6+$0x12570] =	vst v18  }
0x1bf: {  	[tilespmem:s6+$0x12530] =	vst v14;
	v14 =	vld [tilespmem:s6+$0x12920];
	v17 =	vadd.f32 v26, v17  }
0x1c0: {  	v12 =	vadd.f32 v25, v12;
	[tilespmem:s6+$0x12540] =	vst v15;
	v15 =	vld [tilespmem:s6+$0x12930]  }
0x1c1: {  	v18 =	vld [tilespmem:s6+$0x12970];
	[tilespmem:s6+$0x12560] =	vst v17;
	v13 =	vadd.f32 v28, v13  }
0x1c2: {  	v16 =	vadd.f32 v29, v16;
	[tilespmem:s6+$0x12550] =	vst v12;
	v12 =	vld [tilespmem:s6+$0x12940]  }
0x1c3: {  	v17 =	vld [tilespmem:s6+$0x12950];
	[tilespmem:s6+$0x12900] =	vst v13  }
0x1c4: {  	[tilespmem:s6+$0x12910] =	vst v16;
	v16 =	vld [tilespmem:s6+$0x12960];
	v13 =	vadd.f32 v30, v14  }
0x1c5: {  	v14 =	vld [tilespmem:s6+$0x12D00];
	v15 =	vadd.f32 v31, v15  }
0x1c6: {  	[tilespmem:s6+$0x12920] =	vst v13;
	v13 =	vld [tilespmem:s6+$0x12D10]  }
0x1c7: {  	v12 =	vadd.f32 v32, v12;
	[tilespmem:s6+$0x12930] =	vst v15;
	v15 =	vld [tilespmem:s6+$0x12D20]  }
0x1c8: {  	v3 =	vld [tilespmem:s6+$0x7570];
	v17 =	vadd.f32 v33, v17  }
0x1c9: {  	v16 =	vadd.f32 v34, v16;
	[tilespmem:s6+$0x12940] =	vst v12;
	v12 =	vld [tilespmem:s6+$0x12D30]  }
0x1ca: {  	[tilespmem:s6+$0x12950] =	vst v17;
	v17 =	vld [tilespmem:s6+$0x12D40];
	v14 =	vadd.f32 v36, v14  }
0x1cb: {  	v18 =	vadd.f32 v35, v18;
	[tilespmem:s6+$0x12960] =	vst v16;
	v16 =	vld [tilespmem:s6+$0x12D50]  }
0x1cc: {  	v13 =	vadd.f32 v37, v13;
	[tilespmem:s6+$0x12D00] =	vst v14;
	v14 =	vadd.f32 v38, v15;
	v15 =	vld [tilespmem:s6+$0x12D60]  }
0x1cd: {  	[tilespmem:s6+$0x12970] =	vst v18;
	v18 =	vld [tilespmem:s6+$0x12D70]  }
0x1ce: {  	[tilespmem:s6+$0x12D10] =	vst v13;
	v13 =	vld [tilespmem:s6+$0x13100];
	v12 =	vadd.f32 v39, v12  }
0x1cf: {  	v17 =	vadd.f32 v40, v17;
	[tilespmem:s6+$0x12D20] =	vst v14;
	v14 =	vld [tilespmem:s6+$0x13110]  }
0x1d0: {  	v16 =	vadd.f32 v41, v16;
	[tilespmem:s6+$0x12D30] =	vst v12;
	v12 =	vld [tilespmem:s6+$0x13120]  }
0x1d1: {  	[tilespmem:s6+$0x12D40] =	vst v17;
	v17 =	vld [tilespmem:s6+$0x13130];
	v15 =	vadd.f32 v42, v15  }
0x1d2: {  	v19 =	vld [tilespmem:s6+$0x13140];
	[tilespmem:s6+$0x12D50] =	vst v16;
	v16 =	vadd.f32 v43, v18  }
0x1d3: {  	v18 =	vld [tilespmem:s6+$0x13150];
	v13 =	vadd.f32 v44, v13;
	[tilespmem:s6+$0x12D60] =	vst v15  }
0x1d4: {  	v20 =	vld [tilespmem:s6+$0x13160];
	[tilespmem:s6+$0x12D70] =	vst v16;
	v14 =	vadd.f32 v45, v14  }
0x1d5: {  	v16 =	vld [tilespmem:s6+$0x13170];
	[tilespmem:s6+$0x13100] =	vst v13;
	v12 =	vadd.f32 v46, v12  }
0x1d6: {  	v15 =	vld [tilespmem:s6+$0x13500];
	v13 =	vadd.f32 v47, v17;
	[tilespmem:s6+$0x13110] =	vst v14  }
0x1d7: {  	v14 =	vld [tilespmem:s6+$0x13510];
	[tilespmem:s6+$0x13120] =	vst v12;
	v12 =	vadd.f32 v48, v19  }
0x1d8: {  	[tilespmem:s6+$0x13130] =	vst v13;
	v13 =	vld [tilespmem:s6+$0x13520];
	v18 =	vadd.f32 v49, v18  }
0x1d9: {  	s15 =	simm.s32 $0x1;
	v17 =	vadd.f32 v50, v20;
	[tilespmem:s6+$0x13140] =	vst v12;
	v12 =	vld [tilespmem:s6+$0x13530]  }
.LBB2_5:
0x1da: {  	s7 =	sshrl.u32 s15, $0x3;
	p0 =	sne.s32 s15, $0x1F;
	[tilespmem:s6+$0x13150] =	vst v18;
	v11 =	vadd.f32 v11, v16;
	v16 =	vld [tilespmem:s6+$0x13540]  }
0x1db: {  	s11 =	sadd.s32 $0x80, s11;
	s7 =	smul.u32 $0x1800, s7;
	[tilespmem:s6+$0x13160] =	vst v17;
	v10 =	vadd.f32 v10, v15;
	v15 =	vld [tilespmem:s6+$0x13550]  }
0x1dc: {  	s16 =	sand.u32 $0x380, s11;
	[tilespmem:s6+$0x13170] =	vst v11;
	v9 =	vadd.f32 v9, v14;
	v11 =	vld [tilespmem:s6+$0x13560]  }
0x1dd: {  	s7 =	sor.u32 s16, s7;
	[tilespmem:s6+$0x13500] =	vst v10;
	v8 =	vadd.f32 v8, v13;
	v10 =	vld [tilespmem:s6+$0x13570]  }
0x1de: {  	v39 =	vld [tilespmem:s7+$0x6100];
	[tilespmem:s6+$0x13510] =	vst v9;
	v7 =	vadd.f32 v7, v12  }
0x1df: {  	v40 =	vld [tilespmem:s7+$0x6110];
	[tilespmem:s6+$0x13520] =	vst v8;
	v6 =	vadd.f32 v6, v16  }
0x1e0: {  	v41 =	vld [tilespmem:s7+$0x6120];
	[tilespmem:s6+$0x13530] =	vst v7;
	v5 =	vadd.f32 v5, v15  }
0x1e1: {  	v42 =	vld [tilespmem:s7+$0x6130];
	[tilespmem:s6+$0x13540] =	vst v6;
	v4 =	vadd.f32 v4, v11  }
0x1e2: {  	v43 =	vld [tilespmem:s7+$0x6140];
	[tilespmem:s6+$0x13550] =	vst v5;
	v3 =	vadd.f32 v3, v10  }
0x1e3: {  	v44 =	vld [tilespmem:s7+$0x6150];
	[tilespmem:s6+$0x13560] =	vst v4  }
0x1e4: {  	v45 =	vld [tilespmem:s7+$0x6160];
	[tilespmem:s6+$0x13570] =	vst v3;
	s6 =	smov.u32 s7  }
0x1e5: {  	v46 =	vld [tilespmem:s6+$0x6170]  }
0x1e6: {  	v47 =	vld [tilespmem:s6+$0x6500]  }
0x1e7: {  	v48 =	vld [tilespmem:s6+$0x6510]  }
0x1e8: {  	v49 =	vld [tilespmem:s6+$0x6520]  }
0x1e9: {  	v50 =	vld [tilespmem:s6+$0x6530]  }
0x1ea: {  	v38 =	vld [tilespmem:s6+$0x6540]  }
0x1eb: {  	v37 =	vld [tilespmem:s6+$0x6550]  }
0x1ec: {  	v36 =	vld [tilespmem:s6+$0x6560]  }
0x1ed: {  	v35 =	vld [tilespmem:s6+$0x6570]  }
0x1ee: {  	v34 =	vld [tilespmem:s6+$0x6900]  }
0x1ef: {  	v33 =	vld [tilespmem:s6+$0x6910]  }
0x1f0: {  	v32 =	vld [tilespmem:s6+$0x6920]  }
0x1f1: {  	v31 =	vld [tilespmem:s6+$0x6930]  }
0x1f2: {  	v30 =	vld [tilespmem:s6+$0x6940]  }
0x1f3: {  	v29 =	vld [tilespmem:s6+$0x6950]  }
0x1f4: {  	v28 =	vld [tilespmem:s6+$0x6960]  }
0x1f5: {  	v27 =	vld [tilespmem:s6+$0x6970]  }
0x1f6: {  	v26 =	vld [tilespmem:s6+$0x6D00]  }
0x1f7: {  	v25 =	vld [tilespmem:s6+$0x6D10]  }
0x1f8: {  	v24 =	vld [tilespmem:s6+$0x6D20]  }
0x1f9: {  	v23 =	vld [tilespmem:s6+$0x6D30]  }
0x1fa: {  	v22 =	vld [tilespmem:s6+$0x6D40]  }
0x1fb: {  	v21 =	vld [tilespmem:s6+$0x6D50]  }
0x1fc: {  	v20 =	vld [tilespmem:s6+$0x6D60]  }
0x1fd: {  	v19 =	vld [tilespmem:s6+$0x6D70]  }
0x1fe: {  	v18 =	vld [tilespmem:s6+$0x7100]  }
0x1ff: {  	v17 =	vld [tilespmem:s6+$0x7110]  }
0x200: {  	v16 =	vld [tilespmem:s6+$0x7120]  }
0x201: {  	v15 =	vld [tilespmem:s6+$0x7130]  }
0x202: {  	v14 =	vld [tilespmem:s6+$0x7140]  }
0x203: {  	v13 =	vld [tilespmem:s6+$0x7150]  }
0x204: {  	v12 =	vld [tilespmem:s6+$0x7160]  }
0x205: {  	v11 =	vld [tilespmem:s6+$0x7170]  }
0x206: {  	v10 =	vld [tilespmem:s6+$0x7500]  }
0x207: {  	v9 =	vld [tilespmem:s6+$0x7510]  }
0x208: {  	v8 =	vld [tilespmem:s6+$0x7520]  }
0x209: {  	v7 =	vld [tilespmem:s6+$0x7530]  }
0x20a: {  	v6 =	vld [tilespmem:s6+$0x7540]  }
0x20b: {  	v5 =	vld [tilespmem:s6+$0x7550]  }
0x20c: {  	v4 =	vld [tilespmem:s6+$0x7560]  }
0x20d: {  	v3 =	vld [tilespmem:s6+$0x7570]  }
0x20e: {  	v51 =	vld [tilespmem:s6+$0x12100]  }
0x20f: {  	v52 =	vld [tilespmem:s6+$0x12110]  }
0x210: {  	v53 =	vld [tilespmem:s6+$0x12120]  }
0x211: {  	v54 =	vld [tilespmem:s6+$0x12130]  }
0x212: {  	v55 =	vld [tilespmem:s6+$0x12140]  }
0x213: {  	v39 =	vadd.f32 v39, v51;
	v51 =	vld [tilespmem:s6+$0x12150]  }
0x214: {  	v40 =	vadd.f32 v40, v52;
	v52 =	vld [tilespmem:s6+$0x12160]  }
0x215: {  	[tilespmem:s6+$0x12100] =	vst v39;
	v39 =	vadd.f32 v41, v53;
	v41 =	vld [tilespmem:s6+$0x12170]  }
0x216: {  	[tilespmem:s6+$0x12110] =	vst v40;
	v40 =	vadd.f32 v42, v54;
	v42 =	vld [tilespmem:s6+$0x12500]  }
0x217: {  	[tilespmem:s6+$0x12120] =	vst v39;
	v39 =	vadd.f32 v43, v55;
	v43 =	vld [tilespmem:s6+$0x12510]  }
0x218: {  	[tilespmem:s6+$0x12130] =	vst v40;
	v40 =	vadd.f32 v44, v51;
	v44 =	vld [tilespmem:s6+$0x12520]  }
0x219: {  	[tilespmem:s6+$0x12140] =	vst v39;
	v39 =	vadd.f32 v45, v52;
	v45 =	vld [tilespmem:s6+$0x12530]  }
0x21a: {  	[tilespmem:s6+$0x12150] =	vst v40;
	v40 =	vadd.f32 v46, v41;
	v41 =	vld [tilespmem:s6+$0x12540]  }
0x21b: {  	[tilespmem:s6+$0x12160] =	vst v39;
	v39 =	vadd.f32 v47, v42;
	v42 =	vld [tilespmem:s6+$0x12550]  }
0x21c: {  	[tilespmem:s6+$0x12170] =	vst v40;
	v40 =	vadd.f32 v48, v43;
	v43 =	vld [tilespmem:s6+$0x12560]  }
0x21d: {  	[tilespmem:s6+$0x12500] =	vst v39;
	v39 =	vadd.f32 v49, v44;
	v44 =	vld [tilespmem:s6+$0x12570]  }
0x21e: {  	[tilespmem:s6+$0x12510] =	vst v40;
	v40 =	vadd.f32 v50, v45;
	v45 =	vld [tilespmem:s6+$0x12900]  }
0x21f: {  	[tilespmem:s6+$0x12520] =	vst v39;
	v38 =	vadd.f32 v38, v41;
	v39 =	vld [tilespmem:s6+$0x12910]  }
0x220: {  	[tilespmem:s6+$0x12530] =	vst v40;
	v37 =	vadd.f32 v37, v42;
	v40 =	vld [tilespmem:s6+$0x12920]  }
0x221: {  	[tilespmem:s6+$0x12540] =	vst v38;
	v36 =	vadd.f32 v36, v43;
	v38 =	vld [tilespmem:s6+$0x12930]  }
0x222: {  	[tilespmem:s6+$0x12550] =	vst v37;
	v35 =	vadd.f32 v35, v44;
	v37 =	vld [tilespmem:s6+$0x12940]  }
0x223: {  	[tilespmem:s6+$0x12560] =	vst v36;
	v34 =	vadd.f32 v34, v45;
	v36 =	vld [tilespmem:s6+$0x12950]  }
0x224: {  	[tilespmem:s6+$0x12570] =	vst v35;
	v33 =	vadd.f32 v33, v39;
	v35 =	vld [tilespmem:s6+$0x12960]  }
0x225: {  	[tilespmem:s6+$0x12900] =	vst v34;
	v32 =	vadd.f32 v32, v40;
	v34 =	vld [tilespmem:s6+$0x12970]  }
0x226: {  	[tilespmem:s6+$0x12910] =	vst v33;
	v31 =	vadd.f32 v31, v38;
	v33 =	vld [tilespmem:s6+$0x12D00]  }
0x227: {  	[tilespmem:s6+$0x12920] =	vst v32;
	v30 =	vadd.f32 v30, v37;
	v32 =	vld [tilespmem:s6+$0x12D10]  }
0x228: {  	[tilespmem:s6+$0x12930] =	vst v31;
	v29 =	vadd.f32 v29, v36;
	v31 =	vld [tilespmem:s6+$0x12D20]  }
0x229: {  	[tilespmem:s6+$0x12940] =	vst v30;
	v28 =	vadd.f32 v28, v35;
	v30 =	vld [tilespmem:s6+$0x12D30]  }
0x22a: {  	[tilespmem:s6+$0x12950] =	vst v29;
	v27 =	vadd.f32 v27, v34;
	v29 =	vld [tilespmem:s6+$0x12D40]  }
0x22b: {  	[tilespmem:s6+$0x12960] =	vst v28;
	v26 =	vadd.f32 v26, v33;
	v28 =	vld [tilespmem:s6+$0x12D50]  }
0x22c: {  	[tilespmem:s6+$0x12970] =	vst v27;
	v25 =	vadd.f32 v25, v32;
	v27 =	vld [tilespmem:s6+$0x12D60]  }
0x22d: {  	[tilespmem:s6+$0x12D00] =	vst v26;
	v24 =	vadd.f32 v24, v31;
	v26 =	vld [tilespmem:s6+$0x12D70]  }
0x22e: {  	[tilespmem:s6+$0x12D10] =	vst v25;
	v23 =	vadd.f32 v23, v30;
	v25 =	vld [tilespmem:s6+$0x13100]  }
0x22f: {  	[tilespmem:s6+$0x12D20] =	vst v24;
	v22 =	vadd.f32 v22, v29;
	v24 =	vld [tilespmem:s6+$0x13110]  }
0x230: {  	[tilespmem:s6+$0x12D30] =	vst v23;
	v21 =	vadd.f32 v21, v28;
	v23 =	vld [tilespmem:s6+$0x13120]  }
0x231: {  	[tilespmem:s6+$0x12D40] =	vst v22;
	v20 =	vadd.f32 v20, v27;
	v22 =	vld [tilespmem:s6+$0x13130]  }
0x232: {  	[tilespmem:s6+$0x12D50] =	vst v21;
	v19 =	vadd.f32 v19, v26;
	v21 =	vld [tilespmem:s6+$0x13140]  }
0x233: {  	[tilespmem:s6+$0x12D60] =	vst v20;
	v18 =	vadd.f32 v18, v25;
	v20 =	vld [tilespmem:s6+$0x13150]  }
0x234: {  	[tilespmem:s6+$0x12D70] =	vst v19;
	v17 =	vadd.f32 v17, v24;
	v19 =	vld [tilespmem:s6+$0x13160]  }
.Ltmp1:
0x235: {  	[tilespmem:s6+$0x13100] =	vst v18;
	v18 =	vadd.f32 v16, v23;
	v16 =	vld [tilespmem:s6+$0x13170];
	(pc) =	sbr.rel @p0 .LBB2_5-.Ltmp1, $4  }
0x236: {  	[tilespmem:s6+$0x13110] =	vst v17;
	v17 =	vadd.f32 v15, v22;
	v15 =	vld [tilespmem:s6+$0x13500]  }
0x237: {  	[tilespmem:s6+$0x13120] =	vst v18;
	v21 =	vadd.f32 v14, v21;
	v14 =	vld [tilespmem:s6+$0x13510]  }
0x238: {  	[tilespmem:s6+$0x13130] =	vst v17;
	v18 =	vadd.f32 v13, v20;
	v13 =	vld [tilespmem:s6+$0x13520]  }
0x239: {  	s15 =	sadd.s32 $0x1, s15;
	[tilespmem:s6+$0x13140] =	vst v21;
	v17 =	vadd.f32 v12, v19;
	v12 =	vld [tilespmem:s6+$0x13530]  }
0x23a: {  	[tilespmem:s6+$0x13150] =	vst v18;
	v60 =	vld [tilespmem:s6+$0x13540];
	v11 =	vadd.f32 v11, v16  }
0x23b: {  	v61 =	vld [tilespmem:s6+$0x13550];
	[tilespmem:s6+$0x13160] =	vst v17;
	v10 =	vadd.f32 v10, v15  }
0x23c: {  	v62 =	vld [tilespmem:s6+$0x13560];
	[tilespmem:s6+$0x13170] =	vst v11;
	v9 =	vadd.f32 v9, v14  }
0x23d: {  	v63 =	vld [tilespmem:s6+$0x13570];
	[tilespmem:s6+$0x13500] =	vst v10;
	v8 =	vadd.f32 v8, v13  }
0x23e: {  	[tilespmem:s6+$0x13510] =	vst v9;
	v7 =	vadd.f32 v7, v12  }
0x23f: {  	s10 =	sadd.s32 $0x1, s10;
	[tilespmem:s6+$0x13520] =	vst v8;
	v6 =	vadd.f32 v6, v60  }
0x240: {  	s7 =	smul.u32 $0x1800, s14;
	p0 =	sne.s32 s10, $0x4;
	v5 =	vadd.f32 v5, v61;
	[tilespmem:s6+$0x13530] =	vst v7  }
.Ltmp2:
0x241: {  	v4 =	vadd.f32 v4, v62;
	[tilespmem:s6+$0x13540] =	vst v6;
	(pc) =	sbr.rel @p0 .LBB2_2-.Ltmp2, $4  }
0x242: {  	s7 =	sshrl.u32 s7, $0x3;
	v3 =	vadd.f32 v3, v63;
	[tilespmem:s6+$0x13550] =	vst v5  }
0x243: {  	s7 =	sadd.s32 s3, s7;
	[tilespmem:s6+$0x13560] =	vst v4  }
0x244: {  	s16 =	sadd.s32 $0xC00, s7;
	[tilespmem:s6+$0x13570] =	vst v3  }
0x245: {  	[hbm4b:s16+s5] =	stream.linear.scatter [tilespmem:s17], [sflag:$0x7], $0x6000, $0x38;
	[tilespmem:$0x18100] =	vst v63  }
0x246: {  	s6 =	simm.s32 $0x6  }
0x247: {  	_ =	swait.ge [sflag:s6], $0x6000  }
0x248: {  	[sflag:s6] =	ssyncset.done $0x0  }
0x249: {  	[sflag:s6] =	ssyncadd.s32 $0xFFFFA000  }
0x24a: {  	_ =	swait.ge [sflag:s8], $0x6000  }
0x24b: {  	s9 =	sadd.s32 $0x1, s9;
	s16 =	rddreg [dreg:$0xb]  }
0x24c: {  	p0 =	sne.s32 s9, s16  }
.Ltmp3:
0x24d: {  	_ = 	snop;
	(pc) =	sbr.rel @p0 .LBB2_1-.Ltmp3, $3  }
0x24e: {  	_ =	sdelay $0x1  }
0x24f: {  	[sflag:s8] =	ssyncset.done $0x0  }
0x250: {  	[sflag:s8] =	ssyncadd.s32 $0xFFFFA000  }
0x251: {  	_ =	sfence.sel $0x180000  }
0x252: {  	[bflag:$0x0] =	sbarrier.arrive $0xFFFF  }
0x253: {  	_ =	strace $0x90000047  }
0x254: {  	s0 =	stileid.u32;
	[bflag:$0x2] =	sbarrier.arrive $0xFFFF  }
0x255: {  	p0 =	sne.s32 s0, $0x0;
	s0 =	rddreg [dreg:$0x4]  }
0x256: {  	s0 =	sadd.s32 @!p0 $0x100000, s0  }
0x257: {  	[sflag:s0] =	ssyncadd.tile.s32 @!p0 $0x1;
	_ =	shalt  }
.Lfunc_end2:
_tile_overlayer_lowered:
.L_overlay_start_2:
0x258: {  	(tag) =	ssettag $0x2  }
0x259: {  	s0 =	rddreg [dreg:$0x0];
	s2 =	stileid.u32  }
0x25a: {  	s1 =	rddreg [dreg:$0x1];
	p0 =	sne.s32 s2, $0x0  }
0x25b: {  	s3 =	rddreg [dreg:$0x2];
	[bflag:$0x3] =	sbarrier.arrive $0xFFFF;
	s2 =	simm.s32 @!p0 $0x1C08  }
0x25c: {  	[timem:s3], [sflag:s2] =	dma.local @!p0 [hbm:s0], s1  }
0x25d: {  	s0 =	simm.s32 @!p0 $0x8  }
0x25e: {  	_ =	swait.ge @!p0 [sflag:s0], s1  }
0x25f: {  	s1 =	ssub.s32 @!p0 $0x0, s1;
	[sflag:s0] =	ssyncset.done @!p0 $0x0  }
0x260: {  	[sflag:s0] =	ssyncadd.s32 @!p0 s1  }
0x261: {  	[bflag:$0x3] =	sbarrier.arrive $0xFFFF  }
0x262: {  	_ =	shalt  }

</sc_bundles>
